<compile_context>
chip_gen: v7x
topology: tpu7x:2x2x1
jax: 0.10.2.dev20260603
libtpu: 0.0.44.dev20260713+nightly
codegen_flags: <defaults>
</compile_context>

<pallas_src>
import functools

import jax
import jax.numpy as jnp
from jax import lax
from jax.experimental import pallas as pl
from jax.experimental.pallas import tpu as pltpu, tpu_sc as plsc

NUM_NODES = 10000
D_FEAT = 128
NUM_EDGES = 320000

_NC = 2
_NS = 16
_NW = _NC * _NS
_B_PER_W = NUM_EDGES // _NW
_C = 16
_N_CHUNKS = _B_PER_W // _C
_NBUF = 5
_G = _N_CHUNKS // _NBUF
_LAG = 3


def _make_gather2():
    mesh = plsc.VectorSubcoreMesh(core_axis_name="c", subcore_axis_name="s")

    scratch = [
        pltpu.VMEM((_B_PER_W,), jnp.int32),
        pltpu.VMEM((_B_PER_W,), jnp.int32),
        pltpu.VMEM((_NBUF, _C, D_FEAT), jnp.float32),
        pltpu.VMEM((_NBUF, _C, D_FEAT), jnp.float32),
        pltpu.VMEM_SHARED((NUM_NODES, D_FEAT), jnp.float32),
    ] + [pltpu.SemaphoreType.DMA] * (4 * _NBUF + 2)

    @functools.partial(
        pl.kernel,
        mesh=mesh,
        out_type=[
            jax.ShapeDtypeStruct((NUM_EDGES, D_FEAT), jnp.float32),
            jax.ShapeDtypeStruct((NUM_EDGES, D_FEAT), jnp.float32),
        ],
        scratch_types=scratch,
    )
    def gather2(src_hbm, dst_hbm, table_hbm, out_i, out_j, *scr):
        idx_s, idx_d, rows_s, rows_d, tbl_sh = scr[0:5]
        sem_gs = scr[5:5 + _NBUF]
        sem_gd = scr[5 + _NBUF:5 + 2 * _NBUF]
        sem_ws = scr[5 + 2 * _NBUF:5 + 3 * _NBUF]
        sem_wd = scr[5 + 3 * _NBUF:5 + 4 * _NBUF]
        sem_stage, sem_idx = scr[5 + 4 * _NBUF:5 + 4 * _NBUF + 2]

        wid = lax.axis_index("s") * _NC + lax.axis_index("c")
        base = wid * _B_PER_W

        sid = lax.axis_index("s")
        rows_per_tile = 624
        stg = pl.ds(sid * rows_per_tile, rows_per_tile)
        cp_stage = pltpu.async_copy(table_hbm.at[stg], tbl_sh.at[stg], sem_stage)
        cp_is = pltpu.async_copy(src_hbm.at[wid], idx_s, sem_idx)
        cp_id = pltpu.async_copy(dst_hbm.at[wid], idx_d, sem_idx)

        @pl.when(sid == 0)
        def _copy_tail():
            tail = pl.ds(_NS * rows_per_tile, NUM_NODES - _NS * rows_per_tile)
            pltpu.async_copy(table_hbm.at[tail], tbl_sh.at[tail], sem_stage).wait()

        cp_stage.wait()
        cp_is.wait()
        cp_id.wait()
        plsc.subcore_barrier()

        def start_gather(ch, b):
            sl = pl.ds(ch * _C, _C)
            pltpu.async_copy(tbl_sh.at[idx_s.at[sl]], rows_s.at[b], sem_gs[b])
            pltpu.async_copy(tbl_sh.at[idx_d.at[sl]], rows_d.at[b], sem_gd[b])

        def wait_gather(b):
            sl = pl.ds(0, _C)
            pltpu.make_async_copy(tbl_sh.at[idx_s.at[sl]], rows_s.at[b], sem_gs[b]).wait()
            pltpu.make_async_copy(tbl_sh.at[idx_d.at[sl]], rows_d.at[b], sem_gd[b]).wait()

        def start_writeout(ch, b):
            off = base + ch * _C
            pltpu.async_copy(rows_s.at[b], out_j.at[pl.ds(off, _C)], sem_ws[b])
            pltpu.async_copy(rows_d.at[b], out_i.at[pl.ds(off, _C)], sem_wd[b])

        def wait_writeout(b):
            pltpu.make_async_copy(rows_s.at[b], out_j.at[pl.ds(0, _C)], sem_ws[b]).wait()
            pltpu.make_async_copy(rows_d.at[b], out_i.at[pl.ds(0, _C)], sem_wd[b]).wait()

        for b in range(_NBUF):
            start_gather(b, b)

        for b in range(_NBUF):
            if b >= _LAG:
                wait_writeout((b - _LAG) % _NBUF)
                start_gather(b - _LAG + _NBUF, (b - _LAG) % _NBUF)
            wait_gather(b)
            start_writeout(b, b)

        def body(g, carry):
            ch0 = g * _NBUF
            for b in range(_NBUF):
                ch = ch0 + b
                pb = (b + _NBUF - _LAG) % _NBUF
                wait_writeout(pb)
                start_gather(ch - _LAG + _NBUF, pb)
                wait_gather(b)
                start_writeout(ch, b)
            return carry

        lax.fori_loop(1, _G - 1, body, 0)

        ch0 = (_G - 1) * _NBUF
        for b in range(_NBUF):
            ch = ch0 + b
            pb = (b + _NBUF - _LAG) % _NBUF
            wait_writeout(pb)
            if ch - _LAG + _NBUF <= _N_CHUNKS - 1:
                start_gather(ch - _LAG + _NBUF, pb)
            wait_gather(b)
            start_writeout(ch, b)

        for ch in range(_G * _NBUF, _N_CHUNKS):
            b = ch % _NBUF
            wait_writeout((b + _NBUF - _LAG) % _NBUF)
            wait_gather(b)
            start_writeout(ch, b)

        for ch in range(_N_CHUNKS - _LAG, _N_CHUNKS):
            wait_writeout(ch % _NBUF)

    return gather2


_gather2 = _make_gather2()


def kernel(Wx, edge_index):
    idx = edge_index.astype(jnp.int32).reshape(2, _NW, _B_PER_W)
    out_i, out_j = _gather2(idx[0], idx[1], Wx)
    return (out_i, out_j)

# --- scband reference (transcript-rebuilt; emitter-appended) ---
"""Pipeline reference for scband-gatstage2-gather-both-51994874085802 (READ-ONLY COPY).

The authoritative reference and input builder live on the scoring server;
editing this copy changes nothing except your own understanding.
"""

import jax, jax.numpy as jnp
import numpy as np

NUM_NODES = 10000
D_FEAT = 128
NUM_EDGES = 320000

def setup_inputs(seed: int = 0) -> dict:
    key = jax.random.key(seed)
    k1, k2 = jax.random.split(key)
    Wx = jax.random.normal(k1, (NUM_NODES, D_FEAT), dtype=jnp.float32)
    edge_index = jax.random.randint(k2, (2, NUM_EDGES), 0, NUM_NODES, dtype=jnp.int64)
    return {"Wx": Wx, "edge_index": edge_index}

def reference(Wx, edge_index):
    # GAT Stage 2: gather features for both endpoints of every edge.
    Wx_j = jnp.take(Wx, edge_index[0], axis=0)  # source features
    Wx_i = jnp.take(Wx, edge_index[1], axis=0)  # target features
    return (Wx_i, Wx_j)

if __name__ == "__main__":
    import jax
    _d = setup_inputs()
    print(jax.jit(kernel)(*tuple(_d.values())))

</pallas_src>

<mosaic_0001>
#map = affine_map<(d0, d1) -> (0, 0)>
module attributes {stable_mosaic.version = 14 : i64} {
  func.func @gather2(%arg0: i32, %arg1: i32, %arg2: memref<32x10000xi32, #tpu.memory_space<hbm>>, %arg3: memref<32x10000xi32, #tpu.memory_space<hbm>>, %arg4: memref<10000x128xf32, #tpu.memory_space<hbm>>, %arg5: memref<320000x128xf32, #tpu.memory_space<hbm>>, %arg6: memref<320000x128xf32, #tpu.memory_space<hbm>>, %arg7: memref<10000xi32, #tpu.memory_space<vmem>>, %arg8: memref<10000xi32, #tpu.memory_space<vmem>>, %arg9: memref<5x16x128xf32, #tpu.memory_space<vmem>>, %arg10: memref<5x16x128xf32, #tpu.memory_space<vmem>>, %arg11: memref<10000x128xf32, #tpu.memory_space<vmem_shared>>, %arg12: memref<!tpu.dma_semaphore, #tpu.memory_space<semaphore_mem>>, %arg13: memref<!tpu.dma_semaphore, #tpu.memory_space<semaphore_mem>>, %arg14: memref<!tpu.dma_semaphore, #tpu.memory_space<semaphore_mem>>, %arg15: memref<!tpu.dma_semaphore, #tpu.memory_space<semaphore_mem>>, %arg16: memref<!tpu.dma_semaphore, #tpu.memory_space<semaphore_mem>>, %arg17: memref<!tpu.dma_semaphore, #tpu.memory_space<semaphore_mem>>, %arg18: memref<!tpu.dma_semaphore, #tpu.memory_space<semaphore_mem>>, %arg19: memref<!tpu.dma_semaphore, #tpu.memory_space<semaphore_mem>>, %arg20: memref<!tpu.dma_semaphore, #tpu.memory_space<semaphore_mem>>, %arg21: memref<!tpu.dma_semaphore, #tpu.memory_space<semaphore_mem>>, %arg22: memref<!tpu.dma_semaphore, #tpu.memory_space<semaphore_mem>>, %arg23: memref<!tpu.dma_semaphore, #tpu.memory_space<semaphore_mem>>, %arg24: memref<!tpu.dma_semaphore, #tpu.memory_space<semaphore_mem>>, %arg25: memref<!tpu.dma_semaphore, #tpu.memory_space<semaphore_mem>>, %arg26: memref<!tpu.dma_semaphore, #tpu.memory_space<semaphore_mem>>, %arg27: memref<!tpu.dma_semaphore, #tpu.memory_space<semaphore_mem>>, %arg28: memref<!tpu.dma_semaphore, #tpu.memory_space<semaphore_mem>>, %arg29: memref<!tpu.dma_semaphore, #tpu.memory_space<semaphore_mem>>, %arg30: memref<!tpu.dma_semaphore, #tpu.memory_space<semaphore_mem>>, %arg31: memref<!tpu.dma_semaphore, #tpu.memory_space<semaphore_mem>>, %arg32: memref<!tpu.dma_semaphore, #tpu.memory_space<semaphore_mem>>, %arg33: memref<!tpu.dma_semaphore, #tpu.memory_space<semaphore_mem>>) attributes {dimension_semantics = [#tpu.dimension_semantics<core_parallel>, #tpu.dimension_semantics<subcore_parallel>], iteration_bounds = array<i64: 2, 16>, scalar_prefetch = 0 : i64, scratch_operands = 27 : i64, tpu.core_type = #tpu.core_type<sc_vector_subcore>, window_params = [{transform_indices = #map}, {transform_indices = #map}, {transform_indices = #map}, {transform_indices = #map}, {transform_indices = #map}]} {
    %mul3A = arith.constant 2 : i32
    %mul3A_0 = arith.muli %arg1, %mul3A : i32
    %add3A = arith.addi %mul3A_0, %arg0 : i32
    %mul3A_1 = arith.constant 10000 : i32
    %mul3A_2 = arith.muli %add3A, %mul3A_1 : i32
    %mul3A_3 = arith.constant 624 : i32
    %mul3A_4 = arith.muli %arg1, %mul3A_3 : i32
    %dma_start3A = arith.constant 0 : i32
    %dma_start3A_5 = tpu.memref_slice %arg11[%mul3A_4, %dma_start3A] : memref<10000x128xf32, #tpu.memory_space<vmem_shared>> -> memref<624x128xf32, #tpu.memory_space<vmem_shared>>
    %dma_start3A_6 = arith.constant 0 : i32
    %dma_start3A_7 = tpu.memref_slice %arg4[%mul3A_4, %dma_start3A_6] : memref<10000x128xf32, #tpu.memory_space<hbm>> -> memref<624x128xf32, #tpu.memory_space<hbm>>
    tpu.enqueue_dma source(%dma_start3A_7 : memref<624x128xf32, #tpu.memory_space<hbm>>) target(%dma_start3A_5 : memref<624x128xf32, #tpu.memory_space<vmem_shared>>) target_semaphore(%arg32 : memref<!tpu.dma_semaphore, #tpu.memory_space<semaphore_mem>>)
    %dma_start3A_8 = arith.constant 0 : i32
    %dma_start3A_9 = tpu.memref_slice %arg2[%add3A, %dma_start3A_8] : memref<32x10000xi32, #tpu.memory_space<hbm>> -> memref<1x10000xi32, #tpu.memory_space<hbm>>
    %dma_start3A_10 = tpu.memref_squeeze %dma_start3A_9 : memref<1x10000xi32, #tpu.memory_space<hbm>> -> memref<10000xi32, #tpu.memory_space<hbm>>
    %dma_start3A_11 = arith.constant 0 : i32
    %dma_start3A_12 = tpu.memref_slice %arg2[%add3A, %dma_start3A_11] : memref<32x10000xi32, #tpu.memory_space<hbm>> -> memref<1x10000xi32, #tpu.memory_space<hbm>>
    %dma_start3A_13 = tpu.memref_squeeze %dma_start3A_12 : memref<1x10000xi32, #tpu.memory_space<hbm>> -> memref<10000xi32, #tpu.memory_space<hbm>>
    tpu.enqueue_dma source(%dma_start3A_13 : memref<10000xi32, #tpu.memory_space<hbm>>) target(%arg7 : memref<10000xi32, #tpu.memory_space<vmem>>) target_semaphore(%arg33 : memref<!tpu.dma_semaphore, #tpu.memory_space<semaphore_mem>>)
    %dma_start3A_14 = arith.constant 0 : i32
    %dma_start3A_15 = tpu.memref_slice %arg3[%add3A, %dma_start3A_14] : memref<32x10000xi32, #tpu.memory_space<hbm>> -> memref<1x10000xi32, #tpu.memory_space<hbm>>
    %dma_start3A_16 = tpu.memref_squeeze %dma_start3A_15 : memref<1x10000xi32, #tpu.memory_space<hbm>> -> memref<10000xi32, #tpu.memory_space<hbm>>
    %dma_start3A_17 = arith.constant 0 : i32
    %dma_start3A_18 = tpu.memref_slice %arg3[%add3A, %dma_start3A_17] : memref<32x10000xi32, #tpu.memory_space<hbm>> -> memref<1x10000xi32, #tpu.memory_space<hbm>>
    %dma_start3A_19 = tpu.memref_squeeze %dma_start3A_18 : memref<1x10000xi32, #tpu.memory_space<hbm>> -> memref<10000xi32, #tpu.memory_space<hbm>>
    tpu.enqueue_dma source(%dma_start3A_19 : memref<10000xi32, #tpu.memory_space<hbm>>) target(%arg8 : memref<10000xi32, #tpu.memory_space<vmem>>) target_semaphore(%arg33 : memref<!tpu.dma_semaphore, #tpu.memory_space<semaphore_mem>>)
    %eq3A = arith.constant 0 : i32
    %eq3A_20 = arith.cmpi eq, %arg1, %eq3A : i32
    %convert_element_type3A = arith.extui %eq3A_20 : i1 to i32
    %cond3A = arith.constant 0 : i32
    %cond3A_21 = arith.cmpi ne, %convert_element_type3A, %cond3A : i32
    scf.if %cond3A_21 {
      %dma_start3A_1022 = arith.constant 9984 : i32
      %dma_start3A_1023 = arith.constant 0 : i32
      %dma_start3A_1024 = tpu.memref_slice %arg11[%dma_start3A_1022, %dma_start3A_1023] : memref<10000x128xf32, #tpu.memory_space<vmem_shared>> -> memref<16x128xf32, #tpu.memory_space<vmem_shared>>
      %dma_start3A_1025 = arith.constant 9984 : i32
      %dma_start3A_1026 = arith.constant 0 : i32
      %dma_start3A_1027 = tpu.memref_slice %arg4[%dma_start3A_1025, %dma_start3A_1026] : memref<10000x128xf32, #tpu.memory_space<hbm>> -> memref<16x128xf32, #tpu.memory_space<hbm>>
      tpu.enqueue_dma source(%dma_start3A_1027 : memref<16x128xf32, #tpu.memory_space<hbm>>) target(%dma_start3A_1024 : memref<16x128xf32, #tpu.memory_space<vmem_shared>>) target_semaphore(%arg32 : memref<!tpu.dma_semaphore, #tpu.memory_space<semaphore_mem>>)
      %dma_wait3A_1028 = arith.constant 9984 : i32
      %dma_wait3A_1029 = arith.constant 0 : i32
      %dma_wait3A_1030 = tpu.memref_slice %arg11[%dma_wait3A_1028, %dma_wait3A_1029] : memref<10000x128xf32, #tpu.memory_space<vmem_shared>> -> memref<16x128xf32, #tpu.memory_space<vmem_shared>>
      %dma_wait3A_1031 = arith.constant 9984 : i32
      %dma_wait3A_1032 = arith.constant 0 : i32
      %dma_wait3A_1033 = tpu.memref_slice %arg4[%dma_wait3A_1031, %dma_wait3A_1032] : memref<10000x128xf32, #tpu.memory_space<hbm>> -> memref<16x128xf32, #tpu.memory_space<hbm>>
      tpu.wait_dma2 semaphore(%arg32 : memref<!tpu.dma_semaphore, #tpu.memory_space<semaphore_mem>>) src(%dma_wait3A_1033 : memref<16x128xf32, #tpu.memory_space<hbm>>) dst(%dma_wait3A_1030 : memref<16x128xf32, #tpu.memory_space<vmem_shared>>)
    } else {
    }
    %dma_wait3A = arith.constant 0 : i32
    %dma_wait3A_22 = tpu.memref_slice %arg11[%mul3A_4, %dma_wait3A] : memref<10000x128xf32, #tpu.memory_space<vmem_shared>> -> memref<624x128xf32, #tpu.memory_space<vmem_shared>>
    %dma_wait3A_23 = arith.constant 0 : i32
    %dma_wait3A_24 = tpu.memref_slice %arg4[%mul3A_4, %dma_wait3A_23] : memref<10000x128xf32, #tpu.memory_space<hbm>> -> memref<624x128xf32, #tpu.memory_space<hbm>>
    tpu.wait_dma2 semaphore(%arg32 : memref<!tpu.dma_semaphore, #tpu.memory_space<semaphore_mem>>) src(%dma_wait3A_24 : memref<624x128xf32, #tpu.memory_space<hbm>>) dst(%dma_wait3A_22 : memref<624x128xf32, #tpu.memory_space<vmem_shared>>)
    %dma_wait3A_25 = arith.constant 0 : i32
    %dma_wait3A_26 = tpu.memref_slice %arg2[%add3A, %dma_wait3A_25] : memref<32x10000xi32, #tpu.memory_space<hbm>> -> memref<1x10000xi32, #tpu.memory_space<hbm>>
    %dma_wait3A_27 = tpu.memref_squeeze %dma_wait3A_26 : memref<1x10000xi32, #tpu.memory_space<hbm>> -> memref<10000xi32, #tpu.memory_space<hbm>>
    %dma_wait3A_28 = arith.constant 0 : i32
    %dma_wait3A_29 = tpu.memref_slice %arg2[%add3A, %dma_wait3A_28] : memref<32x10000xi32, #tpu.memory_space<hbm>> -> memref<1x10000xi32, #tpu.memory_space<hbm>>
    %dma_wait3A_30 = tpu.memref_squeeze %dma_wait3A_29 : memref<1x10000xi32, #tpu.memory_space<hbm>> -> memref<10000xi32, #tpu.memory_space<hbm>>
    tpu.wait_dma2 semaphore(%arg33 : memref<!tpu.dma_semaphore, #tpu.memory_space<semaphore_mem>>) src(%dma_wait3A_30 : memref<10000xi32, #tpu.memory_space<hbm>>) dst(%arg7 : memref<10000xi32, #tpu.memory_space<vmem>>)
    %dma_wait3A_31 = arith.constant 0 : i32
    %dma_wait3A_32 = tpu.memref_slice %arg3[%add3A, %dma_wait3A_31] : memref<32x10000xi32, #tpu.memory_space<hbm>> -> memref<1x10000xi32, #tpu.memory_space<hbm>>
    %dma_wait3A_33 = tpu.memref_squeeze %dma_wait3A_32 : memref<1x10000xi32, #tpu.memory_space<hbm>> -> memref<10000xi32, #tpu.memory_space<hbm>>
    %dma_wait3A_34 = arith.constant 0 : i32
    %dma_wait3A_35 = tpu.memref_slice %arg3[%add3A, %dma_wait3A_34] : memref<32x10000xi32, #tpu.memory_space<hbm>> -> memref<1x10000xi32, #tpu.memory_space<hbm>>
    %dma_wait3A_36 = tpu.memref_squeeze %dma_wait3A_35 : memref<1x10000xi32, #tpu.memory_space<hbm>> -> memref<10000xi32, #tpu.memory_space<hbm>>
    tpu.wait_dma2 semaphore(%arg33 : memref<!tpu.dma_semaphore, #tpu.memory_space<semaphore_mem>>) src(%dma_wait3A_36 : memref<10000xi32, #tpu.memory_space<hbm>>) dst(%arg8 : memref<10000xi32, #tpu.memory_space<vmem>>)
    %barrier3A = arith.constant 0 : index
    tpu.barrier barrier_id(%barrier3A)
    %dma_start3A_37 = arith.constant 0 : i32
    %dma_start3A_38 = arith.constant 0 : i32
    %dma_start3A_39 = arith.constant 0 : i32
    %dma_start3A_40 = tpu.memref_slice %arg9[%dma_start3A_37, %dma_start3A_38, %dma_start3A_39] : memref<5x16x128xf32, #tpu.memory_space<vmem>> -> memref<1x16x128xf32, #tpu.memory_space<vmem>>
    %dma_start3A_41 = tpu.memref_squeeze %dma_start3A_40 : memref<1x16x128xf32, #tpu.memory_space<vmem>> -> memref<16x128xf32, #tpu.memory_space<vmem>>
    %dma_start3A_42 = arith.constant 0 : i32
    %dma_start3A_43 = tpu.memref_slice %arg7[%dma_start3A_42] : memref<10000xi32, #tpu.memory_space<vmem>> -> memref<16xi32, #tpu.memory_space<vmem>>
    %dma_start3A_44 = arith.constant 0 : i32
    %dma_start3A_45 = arith.constant 0 : i32
    %dma_start3A_46 = tpu.memref_slice %arg11[%dma_start3A_44, %dma_start3A_45] : memref<10000x128xf32, #tpu.memory_space<vmem_shared>> -> memref<10000x128xf32, #tpu.memory_space<vmem_shared>>
    tpu.enqueue_indirect_dma source(%dma_start3A_46 : memref<10000x128xf32, #tpu.memory_space<vmem_shared>>) target(%dma_start3A_41 : memref<16x128xf32, #tpu.memory_space<vmem>>) offsets(%dma_start3A_43 : memref<16xi32, #tpu.memory_space<vmem>>) semaphore(%arg12 : memref<!tpu.dma_semaphore, #tpu.memory_space<semaphore_mem>>)
    %dma_start3A_47 = arith.constant 0 : i32
    %dma_start3A_48 = arith.constant 0 : i32
    %dma_start3A_49 = arith.constant 0 : i32
    %dma_start3A_50 = tpu.memref_slice %arg10[%dma_start3A_47, %dma_start3A_48, %dma_start3A_49] : memref<5x16x128xf32, #tpu.memory_space<vmem>> -> memref<1x16x128xf32, #tpu.memory_space<vmem>>
    %dma_start3A_51 = tpu.memref_squeeze %dma_start3A_50 : memref<1x16x128xf32, #tpu.memory_space<vmem>> -> memref<16x128xf32, #tpu.memory_space<vmem>>
    %dma_start3A_52 = arith.constant 0 : i32
    %dma_start3A_53 = tpu.memref_slice %arg8[%dma_start3A_52] : memref<10000xi32, #tpu.memory_space<vmem>> -> memref<16xi32, #tpu.memory_space<vmem>>
    %dma_start3A_54 = arith.constant 0 : i32
    %dma_start3A_55 = arith.constant 0 : i32
    %dma_start3A_56 = tpu.memref_slice %arg11[%dma_start3A_54, %dma_start3A_55] : memref<10000x128xf32, #tpu.memory_space<vmem_shared>> -> memref<10000x128xf32, #tpu.memory_space<vmem_shared>>
    tpu.enqueue_indirect_dma source(%dma_start3A_56 : memref<10000x128xf32, #tpu.memory_space<vmem_shared>>) target(%dma_start3A_51 : memref<16x128xf32, #tpu.memory_space<vmem>>) offsets(%dma_start3A_53 : memref<16xi32, #tpu.memory_space<vmem>>) semaphore(%arg17 : memref<!tpu.dma_semaphore, #tpu.memory_space<semaphore_mem>>)
    %dma_start3A_57 = arith.constant 1 : i32
    %dma_start3A_58 = arith.constant 0 : i32
    %dma_start3A_59 = arith.constant 0 : i32
    %dma_start3A_60 = tpu.memref_slice %arg9[%dma_start3A_57, %dma_start3A_58, %dma_start3A_59] : memref<5x16x128xf32, #tpu.memory_space<vmem>> -> memref<1x16x128xf32, #tpu.memory_space<vmem>>
    %dma_start3A_61 = tpu.memref_squeeze %dma_start3A_60 : memref<1x16x128xf32, #tpu.memory_space<vmem>> -> memref<16x128xf32, #tpu.memory_space<vmem>>
    %dma_start3A_62 = arith.constant 16 : i32
    %dma_start3A_63 = tpu.memref_slice %arg7[%dma_start3A_62] : memref<10000xi32, #tpu.memory_space<vmem>> -> memref<16xi32, #tpu.memory_space<vmem>>
    %dma_start3A_64 = arith.constant 0 : i32
    %dma_start3A_65 = arith.constant 0 : i32
    %dma_start3A_66 = tpu.memref_slice %arg11[%dma_start3A_64, %dma_start3A_65] : memref<10000x128xf32, #tpu.memory_space<vmem_shared>> -> memref<10000x128xf32, #tpu.memory_space<vmem_shared>>
    tpu.enqueue_indirect_dma source(%dma_start3A_66 : memref<10000x128xf32, #tpu.memory_space<vmem_shared>>) target(%dma_start3A_61 : memref<16x128xf32, #tpu.memory_space<vmem>>) offsets(%dma_start3A_63 : memref<16xi32, #tpu.memory_space<vmem>>) semaphore(%arg13 : memref<!tpu.dma_semaphore, #tpu.memory_space<semaphore_mem>>)
    %dma_start3A_67 = arith.constant 1 : i32
    %dma_start3A_68 = arith.constant 0 : i32
    %dma_start3A_69 = arith.constant 0 : i32
    %dma_start3A_70 = tpu.memref_slice %arg10[%dma_start3A_67, %dma_start3A_68, %dma_start3A_69] : memref<5x16x128xf32, #tpu.memory_space<vmem>> -> memref<1x16x128xf32, #tpu.memory_space<vmem>>
    %dma_start3A_71 = tpu.memref_squeeze %dma_start3A_70 : memref<1x16x128xf32, #tpu.memory_space<vmem>> -> memref<16x128xf32, #tpu.memory_space<vmem>>
    %dma_start3A_72 = arith.constant 16 : i32
    %dma_start3A_73 = tpu.memref_slice %arg8[%dma_start3A_72] : memref<10000xi32, #tpu.memory_space<vmem>> -> memref<16xi32, #tpu.memory_space<vmem>>
    %dma_start3A_74 = arith.constant 0 : i32
    %dma_start3A_75 = arith.constant 0 : i32
    %dma_start3A_76 = tpu.memref_slice %arg11[%dma_start3A_74, %dma_start3A_75] : memref<10000x128xf32, #tpu.memory_space<vmem_shared>> -> memref<10000x128xf32, #tpu.memory_space<vmem_shared>>
    tpu.enqueue_indirect_dma source(%dma_start3A_76 : memref<10000x128xf32, #tpu.memory_space<vmem_shared>>) target(%dma_start3A_71 : memref<16x128xf32, #tpu.memory_space<vmem>>) offsets(%dma_start3A_73 : memref<16xi32, #tpu.memory_space<vmem>>) semaphore(%arg18 : memref<!tpu.dma_semaphore, #tpu.memory_space<semaphore_mem>>)
    %dma_start3A_77 = arith.constant 2 : i32
    %dma_start3A_78 = arith.constant 0 : i32
    %dma_start3A_79 = arith.constant 0 : i32
    %dma_start3A_80 = tpu.memref_slice %arg9[%dma_start3A_77, %dma_start3A_78, %dma_start3A_79] : memref<5x16x128xf32, #tpu.memory_space<vmem>> -> memref<1x16x128xf32, #tpu.memory_space<vmem>>
    %dma_start3A_81 = tpu.memref_squeeze %dma_start3A_80 : memref<1x16x128xf32, #tpu.memory_space<vmem>> -> memref<16x128xf32, #tpu.memory_space<vmem>>
    %dma_start3A_82 = arith.constant 32 : i32
    %dma_start3A_83 = tpu.memref_slice %arg7[%dma_start3A_82] : memref<10000xi32, #tpu.memory_space<vmem>> -> memref<16xi32, #tpu.memory_space<vmem>>
    %dma_start3A_84 = arith.constant 0 : i32
    %dma_start3A_85 = arith.constant 0 : i32
    %dma_start3A_86 = tpu.memref_slice %arg11[%dma_start3A_84, %dma_start3A_85] : memref<10000x128xf32, #tpu.memory_space<vmem_shared>> -> memref<10000x128xf32, #tpu.memory_space<vmem_shared>>
    tpu.enqueue_indirect_dma source(%dma_start3A_86 : memref<10000x128xf32, #tpu.memory_space<vmem_shared>>) target(%dma_start3A_81 : memref<16x128xf32, #tpu.memory_space<vmem>>) offsets(%dma_start3A_83 : memref<16xi32, #tpu.memory_space<vmem>>) semaphore(%arg14 : memref<!tpu.dma_semaphore, #tpu.memory_space<semaphore_mem>>)
    %dma_start3A_87 = arith.constant 2 : i32
    %dma_start3A_88 = arith.constant 0 : i32
    %dma_start3A_89 = arith.constant 0 : i32
    %dma_start3A_90 = tpu.memref_slice %arg10[%dma_start3A_87, %dma_start3A_88, %dma_start3A_89] : memref<5x16x128xf32, #tpu.memory_space<vmem>> -> memref<1x16x128xf32, #tpu.memory_space<vmem>>
    %dma_start3A_91 = tpu.memref_squeeze %dma_start3A_90 : memref<1x16x128xf32, #tpu.memory_space<vmem>> -> memref<16x128xf32, #tpu.memory_space<vmem>>
    %dma_start3A_92 = arith.constant 32 : i32
    %dma_start3A_93 = tpu.memref_slice %arg8[%dma_start3A_92] : memref<10000xi32, #tpu.memory_space<vmem>> -> memref<16xi32, #tpu.memory_space<vmem>>
    %dma_start3A_94 = arith.constant 0 : i32
    %dma_start3A_95 = arith.constant 0 : i32
    %dma_start3A_96 = tpu.memref_slice %arg11[%dma_start3A_94, %dma_start3A_95] : memref<10000x128xf32, #tpu.memory_space<vmem_shared>> -> memref<10000x128xf32, #tpu.memory_space<vmem_shared>>
    tpu.enqueue_indirect_dma source(%dma_start3A_96 : memref<10000x128xf32, #tpu.memory_space<vmem_shared>>) target(%dma_start3A_91 : memref<16x128xf32, #tpu.memory_space<vmem>>) offsets(%dma_start3A_93 : memref<16xi32, #tpu.memory_space<vmem>>) semaphore(%arg19 : memref<!tpu.dma_semaphore, #tpu.memory_space<semaphore_mem>>)
    %dma_start3A_97 = arith.constant 3 : i32
    %dma_start3A_98 = arith.constant 0 : i32
    %dma_start3A_99 = arith.constant 0 : i32
    %dma_start3A_100 = tpu.memref_slice %arg9[%dma_start3A_97, %dma_start3A_98, %dma_start3A_99] : memref<5x16x128xf32, #tpu.memory_space<vmem>> -> memref<1x16x128xf32, #tpu.memory_space<vmem>>
    %dma_start3A_101 = tpu.memref_squeeze %dma_start3A_100 : memref<1x16x128xf32, #tpu.memory_space<vmem>> -> memref<16x128xf32, #tpu.memory_space<vmem>>
    %dma_start3A_102 = arith.constant 48 : i32
    %dma_start3A_103 = tpu.memref_slice %arg7[%dma_start3A_102] : memref<10000xi32, #tpu.memory_space<vmem>> -> memref<16xi32, #tpu.memory_space<vmem>>
    %dma_start3A_104 = arith.constant 0 : i32
    %dma_start3A_105 = arith.constant 0 : i32
    %dma_start3A_106 = tpu.memref_slice %arg11[%dma_start3A_104, %dma_start3A_105] : memref<10000x128xf32, #tpu.memory_space<vmem_shared>> -> memref<10000x128xf32, #tpu.memory_space<vmem_shared>>
    tpu.enqueue_indirect_dma source(%dma_start3A_106 : memref<10000x128xf32, #tpu.memory_space<vmem_shared>>) target(%dma_start3A_101 : memref<16x128xf32, #tpu.memory_space<vmem>>) offsets(%dma_start3A_103 : memref<16xi32, #tpu.memory_space<vmem>>) semaphore(%arg15 : memref<!tpu.dma_semaphore, #tpu.memory_space<semaphore_mem>>)
    %dma_start3A_107 = arith.constant 3 : i32
    %dma_start3A_108 = arith.constant 0 : i32
    %dma_start3A_109 = arith.constant 0 : i32
    %dma_start3A_110 = tpu.memref_slice %arg10[%dma_start3A_107, %dma_start3A_108, %dma_start3A_109] : memref<5x16x128xf32, #tpu.memory_space<vmem>> -> memref<1x16x128xf32, #tpu.memory_space<vmem>>
    %dma_start3A_111 = tpu.memref_squeeze %dma_start3A_110 : memref<1x16x128xf32, #tpu.memory_space<vmem>> -> memref<16x128xf32, #tpu.memory_space<vmem>>
    %dma_start3A_112 = arith.constant 48 : i32
    %dma_start3A_113 = tpu.memref_slice %arg8[%dma_start3A_112] : memref<10000xi32, #tpu.memory_space<vmem>> -> memref<16xi32, #tpu.memory_space<vmem>>
    %dma_start3A_114 = arith.constant 0 : i32
    %dma_start3A_115 = arith.constant 0 : i32
    %dma_start3A_116 = tpu.memref_slice %arg11[%dma_start3A_114, %dma_start3A_115] : memref<10000x128xf32, #tpu.memory_space<vmem_shared>> -> memref<10000x128xf32, #tpu.memory_space<vmem_shared>>
    tpu.enqueue_indirect_dma source(%dma_start3A_116 : memref<10000x128xf32, #tpu.memory_space<vmem_shared>>) target(%dma_start3A_111 : memref<16x128xf32, #tpu.memory_space<vmem>>) offsets(%dma_start3A_113 : memref<16xi32, #tpu.memory_space<vmem>>) semaphore(%arg20 : memref<!tpu.dma_semaphore, #tpu.memory_space<semaphore_mem>>)
    %dma_start3A_117 = arith.constant 4 : i32
    %dma_start3A_118 = arith.constant 0 : i32
    %dma_start3A_119 = arith.constant 0 : i32
    %dma_start3A_120 = tpu.memref_slice %arg9[%dma_start3A_117, %dma_start3A_118, %dma_start3A_119] : memref<5x16x128xf32, #tpu.memory_space<vmem>> -> memref<1x16x128xf32, #tpu.memory_space<vmem>>
    %dma_start3A_121 = tpu.memref_squeeze %dma_start3A_120 : memref<1x16x128xf32, #tpu.memory_space<vmem>> -> memref<16x128xf32, #tpu.memory_space<vmem>>
    %dma_start3A_122 = arith.constant 64 : i32
    %dma_start3A_123 = tpu.memref_slice %arg7[%dma_start3A_122] : memref<10000xi32, #tpu.memory_space<vmem>> -> memref<16xi32, #tpu.memory_space<vmem>>
    %dma_start3A_124 = arith.constant 0 : i32
    %dma_start3A_125 = arith.constant 0 : i32
    %dma_start3A_126 = tpu.memref_slice %arg11[%dma_start3A_124, %dma_start3A_125] : memref<10000x128xf32, #tpu.memory_space<vmem_shared>> -> memref<10000x128xf32, #tpu.memory_space<vmem_shared>>
    tpu.enqueue_indirect_dma source(%dma_start3A_126 : memref<10000x128xf32, #tpu.memory_space<vmem_shared>>) target(%dma_start3A_121 : memref<16x128xf32, #tpu.memory_space<vmem>>) offsets(%dma_start3A_123 : memref<16xi32, #tpu.memory_space<vmem>>) semaphore(%arg16 : memref<!tpu.dma_semaphore, #tpu.memory_space<semaphore_mem>>)
    %dma_start3A_127 = arith.constant 4 : i32
    %dma_start3A_128 = arith.constant 0 : i32
    %dma_start3A_129 = arith.constant 0 : i32
    %dma_start3A_130 = tpu.memref_slice %arg10[%dma_start3A_127, %dma_start3A_128, %dma_start3A_129] : memref<5x16x128xf32, #tpu.memory_space<vmem>> -> memref<1x16x128xf32, #tpu.memory_space<vmem>>
    %dma_start3A_131 = tpu.memref_squeeze %dma_start3A_130 : memref<1x16x128xf32, #tpu.memory_space<vmem>> -> memref<16x128xf32, #tpu.memory_space<vmem>>
    %dma_start3A_132 = arith.constant 64 : i32
    %dma_start3A_133 = tpu.memref_slice %arg8[%dma_start3A_132] : memref<10000xi32, #tpu.memory_space<vmem>> -> memref<16xi32, #tpu.memory_space<vmem>>
    %dma_start3A_134 = arith.constant 0 : i32
    %dma_start3A_135 = arith.constant 0 : i32
    %dma_start3A_136 = tpu.memref_slice %arg11[%dma_start3A_134, %dma_start3A_135] : memref<10000x128xf32, #tpu.memory_space<vmem_shared>> -> memref<10000x128xf32, #tpu.memory_space<vmem_shared>>
    tpu.enqueue_indirect_dma source(%dma_start3A_136 : memref<10000x128xf32, #tpu.memory_space<vmem_shared>>) target(%dma_start3A_131 : memref<16x128xf32, #tpu.memory_space<vmem>>) offsets(%dma_start3A_133 : memref<16xi32, #tpu.memory_space<vmem>>) semaphore(%arg21 : memref<!tpu.dma_semaphore, #tpu.memory_space<semaphore_mem>>)
    %dma_wait3A_137 = arith.constant 0 : i32
    %dma_wait3A_138 = arith.constant 0 : i32
    %dma_wait3A_139 = arith.constant 0 : i32
    %dma_wait3A_140 = tpu.memref_slice %arg9[%dma_wait3A_137, %dma_wait3A_138, %dma_wait3A_139] : memref<5x16x128xf32, #tpu.memory_space<vmem>> -> memref<1x16x128xf32, #tpu.memory_space<vmem>>
    %dma_wait3A_141 = tpu.memref_squeeze %dma_wait3A_140 : memref<1x16x128xf32, #tpu.memory_space<vmem>> -> memref<16x128xf32, #tpu.memory_space<vmem>>
    %dma_wait3A_142 = arith.constant 0 : i32
    %dma_wait3A_143 = tpu.memref_slice %arg7[%dma_wait3A_142] : memref<10000xi32, #tpu.memory_space<vmem>> -> memref<16xi32, #tpu.memory_space<vmem>>
    %dma_wait3A_144 = arith.constant 0 : i32
    %dma_wait3A_145 = arith.constant 0 : i32
    %dma_wait3A_146 = tpu.memref_slice %arg11[%dma_wait3A_144, %dma_wait3A_145] : memref<10000x128xf32, #tpu.memory_space<vmem_shared>> -> memref<10000x128xf32, #tpu.memory_space<vmem_shared>>
    tpu.wait_indirect_dma semaphore(%arg12 : memref<!tpu.dma_semaphore, #tpu.memory_space<semaphore_mem>>) src(%dma_wait3A_146 : memref<10000x128xf32, #tpu.memory_space<vmem_shared>>) dst(%dma_wait3A_141 : memref<16x128xf32, #tpu.memory_space<vmem>>)
    %dma_wait3A_147 = arith.constant 0 : i32
    %dma_wait3A_148 = arith.constant 0 : i32
    %dma_wait3A_149 = arith.constant 0 : i32
    %dma_wait3A_150 = tpu.memref_slice %arg10[%dma_wait3A_147, %dma_wait3A_148, %dma_wait3A_149] : memref<5x16x128xf32, #tpu.memory_space<vmem>> -> memref<1x16x128xf32, #tpu.memory_space<vmem>>
    %dma_wait3A_151 = tpu.memref_squeeze %dma_wait3A_150 : memref<1x16x128xf32, #tpu.memory_space<vmem>> -> memref<16x128xf32, #tpu.memory_space<vmem>>
    %dma_wait3A_152 = arith.constant 0 : i32
    %dma_wait3A_153 = tpu.memref_slice %arg8[%dma_wait3A_152] : memref<10000xi32, #tpu.memory_space<vmem>> -> memref<16xi32, #tpu.memory_space<vmem>>
    %dma_wait3A_154 = arith.constant 0 : i32
    %dma_wait3A_155 = arith.constant 0 : i32
    %dma_wait3A_156 = tpu.memref_slice %arg11[%dma_wait3A_154, %dma_wait3A_155] : memref<10000x128xf32, #tpu.memory_space<vmem_shared>> -> memref<10000x128xf32, #tpu.memory_space<vmem_shared>>
    tpu.wait_indirect_dma semaphore(%arg17 : memref<!tpu.dma_semaphore, #tpu.memory_space<semaphore_mem>>) src(%dma_wait3A_156 : memref<10000x128xf32, #tpu.memory_space<vmem_shared>>) dst(%dma_wait3A_151 : memref<16x128xf32, #tpu.memory_space<vmem>>)
    %add3A_157 = arith.constant 0 : i32
    %add3A_158 = arith.addi %mul3A_2, %add3A_157 : i32
    %dma_start3A_159 = arith.constant 0 : i32
    %dma_start3A_160 = arith.constant 0 : i32
    %dma_start3A_161 = arith.constant 0 : i32
    %dma_start3A_162 = tpu.memref_slice %arg9[%dma_start3A_159, %dma_start3A_160, %dma_start3A_161] : memref<5x16x128xf32, #tpu.memory_space<vmem>> -> memref<1x16x128xf32, #tpu.memory_space<vmem>>
    %dma_start3A_163 = tpu.memref_squeeze %dma_start3A_162 : memref<1x16x128xf32, #tpu.memory_space<vmem>> -> memref<16x128xf32, #tpu.memory_space<vmem>>
    %dma_start3A_164 = arith.constant 0 : i32
    %dma_start3A_165 = tpu.memref_slice %arg6[%add3A_158, %dma_start3A_164] : memref<320000x128xf32, #tpu.memory_space<hbm>> -> memref<16x128xf32, #tpu.memory_space<hbm>>
    %dma_start3A_166 = arith.constant 0 : i32
    %dma_start3A_167 = tpu.memref_slice %arg6[%add3A_158, %dma_start3A_166] : memref<320000x128xf32, #tpu.memory_space<hbm>> -> memref<16x128xf32, #tpu.memory_space<hbm>>
    %dma_start3A_168 = arith.constant 0 : i32
    %dma_start3A_169 = arith.constant 0 : i32
    %dma_start3A_170 = tpu.memref_slice %arg9[%dma_start3A_159, %dma_start3A_168, %dma_start3A_169] : memref<5x16x128xf32, #tpu.memory_space<vmem>> -> memref<1x16x128xf32, #tpu.memory_space<vmem>>
    %dma_start3A_171 = tpu.memref_squeeze %dma_start3A_170 : memref<1x16x128xf32, #tpu.memory_space<vmem>> -> memref<16x128xf32, #tpu.memory_space<vmem>>
    tpu.enqueue_dma source(%dma_start3A_171 : memref<16x128xf32, #tpu.memory_space<vmem>>) target(%dma_start3A_167 : memref<16x128xf32, #tpu.memory_space<hbm>>) target_semaphore(%arg22 : memref<!tpu.dma_semaphore, #tpu.memory_space<semaphore_mem>>)
    %dma_start3A_172 = arith.constant 0 : i32
    %dma_start3A_173 = arith.constant 0 : i32
    %dma_start3A_174 = arith.constant 0 : i32
    %dma_start3A_175 = tpu.memref_slice %arg10[%dma_start3A_172, %dma_start3A_173, %dma_start3A_174] : memref<5x16x128xf32, #tpu.memory_space<vmem>> -> memref<1x16x128xf32, #tpu.memory_space<vmem>>
    %dma_start3A_176 = tpu.memref_squeeze %dma_start3A_175 : memref<1x16x128xf32, #tpu.memory_space<vmem>> -> memref<16x128xf32, #tpu.memory_space<vmem>>
    %dma_start3A_177 = arith.constant 0 : i32
    %dma_start3A_178 = tpu.memref_slice %arg5[%add3A_158, %dma_start3A_177] : memref<320000x128xf32, #tpu.memory_space<hbm>> -> memref<16x128xf32, #tpu.memory_space<hbm>>
    %dma_start3A_179 = arith.constant 0 : i32
    %dma_start3A_180 = tpu.memref_slice %arg5[%add3A_158, %dma_start3A_179] : memref<320000x128xf32, #tpu.memory_space<hbm>> -> memref<16x128xf32, #tpu.memory_space<hbm>>
    %dma_start3A_181 = arith.constant 0 : i32
    %dma_start3A_182 = arith.constant 0 : i32
    %dma_start3A_183 = tpu.memref_slice %arg10[%dma_start3A_172, %dma_start3A_181, %dma_start3A_182] : memref<5x16x128xf32, #tpu.memory_space<vmem>> -> memref<1x16x128xf32, #tpu.memory_space<vmem>>
    %dma_start3A_184 = tpu.memref_squeeze %dma_start3A_183 : memref<1x16x128xf32, #tpu.memory_space<vmem>> -> memref<16x128xf32, #tpu.memory_space<vmem>>
    tpu.enqueue_dma source(%dma_start3A_184 : memref<16x128xf32, #tpu.memory_space<vmem>>) target(%dma_start3A_180 : memref<16x128xf32, #tpu.memory_space<hbm>>) target_semaphore(%arg27 : memref<!tpu.dma_semaphore, #tpu.memory_space<semaphore_mem>>)
    %dma_wait3A_185 = arith.constant 1 : i32
    %dma_wait3A_186 = arith.constant 0 : i32
    %dma_wait3A_187 = arith.constant 0 : i32
    %dma_wait3A_188 = tpu.memref_slice %arg9[%dma_wait3A_185, %dma_wait3A_186, %dma_wait3A_187] : memref<5x16x128xf32, #tpu.memory_space<vmem>> -> memref<1x16x128xf32, #tpu.memory_space<vmem>>
    %dma_wait3A_189 = tpu.memref_squeeze %dma_wait3A_188 : memref<1x16x128xf32, #tpu.memory_space<vmem>> -> memref<16x128xf32, #tpu.memory_space<vmem>>
    %dma_wait3A_190 = arith.constant 0 : i32
    %dma_wait3A_191 = tpu.memref_slice %arg7[%dma_wait3A_190] : memref<10000xi32, #tpu.memory_space<vmem>> -> memref<16xi32, #tpu.memory_space<vmem>>
    %dma_wait3A_192 = arith.constant 0 : i32
    %dma_wait3A_193 = arith.constant 0 : i32
    %dma_wait3A_194 = tpu.memref_slice %arg11[%dma_wait3A_192, %dma_wait3A_193] : memref<10000x128xf32, #tpu.memory_space<vmem_shared>> -> memref<10000x128xf32, #tpu.memory_space<vmem_shared>>
    tpu.wait_indirect_dma semaphore(%arg13 : memref<!tpu.dma_semaphore, #tpu.memory_space<semaphore_mem>>) src(%dma_wait3A_194 : memref<10000x128xf32, #tpu.memory_space<vmem_shared>>) dst(%dma_wait3A_189 : memref<16x128xf32, #tpu.memory_space<vmem>>)
    %dma_wait3A_195 = arith.constant 1 : i32
    %dma_wait3A_196 = arith.constant 0 : i32
    %dma_wait3A_197 = arith.constant 0 : i32
    %dma_wait3A_198 = tpu.memref_slice %arg10[%dma_wait3A_195, %dma_wait3A_196, %dma_wait3A_197] : memref<5x16x128xf32, #tpu.memory_space<vmem>> -> memref<1x16x128xf32, #tpu.memory_space<vmem>>
    %dma_wait3A_199 = tpu.memref_squeeze %dma_wait3A_198 : memref<1x16x128xf32, #tpu.memory_space<vmem>> -> memref<16x128xf32, #tpu.memory_space<vmem>>
    %dma_wait3A_200 = arith.constant 0 : i32
    %dma_wait3A_201 = tpu.memref_slice %arg8[%dma_wait3A_200] : memref<10000xi32, #tpu.memory_space<vmem>> -> memref<16xi32, #tpu.memory_space<vmem>>
    %dma_wait3A_202 = arith.constant 0 : i32
    %dma_wait3A_203 = arith.constant 0 : i32
    %dma_wait3A_204 = tpu.memref_slice %arg11[%dma_wait3A_202, %dma_wait3A_203] : memref<10000x128xf32, #tpu.memory_space<vmem_shared>> -> memref<10000x128xf32, #tpu.memory_space<vmem_shared>>
    tpu.wait_indirect_dma semaphore(%arg18 : memref<!tpu.dma_semaphore, #tpu.memory_space<semaphore_mem>>) src(%dma_wait3A_204 : memref<10000x128xf32, #tpu.memory_space<vmem_shared>>) dst(%dma_wait3A_199 : memref<16x128xf32, #tpu.memory_space<vmem>>)
    %add3A_205 = arith.constant 16 : i32
    %add3A_206 = arith.addi %mul3A_2, %add3A_205 : i32
    %dma_start3A_207 = arith.constant 1 : i32
    %dma_start3A_208 = arith.constant 0 : i32
    %dma_start3A_209 = arith.constant 0 : i32
    %dma_start3A_210 = tpu.memref_slice %arg9[%dma_start3A_207, %dma_start3A_208, %dma_start3A_209] : memref<5x16x128xf32, #tpu.memory_space<vmem>> -> memref<1x16x128xf32, #tpu.memory_space<vmem>>
    %dma_start3A_211 = tpu.memref_squeeze %dma_start3A_210 : memref<1x16x128xf32, #tpu.memory_space<vmem>> -> memref<16x128xf32, #tpu.memory_space<vmem>>
    %dma_start3A_212 = arith.constant 0 : i32
    %dma_start3A_213 = tpu.memref_slice %arg6[%add3A_206, %dma_start3A_212] : memref<320000x128xf32, #tpu.memory_space<hbm>> -> memref<16x128xf32, #tpu.memory_space<hbm>>
    %dma_start3A_214 = arith.constant 0 : i32
    %dma_start3A_215 = tpu.memref_slice %arg6[%add3A_206, %dma_start3A_214] : memref<320000x128xf32, #tpu.memory_space<hbm>> -> memref<16x128xf32, #tpu.memory_space<hbm>>
    %dma_start3A_216 = arith.constant 0 : i32
    %dma_start3A_217 = arith.constant 0 : i32
    %dma_start3A_218 = tpu.memref_slice %arg9[%dma_start3A_207, %dma_start3A_216, %dma_start3A_217] : memref<5x16x128xf32, #tpu.memory_space<vmem>> -> memref<1x16x128xf32, #tpu.memory_space<vmem>>
    %dma_start3A_219 = tpu.memref_squeeze %dma_start3A_218 : memref<1x16x128xf32, #tpu.memory_space<vmem>> -> memref<16x128xf32, #tpu.memory_space<vmem>>
    tpu.enqueue_dma source(%dma_start3A_219 : memref<16x128xf32, #tpu.memory_space<vmem>>) target(%dma_start3A_215 : memref<16x128xf32, #tpu.memory_space<hbm>>) target_semaphore(%arg23 : memref<!tpu.dma_semaphore, #tpu.memory_space<semaphore_mem>>)
    %dma_start3A_220 = arith.constant 1 : i32
    %dma_start3A_221 = arith.constant 0 : i32
    %dma_start3A_222 = arith.constant 0 : i32
    %dma_start3A_223 = tpu.memref_slice %arg10[%dma_start3A_220, %dma_start3A_221, %dma_start3A_222] : memref<5x16x128xf32, #tpu.memory_space<vmem>> -> memref<1x16x128xf32, #tpu.memory_space<vmem>>
    %dma_start3A_224 = tpu.memref_squeeze %dma_start3A_223 : memref<1x16x128xf32, #tpu.memory_space<vmem>> -> memref<16x128xf32, #tpu.memory_space<vmem>>
    %dma_start3A_225 = arith.constant 0 : i32
    %dma_start3A_226 = tpu.memref_slice %arg5[%add3A_206, %dma_start3A_225] : memref<320000x128xf32, #tpu.memory_space<hbm>> -> memref<16x128xf32, #tpu.memory_space<hbm>>
    %dma_start3A_227 = arith.constant 0 : i32
    %dma_start3A_228 = tpu.memref_slice %arg5[%add3A_206, %dma_start3A_227] : memref<320000x128xf32, #tpu.memory_space<hbm>> -> memref<16x128xf32, #tpu.memory_space<hbm>>
    %dma_start3A_229 = arith.constant 0 : i32
    %dma_start3A_230 = arith.constant 0 : i32
    %dma_start3A_231 = tpu.memref_slice %arg10[%dma_start3A_220, %dma_start3A_229, %dma_start3A_230] : memref<5x16x128xf32, #tpu.memory_space<vmem>> -> memref<1x16x128xf32, #tpu.memory_space<vmem>>
    %dma_start3A_232 = tpu.memref_squeeze %dma_start3A_231 : memref<1x16x128xf32, #tpu.memory_space<vmem>> -> memref<16x128xf32, #tpu.memory_space<vmem>>
    tpu.enqueue_dma source(%dma_start3A_232 : memref<16x128xf32, #tpu.memory_space<vmem>>) target(%dma_start3A_228 : memref<16x128xf32, #tpu.memory_space<hbm>>) target_semaphore(%arg28 : memref<!tpu.dma_semaphore, #tpu.memory_space<semaphore_mem>>)
    %dma_wait3A_233 = arith.constant 2 : i32
    %dma_wait3A_234 = arith.constant 0 : i32
    %dma_wait3A_235 = arith.constant 0 : i32
    %dma_wait3A_236 = tpu.memref_slice %arg9[%dma_wait3A_233, %dma_wait3A_234, %dma_wait3A_235] : memref<5x16x128xf32, #tpu.memory_space<vmem>> -> memref<1x16x128xf32, #tpu.memory_space<vmem>>
    %dma_wait3A_237 = tpu.memref_squeeze %dma_wait3A_236 : memref<1x16x128xf32, #tpu.memory_space<vmem>> -> memref<16x128xf32, #tpu.memory_space<vmem>>
    %dma_wait3A_238 = arith.constant 0 : i32
    %dma_wait3A_239 = tpu.memref_slice %arg7[%dma_wait3A_238] : memref<10000xi32, #tpu.memory_space<vmem>> -> memref<16xi32, #tpu.memory_space<vmem>>
    %dma_wait3A_240 = arith.constant 0 : i32
    %dma_wait3A_241 = arith.constant 0 : i32
    %dma_wait3A_242 = tpu.memref_slice %arg11[%dma_wait3A_240, %dma_wait3A_241] : memref<10000x128xf32, #tpu.memory_space<vmem_shared>> -> memref<10000x128xf32, #tpu.memory_space<vmem_shared>>
    tpu.wait_indirect_dma semaphore(%arg14 : memref<!tpu.dma_semaphore, #tpu.memory_space<semaphore_mem>>) src(%dma_wait3A_242 : memref<10000x128xf32, #tpu.memory_space<vmem_shared>>) dst(%dma_wait3A_237 : memref<16x128xf32, #tpu.memory_space<vmem>>)
    %dma_wait3A_243 = arith.constant 2 : i32
    %dma_wait3A_244 = arith.constant 0 : i32
    %dma_wait3A_245 = arith.constant 0 : i32
    %dma_wait3A_246 = tpu.memref_slice %arg10[%dma_wait3A_243, %dma_wait3A_244, %dma_wait3A_245] : memref<5x16x128xf32, #tpu.memory_space<vmem>> -> memref<1x16x128xf32, #tpu.memory_space<vmem>>
    %dma_wait3A_247 = tpu.memref_squeeze %dma_wait3A_246 : memref<1x16x128xf32, #tpu.memory_space<vmem>> -> memref<16x128xf32, #tpu.memory_space<vmem>>
    %dma_wait3A_248 = arith.constant 0 : i32
    %dma_wait3A_249 = tpu.memref_slice %arg8[%dma_wait3A_248] : memref<10000xi32, #tpu.memory_space<vmem>> -> memref<16xi32, #tpu.memory_space<vmem>>
    %dma_wait3A_250 = arith.constant 0 : i32
    %dma_wait3A_251 = arith.constant 0 : i32
    %dma_wait3A_252 = tpu.memref_slice %arg11[%dma_wait3A_250, %dma_wait3A_251] : memref<10000x128xf32, #tpu.memory_space<vmem_shared>> -> memref<10000x128xf32, #tpu.memory_space<vmem_shared>>
    tpu.wait_indirect_dma semaphore(%arg19 : memref<!tpu.dma_semaphore, #tpu.memory_space<semaphore_mem>>) src(%dma_wait3A_252 : memref<10000x128xf32, #tpu.memory_space<vmem_shared>>) dst(%dma_wait3A_247 : memref<16x128xf32, #tpu.memory_space<vmem>>)
    %add3A_253 = arith.constant 32 : i32
    %add3A_254 = arith.addi %mul3A_2, %add3A_253 : i32
    %dma_start3A_255 = arith.constant 2 : i32
    %dma_start3A_256 = arith.constant 0 : i32
    %dma_start3A_257 = arith.constant 0 : i32
    %dma_start3A_258 = tpu.memref_slice %arg9[%dma_start3A_255, %dma_start3A_256, %dma_start3A_257] : memref<5x16x128xf32, #tpu.memory_space<vmem>> -> memref<1x16x128xf32, #tpu.memory_space<vmem>>
    %dma_start3A_259 = tpu.memref_squeeze %dma_start3A_258 : memref<1x16x128xf32, #tpu.memory_space<vmem>> -> memref<16x128xf32, #tpu.memory_space<vmem>>
    %dma_start3A_260 = arith.constant 0 : i32
    %dma_start3A_261 = tpu.memref_slice %arg6[%add3A_254, %dma_start3A_260] : memref<320000x128xf32, #tpu.memory_space<hbm>> -> memref<16x128xf32, #tpu.memory_space<hbm>>
    %dma_start3A_262 = arith.constant 0 : i32
    %dma_start3A_263 = tpu.memref_slice %arg6[%add3A_254, %dma_start3A_262] : memref<320000x128xf32, #tpu.memory_space<hbm>> -> memref<16x128xf32, #tpu.memory_space<hbm>>
    %dma_start3A_264 = arith.constant 0 : i32
    %dma_start3A_265 = arith.constant 0 : i32
    %dma_start3A_266 = tpu.memref_slice %arg9[%dma_start3A_255, %dma_start3A_264, %dma_start3A_265] : memref<5x16x128xf32, #tpu.memory_space<vmem>> -> memref<1x16x128xf32, #tpu.memory_space<vmem>>
    %dma_start3A_267 = tpu.memref_squeeze %dma_start3A_266 : memref<1x16x128xf32, #tpu.memory_space<vmem>> -> memref<16x128xf32, #tpu.memory_space<vmem>>
    tpu.enqueue_dma source(%dma_start3A_267 : memref<16x128xf32, #tpu.memory_space<vmem>>) target(%dma_start3A_263 : memref<16x128xf32, #tpu.memory_space<hbm>>) target_semaphore(%arg24 : memref<!tpu.dma_semaphore, #tpu.memory_space<semaphore_mem>>)
    %dma_start3A_268 = arith.constant 2 : i32
    %dma_start3A_269 = arith.constant 0 : i32
    %dma_start3A_270 = arith.constant 0 : i32
    %dma_start3A_271 = tpu.memref_slice %arg10[%dma_start3A_268, %dma_start3A_269, %dma_start3A_270] : memref<5x16x128xf32, #tpu.memory_space<vmem>> -> memref<1x16x128xf32, #tpu.memory_space<vmem>>
    %dma_start3A_272 = tpu.memref_squeeze %dma_start3A_271 : memref<1x16x128xf32, #tpu.memory_space<vmem>> -> memref<16x128xf32, #tpu.memory_space<vmem>>
    %dma_start3A_273 = arith.constant 0 : i32
    %dma_start3A_274 = tpu.memref_slice %arg5[%add3A_254, %dma_start3A_273] : memref<320000x128xf32, #tpu.memory_space<hbm>> -> memref<16x128xf32, #tpu.memory_space<hbm>>
    %dma_start3A_275 = arith.constant 0 : i32
    %dma_start3A_276 = tpu.memref_slice %arg5[%add3A_254, %dma_start3A_275] : memref<320000x128xf32, #tpu.memory_space<hbm>> -> memref<16x128xf32, #tpu.memory_space<hbm>>
    %dma_start3A_277 = arith.constant 0 : i32
    %dma_start3A_278 = arith.constant 0 : i32
    %dma_start3A_279 = tpu.memref_slice %arg10[%dma_start3A_268, %dma_start3A_277, %dma_start3A_278] : memref<5x16x128xf32, #tpu.memory_space<vmem>> -> memref<1x16x128xf32, #tpu.memory_space<vmem>>
    %dma_start3A_280 = tpu.memref_squeeze %dma_start3A_279 : memref<1x16x128xf32, #tpu.memory_space<vmem>> -> memref<16x128xf32, #tpu.memory_space<vmem>>
    tpu.enqueue_dma source(%dma_start3A_280 : memref<16x128xf32, #tpu.memory_space<vmem>>) target(%dma_start3A_276 : memref<16x128xf32, #tpu.memory_space<hbm>>) target_semaphore(%arg29 : memref<!tpu.dma_semaphore, #tpu.memory_space<semaphore_mem>>)
    %dma_wait3A_281 = arith.constant 0 : i32
    %dma_wait3A_282 = arith.constant 0 : i32
    %dma_wait3A_283 = arith.constant 0 : i32
    %dma_wait3A_284 = tpu.memref_slice %arg9[%dma_wait3A_281, %dma_wait3A_282, %dma_wait3A_283] : memref<5x16x128xf32, #tpu.memory_space<vmem>> -> memref<1x16x128xf32, #tpu.memory_space<vmem>>
    %dma_wait3A_285 = tpu.memref_squeeze %dma_wait3A_284 : memref<1x16x128xf32, #tpu.memory_space<vmem>> -> memref<16x128xf32, #tpu.memory_space<vmem>>
    %dma_wait3A_286 = arith.constant 0 : i32
    %dma_wait3A_287 = arith.constant 0 : i32
    %dma_wait3A_288 = tpu.memref_slice %arg6[%dma_wait3A_286, %dma_wait3A_287] : memref<320000x128xf32, #tpu.memory_space<hbm>> -> memref<16x128xf32, #tpu.memory_space<hbm>>
    %dma_wait3A_289 = arith.constant 0 : i32
    %dma_wait3A_290 = arith.constant 0 : i32
    %dma_wait3A_291 = tpu.memref_slice %arg6[%dma_wait3A_289, %dma_wait3A_290] : memref<320000x128xf32, #tpu.memory_space<hbm>> -> memref<16x128xf32, #tpu.memory_space<hbm>>
    %dma_wait3A_292 = arith.constant 0 : i32
    %dma_wait3A_293 = arith.constant 0 : i32
    %dma_wait3A_294 = tpu.memref_slice %arg9[%dma_wait3A_281, %dma_wait3A_292, %dma_wait3A_293] : memref<5x16x128xf32, #tpu.memory_space<vmem>> -> memref<1x16x128xf32, #tpu.memory_space<vmem>>
    %dma_wait3A_295 = tpu.memref_squeeze %dma_wait3A_294 : memref<1x16x128xf32, #tpu.memory_space<vmem>> -> memref<16x128xf32, #tpu.memory_space<vmem>>
    tpu.wait_dma2 semaphore(%arg22 : memref<!tpu.dma_semaphore, #tpu.memory_space<semaphore_mem>>) src(%dma_wait3A_295 : memref<16x128xf32, #tpu.memory_space<vmem>>) dst(%dma_wait3A_291 : memref<16x128xf32, #tpu.memory_space<hbm>>)
    %dma_wait3A_296 = arith.constant 0 : i32
    %dma_wait3A_297 = arith.constant 0 : i32
    %dma_wait3A_298 = arith.constant 0 : i32
    %dma_wait3A_299 = tpu.memref_slice %arg10[%dma_wait3A_296, %dma_wait3A_297, %dma_wait3A_298] : memref<5x16x128xf32, #tpu.memory_space<vmem>> -> memref<1x16x128xf32, #tpu.memory_space<vmem>>
    %dma_wait3A_300 = tpu.memref_squeeze %dma_wait3A_299 : memref<1x16x128xf32, #tpu.memory_space<vmem>> -> memref<16x128xf32, #tpu.memory_space<vmem>>
    %dma_wait3A_301 = arith.constant 0 : i32
    %dma_wait3A_302 = arith.constant 0 : i32
    %dma_wait3A_303 = tpu.memref_slice %arg5[%dma_wait3A_301, %dma_wait3A_302] : memref<320000x128xf32, #tpu.memory_space<hbm>> -> memref<16x128xf32, #tpu.memory_space<hbm>>
    %dma_wait3A_304 = arith.constant 0 : i32
    %dma_wait3A_305 = arith.constant 0 : i32
    %dma_wait3A_306 = tpu.memref_slice %arg5[%dma_wait3A_304, %dma_wait3A_305] : memref<320000x128xf32, #tpu.memory_space<hbm>> -> memref<16x128xf32, #tpu.memory_space<hbm>>
    %dma_wait3A_307 = arith.constant 0 : i32
    %dma_wait3A_308 = arith.constant 0 : i32
    %dma_wait3A_309 = tpu.memref_slice %arg10[%dma_wait3A_296, %dma_wait3A_307, %dma_wait3A_308] : memref<5x16x128xf32, #tpu.memory_space<vmem>> -> memref<1x16x128xf32, #tpu.memory_space<vmem>>
    %dma_wait3A_310 = tpu.memref_squeeze %dma_wait3A_309 : memref<1x16x128xf32, #tpu.memory_space<vmem>> -> memref<16x128xf32, #tpu.memory_space<vmem>>
    tpu.wait_dma2 semaphore(%arg27 : memref<!tpu.dma_semaphore, #tpu.memory_space<semaphore_mem>>) src(%dma_wait3A_310 : memref<16x128xf32, #tpu.memory_space<vmem>>) dst(%dma_wait3A_306 : memref<16x128xf32, #tpu.memory_space<hbm>>)
    %dma_start3A_311 = arith.constant 0 : i32
    %dma_start3A_312 = arith.constant 0 : i32
    %dma_start3A_313 = arith.constant 0 : i32
    %dma_start3A_314 = tpu.memref_slice %arg9[%dma_start3A_311, %dma_start3A_312, %dma_start3A_313] : memref<5x16x128xf32, #tpu.memory_space<vmem>> -> memref<1x16x128xf32, #tpu.memory_space<vmem>>
    %dma_start3A_315 = tpu.memref_squeeze %dma_start3A_314 : memref<1x16x128xf32, #tpu.memory_space<vmem>> -> memref<16x128xf32, #tpu.memory_space<vmem>>
    %dma_start3A_316 = arith.constant 80 : i32
    %dma_start3A_317 = tpu.memref_slice %arg7[%dma_start3A_316] : memref<10000xi32, #tpu.memory_space<vmem>> -> memref<16xi32, #tpu.memory_space<vmem>>
    %dma_start3A_318 = arith.constant 0 : i32
    %dma_start3A_319 = arith.constant 0 : i32
    %dma_start3A_320 = tpu.memref_slice %arg11[%dma_start3A_318, %dma_start3A_319] : memref<10000x128xf32, #tpu.memory_space<vmem_shared>> -> memref<10000x128xf32, #tpu.memory_space<vmem_shared>>
    tpu.enqueue_indirect_dma source(%dma_start3A_320 : memref<10000x128xf32, #tpu.memory_space<vmem_shared>>) target(%dma_start3A_315 : memref<16x128xf32, #tpu.memory_space<vmem>>) offsets(%dma_start3A_317 : memref<16xi32, #tpu.memory_space<vmem>>) semaphore(%arg12 : memref<!tpu.dma_semaphore, #tpu.memory_space<semaphore_mem>>)
    %dma_start3A_321 = arith.constant 0 : i32
    %dma_start3A_322 = arith.constant 0 : i32
    %dma_start3A_323 = arith.constant 0 : i32
    %dma_start3A_324 = tpu.memref_slice %arg10[%dma_start3A_321, %dma_start3A_322, %dma_start3A_323] : memref<5x16x128xf32, #tpu.memory_space<vmem>> -> memref<1x16x128xf32, #tpu.memory_space<vmem>>
    %dma_start3A_325 = tpu.memref_squeeze %dma_start3A_324 : memref<1x16x128xf32, #tpu.memory_space<vmem>> -> memref<16x128xf32, #tpu.memory_space<vmem>>
    %dma_start3A_326 = arith.constant 80 : i32
    %dma_start3A_327 = tpu.memref_slice %arg8[%dma_start3A_326] : memref<10000xi32, #tpu.memory_space<vmem>> -> memref<16xi32, #tpu.memory_space<vmem>>
    %dma_start3A_328 = arith.constant 0 : i32
    %dma_start3A_329 = arith.constant 0 : i32
    %dma_start3A_330 = tpu.memref_slice %arg11[%dma_start3A_328, %dma_start3A_329] : memref<10000x128xf32, #tpu.memory_space<vmem_shared>> -> memref<10000x128xf32, #tpu.memory_space<vmem_shared>>
    tpu.enqueue_indirect_dma source(%dma_start3A_330 : memref<10000x128xf32, #tpu.memory_space<vmem_shared>>) target(%dma_start3A_325 : memref<16x128xf32, #tpu.memory_space<vmem>>) offsets(%dma_start3A_327 : memref<16xi32, #tpu.memory_space<vmem>>) semaphore(%arg17 : memref<!tpu.dma_semaphore, #tpu.memory_space<semaphore_mem>>)
    %dma_wait3A_331 = arith.constant 3 : i32
    %dma_wait3A_332 = arith.constant 0 : i32
    %dma_wait3A_333 = arith.constant 0 : i32
    %dma_wait3A_334 = tpu.memref_slice %arg9[%dma_wait3A_331, %dma_wait3A_332, %dma_wait3A_333] : memref<5x16x128xf32, #tpu.memory_space<vmem>> -> memref<1x16x128xf32, #tpu.memory_space<vmem>>
    %dma_wait3A_335 = tpu.memref_squeeze %dma_wait3A_334 : memref<1x16x128xf32, #tpu.memory_space<vmem>> -> memref<16x128xf32, #tpu.memory_space<vmem>>
    %dma_wait3A_336 = arith.constant 0 : i32
    %dma_wait3A_337 = tpu.memref_slice %arg7[%dma_wait3A_336] : memref<10000xi32, #tpu.memory_space<vmem>> -> memref<16xi32, #tpu.memory_space<vmem>>
    %dma_wait3A_338 = arith.constant 0 : i32
    %dma_wait3A_339 = arith.constant 0 : i32
    %dma_wait3A_340 = tpu.memref_slice %arg11[%dma_wait3A_338, %dma_wait3A_339] : memref<10000x128xf32, #tpu.memory_space<vmem_shared>> -> memref<10000x128xf32, #tpu.memory_space<vmem_shared>>
    tpu.wait_indirect_dma semaphore(%arg15 : memref<!tpu.dma_semaphore, #tpu.memory_space<semaphore_mem>>) src(%dma_wait3A_340 : memref<10000x128xf32, #tpu.memory_space<vmem_shared>>) dst(%dma_wait3A_335 : memref<16x128xf32, #tpu.memory_space<vmem>>)
    %dma_wait3A_341 = arith.constant 3 : i32
    %dma_wait3A_342 = arith.constant 0 : i32
    %dma_wait3A_343 = arith.constant 0 : i32
    %dma_wait3A_344 = tpu.memref_slice %arg10[%dma_wait3A_341, %dma_wait3A_342, %dma_wait3A_343] : memref<5x16x128xf32, #tpu.memory_space<vmem>> -> memref<1x16x128xf32, #tpu.memory_space<vmem>>
    %dma_wait3A_345 = tpu.memref_squeeze %dma_wait3A_344 : memref<1x16x128xf32, #tpu.memory_space<vmem>> -> memref<16x128xf32, #tpu.memory_space<vmem>>
    %dma_wait3A_346 = arith.constant 0 : i32
    %dma_wait3A_347 = tpu.memref_slice %arg8[%dma_wait3A_346] : memref<10000xi32, #tpu.memory_space<vmem>> -> memref<16xi32, #tpu.memory_space<vmem>>
    %dma_wait3A_348 = arith.constant 0 : i32
    %dma_wait3A_349 = arith.constant 0 : i32
    %dma_wait3A_350 = tpu.memref_slice %arg11[%dma_wait3A_348, %dma_wait3A_349] : memref<10000x128xf32, #tpu.memory_space<vmem_shared>> -> memref<10000x128xf32, #tpu.memory_space<vmem_shared>>
    tpu.wait_indirect_dma semaphore(%arg20 : memref<!tpu.dma_semaphore, #tpu.memory_space<semaphore_mem>>) src(%dma_wait3A_350 : memref<10000x128xf32, #tpu.memory_space<vmem_shared>>) dst(%dma_wait3A_345 : memref<16x128xf32, #tpu.memory_space<vmem>>)
    %add3A_351 = arith.constant 48 : i32
    %add3A_352 = arith.addi %mul3A_2, %add3A_351 : i32
    %dma_start3A_353 = arith.constant 3 : i32
    %dma_start3A_354 = arith.constant 0 : i32
    %dma_start3A_355 = arith.constant 0 : i32
    %dma_start3A_356 = tpu.memref_slice %arg9[%dma_start3A_353, %dma_start3A_354, %dma_start3A_355] : memref<5x16x128xf32, #tpu.memory_space<vmem>> -> memref<1x16x128xf32, #tpu.memory_space<vmem>>
    %dma_start3A_357 = tpu.memref_squeeze %dma_start3A_356 : memref<1x16x128xf32, #tpu.memory_space<vmem>> -> memref<16x128xf32, #tpu.memory_space<vmem>>
    %dma_start3A_358 = arith.constant 0 : i32
    %dma_start3A_359 = tpu.memref_slice %arg6[%add3A_352, %dma_start3A_358] : memref<320000x128xf32, #tpu.memory_space<hbm>> -> memref<16x128xf32, #tpu.memory_space<hbm>>
    %dma_start3A_360 = arith.constant 0 : i32
    %dma_start3A_361 = tpu.memref_slice %arg6[%add3A_352, %dma_start3A_360] : memref<320000x128xf32, #tpu.memory_space<hbm>> -> memref<16x128xf32, #tpu.memory_space<hbm>>
    %dma_start3A_362 = arith.constant 0 : i32
    %dma_start3A_363 = arith.constant 0 : i32
    %dma_start3A_364 = tpu.memref_slice %arg9[%dma_start3A_353, %dma_start3A_362, %dma_start3A_363] : memref<5x16x128xf32, #tpu.memory_space<vmem>> -> memref<1x16x128xf32, #tpu.memory_space<vmem>>
    %dma_start3A_365 = tpu.memref_squeeze %dma_start3A_364 : memref<1x16x128xf32, #tpu.memory_space<vmem>> -> memref<16x128xf32, #tpu.memory_space<vmem>>
    tpu.enqueue_dma source(%dma_start3A_365 : memref<16x128xf32, #tpu.memory_space<vmem>>) target(%dma_start3A_361 : memref<16x128xf32, #tpu.memory_space<hbm>>) target_semaphore(%arg25 : memref<!tpu.dma_semaphore, #tpu.memory_space<semaphore_mem>>)
    %dma_start3A_366 = arith.constant 3 : i32
    %dma_start3A_367 = arith.constant 0 : i32
    %dma_start3A_368 = arith.constant 0 : i32
    %dma_start3A_369 = tpu.memref_slice %arg10[%dma_start3A_366, %dma_start3A_367, %dma_start3A_368] : memref<5x16x128xf32, #tpu.memory_space<vmem>> -> memref<1x16x128xf32, #tpu.memory_space<vmem>>
    %dma_start3A_370 = tpu.memref_squeeze %dma_start3A_369 : memref<1x16x128xf32, #tpu.memory_space<vmem>> -> memref<16x128xf32, #tpu.memory_space<vmem>>
    %dma_start3A_371 = arith.constant 0 : i32
    %dma_start3A_372 = tpu.memref_slice %arg5[%add3A_352, %dma_start3A_371] : memref<320000x128xf32, #tpu.memory_space<hbm>> -> memref<16x128xf32, #tpu.memory_space<hbm>>
    %dma_start3A_373 = arith.constant 0 : i32
    %dma_start3A_374 = tpu.memref_slice %arg5[%add3A_352, %dma_start3A_373] : memref<320000x128xf32, #tpu.memory_space<hbm>> -> memref<16x128xf32, #tpu.memory_space<hbm>>
    %dma_start3A_375 = arith.constant 0 : i32
    %dma_start3A_376 = arith.constant 0 : i32
    %dma_start3A_377 = tpu.memref_slice %arg10[%dma_start3A_366, %dma_start3A_375, %dma_start3A_376] : memref<5x16x128xf32, #tpu.memory_space<vmem>> -> memref<1x16x128xf32, #tpu.memory_space<vmem>>
    %dma_start3A_378 = tpu.memref_squeeze %dma_start3A_377 : memref<1x16x128xf32, #tpu.memory_space<vmem>> -> memref<16x128xf32, #tpu.memory_space<vmem>>
    tpu.enqueue_dma source(%dma_start3A_378 : memref<16x128xf32, #tpu.memory_space<vmem>>) target(%dma_start3A_374 : memref<16x128xf32, #tpu.memory_space<hbm>>) target_semaphore(%arg30 : memref<!tpu.dma_semaphore, #tpu.memory_space<semaphore_mem>>)
    %dma_wait3A_379 = arith.constant 1 : i32
    %dma_wait3A_380 = arith.constant 0 : i32
    %dma_wait3A_381 = arith.constant 0 : i32
    %dma_wait3A_382 = tpu.memref_slice %arg9[%dma_wait3A_379, %dma_wait3A_380, %dma_wait3A_381] : memref<5x16x128xf32, #tpu.memory_space<vmem>> -> memref<1x16x128xf32, #tpu.memory_space<vmem>>
    %dma_wait3A_383 = tpu.memref_squeeze %dma_wait3A_382 : memref<1x16x128xf32, #tpu.memory_space<vmem>> -> memref<16x128xf32, #tpu.memory_space<vmem>>
    %dma_wait3A_384 = arith.constant 0 : i32
    %dma_wait3A_385 = arith.constant 0 : i32
    %dma_wait3A_386 = tpu.memref_slice %arg6[%dma_wait3A_384, %dma_wait3A_385] : memref<320000x128xf32, #tpu.memory_space<hbm>> -> memref<16x128xf32, #tpu.memory_space<hbm>>
    %dma_wait3A_387 = arith.constant 0 : i32
    %dma_wait3A_388 = arith.constant 0 : i32
    %dma_wait3A_389 = tpu.memref_slice %arg6[%dma_wait3A_387, %dma_wait3A_388] : memref<320000x128xf32, #tpu.memory_space<hbm>> -> memref<16x128xf32, #tpu.memory_space<hbm>>
    %dma_wait3A_390 = arith.constant 0 : i32
    %dma_wait3A_391 = arith.constant 0 : i32
    %dma_wait3A_392 = tpu.memref_slice %arg9[%dma_wait3A_379, %dma_wait3A_390, %dma_wait3A_391] : memref<5x16x128xf32, #tpu.memory_space<vmem>> -> memref<1x16x128xf32, #tpu.memory_space<vmem>>
    %dma_wait3A_393 = tpu.memref_squeeze %dma_wait3A_392 : memref<1x16x128xf32, #tpu.memory_space<vmem>> -> memref<16x128xf32, #tpu.memory_space<vmem>>
    tpu.wait_dma2 semaphore(%arg23 : memref<!tpu.dma_semaphore, #tpu.memory_space<semaphore_mem>>) src(%dma_wait3A_393 : memref<16x128xf32, #tpu.memory_space<vmem>>) dst(%dma_wait3A_389 : memref<16x128xf32, #tpu.memory_space<hbm>>)
    %dma_wait3A_394 = arith.constant 1 : i32
    %dma_wait3A_395 = arith.constant 0 : i32
    %dma_wait3A_396 = arith.constant 0 : i32
    %dma_wait3A_397 = tpu.memref_slice %arg10[%dma_wait3A_394, %dma_wait3A_395, %dma_wait3A_396] : memref<5x16x128xf32, #tpu.memory_space<vmem>> -> memref<1x16x128xf32, #tpu.memory_space<vmem>>
    %dma_wait3A_398 = tpu.memref_squeeze %dma_wait3A_397 : memref<1x16x128xf32, #tpu.memory_space<vmem>> -> memref<16x128xf32, #tpu.memory_space<vmem>>
    %dma_wait3A_399 = arith.constant 0 : i32
    %dma_wait3A_400 = arith.constant 0 : i32
    %dma_wait3A_401 = tpu.memref_slice %arg5[%dma_wait3A_399, %dma_wait3A_400] : memref<320000x128xf32, #tpu.memory_space<hbm>> -> memref<16x128xf32, #tpu.memory_space<hbm>>
    %dma_wait3A_402 = arith.constant 0 : i32
    %dma_wait3A_403 = arith.constant 0 : i32
    %dma_wait3A_404 = tpu.memref_slice %arg5[%dma_wait3A_402, %dma_wait3A_403] : memref<320000x128xf32, #tpu.memory_space<hbm>> -> memref<16x128xf32, #tpu.memory_space<hbm>>
    %dma_wait3A_405 = arith.constant 0 : i32
    %dma_wait3A_406 = arith.constant 0 : i32
    %dma_wait3A_407 = tpu.memref_slice %arg10[%dma_wait3A_394, %dma_wait3A_405, %dma_wait3A_406] : memref<5x16x128xf32, #tpu.memory_space<vmem>> -> memref<1x16x128xf32, #tpu.memory_space<vmem>>
    %dma_wait3A_408 = tpu.memref_squeeze %dma_wait3A_407 : memref<1x16x128xf32, #tpu.memory_space<vmem>> -> memref<16x128xf32, #tpu.memory_space<vmem>>
    tpu.wait_dma2 semaphore(%arg28 : memref<!tpu.dma_semaphore, #tpu.memory_space<semaphore_mem>>) src(%dma_wait3A_408 : memref<16x128xf32, #tpu.memory_space<vmem>>) dst(%dma_wait3A_404 : memref<16x128xf32, #tpu.memory_space<hbm>>)
    %dma_start3A_409 = arith.constant 1 : i32
    %dma_start3A_410 = arith.constant 0 : i32
    %dma_start3A_411 = arith.constant 0 : i32
    %dma_start3A_412 = tpu.memref_slice %arg9[%dma_start3A_409, %dma_start3A_410, %dma_start3A_411] : memref<5x16x128xf32, #tpu.memory_space<vmem>> -> memref<1x16x128xf32, #tpu.memory_space<vmem>>
    %dma_start3A_413 = tpu.memref_squeeze %dma_start3A_412 : memref<1x16x128xf32, #tpu.memory_space<vmem>> -> memref<16x128xf32, #tpu.memory_space<vmem>>
    %dma_start3A_414 = arith.constant 96 : i32
    %dma_start3A_415 = tpu.memref_slice %arg7[%dma_start3A_414] : memref<10000xi32, #tpu.memory_space<vmem>> -> memref<16xi32, #tpu.memory_space<vmem>>
    %dma_start3A_416 = arith.constant 0 : i32
    %dma_start3A_417 = arith.constant 0 : i32
    %dma_start3A_418 = tpu.memref_slice %arg11[%dma_start3A_416, %dma_start3A_417] : memref<10000x128xf32, #tpu.memory_space<vmem_shared>> -> memref<10000x128xf32, #tpu.memory_space<vmem_shared>>
    tpu.enqueue_indirect_dma source(%dma_start3A_418 : memref<10000x128xf32, #tpu.memory_space<vmem_shared>>) target(%dma_start3A_413 : memref<16x128xf32, #tpu.memory_space<vmem>>) offsets(%dma_start3A_415 : memref<16xi32, #tpu.memory_space<vmem>>) semaphore(%arg13 : memref<!tpu.dma_semaphore, #tpu.memory_space<semaphore_mem>>)
    %dma_start3A_419 = arith.constant 1 : i32
    %dma_start3A_420 = arith.constant 0 : i32
    %dma_start3A_421 = arith.constant 0 : i32
    %dma_start3A_422 = tpu.memref_slice %arg10[%dma_start3A_419, %dma_start3A_420, %dma_start3A_421] : memref<5x16x128xf32, #tpu.memory_space<vmem>> -> memref<1x16x128xf32, #tpu.memory_space<vmem>>
    %dma_start3A_423 = tpu.memref_squeeze %dma_start3A_422 : memref<1x16x128xf32, #tpu.memory_space<vmem>> -> memref<16x128xf32, #tpu.memory_space<vmem>>
    %dma_start3A_424 = arith.constant 96 : i32
    %dma_start3A_425 = tpu.memref_slice %arg8[%dma_start3A_424] : memref<10000xi32, #tpu.memory_space<vmem>> -> memref<16xi32, #tpu.memory_space<vmem>>
    %dma_start3A_426 = arith.constant 0 : i32
    %dma_start3A_427 = arith.constant 0 : i32
    %dma_start3A_428 = tpu.memref_slice %arg11[%dma_start3A_426, %dma_start3A_427] : memref<10000x128xf32, #tpu.memory_space<vmem_shared>> -> memref<10000x128xf32, #tpu.memory_space<vmem_shared>>
    tpu.enqueue_indirect_dma source(%dma_start3A_428 : memref<10000x128xf32, #tpu.memory_space<vmem_shared>>) target(%dma_start3A_423 : memref<16x128xf32, #tpu.memory_space<vmem>>) offsets(%dma_start3A_425 : memref<16xi32, #tpu.memory_space<vmem>>) semaphore(%arg18 : memref<!tpu.dma_semaphore, #tpu.memory_space<semaphore_mem>>)
    %dma_wait3A_429 = arith.constant 4 : i32
    %dma_wait3A_430 = arith.constant 0 : i32
    %dma_wait3A_431 = arith.constant 0 : i32
    %dma_wait3A_432 = tpu.memref_slice %arg9[%dma_wait3A_429, %dma_wait3A_430, %dma_wait3A_431] : memref<5x16x128xf32, #tpu.memory_space<vmem>> -> memref<1x16x128xf32, #tpu.memory_space<vmem>>
    %dma_wait3A_433 = tpu.memref_squeeze %dma_wait3A_432 : memref<1x16x128xf32, #tpu.memory_space<vmem>> -> memref<16x128xf32, #tpu.memory_space<vmem>>
    %dma_wait3A_434 = arith.constant 0 : i32
    %dma_wait3A_435 = tpu.memref_slice %arg7[%dma_wait3A_434] : memref<10000xi32, #tpu.memory_space<vmem>> -> memref<16xi32, #tpu.memory_space<vmem>>
    %dma_wait3A_436 = arith.constant 0 : i32
    %dma_wait3A_437 = arith.constant 0 : i32
    %dma_wait3A_438 = tpu.memref_slice %arg11[%dma_wait3A_436, %dma_wait3A_437] : memref<10000x128xf32, #tpu.memory_space<vmem_shared>> -> memref<10000x128xf32, #tpu.memory_space<vmem_shared>>
    tpu.wait_indirect_dma semaphore(%arg16 : memref<!tpu.dma_semaphore, #tpu.memory_space<semaphore_mem>>) src(%dma_wait3A_438 : memref<10000x128xf32, #tpu.memory_space<vmem_shared>>) dst(%dma_wait3A_433 : memref<16x128xf32, #tpu.memory_space<vmem>>)
    %dma_wait3A_439 = arith.constant 4 : i32
    %dma_wait3A_440 = arith.constant 0 : i32
    %dma_wait3A_441 = arith.constant 0 : i32
    %dma_wait3A_442 = tpu.memref_slice %arg10[%dma_wait3A_439, %dma_wait3A_440, %dma_wait3A_441] : memref<5x16x128xf32, #tpu.memory_space<vmem>> -> memref<1x16x128xf32, #tpu.memory_space<vmem>>
    %dma_wait3A_443 = tpu.memref_squeeze %dma_wait3A_442 : memref<1x16x128xf32, #tpu.memory_space<vmem>> -> memref<16x128xf32, #tpu.memory_space<vmem>>
    %dma_wait3A_444 = arith.constant 0 : i32
    %dma_wait3A_445 = tpu.memref_slice %arg8[%dma_wait3A_444] : memref<10000xi32, #tpu.memory_space<vmem>> -> memref<16xi32, #tpu.memory_space<vmem>>
    %dma_wait3A_446 = arith.constant 0 : i32
    %dma_wait3A_447 = arith.constant 0 : i32
    %dma_wait3A_448 = tpu.memref_slice %arg11[%dma_wait3A_446, %dma_wait3A_447] : memref<10000x128xf32, #tpu.memory_space<vmem_shared>> -> memref<10000x128xf32, #tpu.memory_space<vmem_shared>>
    tpu.wait_indirect_dma semaphore(%arg21 : memref<!tpu.dma_semaphore, #tpu.memory_space<semaphore_mem>>) src(%dma_wait3A_448 : memref<10000x128xf32, #tpu.memory_space<vmem_shared>>) dst(%dma_wait3A_443 : memref<16x128xf32, #tpu.memory_space<vmem>>)
    %add3A_449 = arith.constant 64 : i32
    %add3A_450 = arith.addi %mul3A_2, %add3A_449 : i32
    %dma_start3A_451 = arith.constant 4 : i32
    %dma_start3A_452 = arith.constant 0 : i32
    %dma_start3A_453 = arith.constant 0 : i32
    %dma_start3A_454 = tpu.memref_slice %arg9[%dma_start3A_451, %dma_start3A_452, %dma_start3A_453] : memref<5x16x128xf32, #tpu.memory_space<vmem>> -> memref<1x16x128xf32, #tpu.memory_space<vmem>>
    %dma_start3A_455 = tpu.memref_squeeze %dma_start3A_454 : memref<1x16x128xf32, #tpu.memory_space<vmem>> -> memref<16x128xf32, #tpu.memory_space<vmem>>
    %dma_start3A_456 = arith.constant 0 : i32
    %dma_start3A_457 = tpu.memref_slice %arg6[%add3A_450, %dma_start3A_456] : memref<320000x128xf32, #tpu.memory_space<hbm>> -> memref<16x128xf32, #tpu.memory_space<hbm>>
    %dma_start3A_458 = arith.constant 0 : i32
    %dma_start3A_459 = tpu.memref_slice %arg6[%add3A_450, %dma_start3A_458] : memref<320000x128xf32, #tpu.memory_space<hbm>> -> memref<16x128xf32, #tpu.memory_space<hbm>>
    %dma_start3A_460 = arith.constant 0 : i32
    %dma_start3A_461 = arith.constant 0 : i32
    %dma_start3A_462 = tpu.memref_slice %arg9[%dma_start3A_451, %dma_start3A_460, %dma_start3A_461] : memref<5x16x128xf32, #tpu.memory_space<vmem>> -> memref<1x16x128xf32, #tpu.memory_space<vmem>>
    %dma_start3A_463 = tpu.memref_squeeze %dma_start3A_462 : memref<1x16x128xf32, #tpu.memory_space<vmem>> -> memref<16x128xf32, #tpu.memory_space<vmem>>
    tpu.enqueue_dma source(%dma_start3A_463 : memref<16x128xf32, #tpu.memory_space<vmem>>) target(%dma_start3A_459 : memref<16x128xf32, #tpu.memory_space<hbm>>) target_semaphore(%arg26 : memref<!tpu.dma_semaphore, #tpu.memory_space<semaphore_mem>>)
    %dma_start3A_464 = arith.constant 4 : i32
    %dma_start3A_465 = arith.constant 0 : i32
    %dma_start3A_466 = arith.constant 0 : i32
    %dma_start3A_467 = tpu.memref_slice %arg10[%dma_start3A_464, %dma_start3A_465, %dma_start3A_466] : memref<5x16x128xf32, #tpu.memory_space<vmem>> -> memref<1x16x128xf32, #tpu.memory_space<vmem>>
    %dma_start3A_468 = tpu.memref_squeeze %dma_start3A_467 : memref<1x16x128xf32, #tpu.memory_space<vmem>> -> memref<16x128xf32, #tpu.memory_space<vmem>>
    %dma_start3A_469 = arith.constant 0 : i32
    %dma_start3A_470 = tpu.memref_slice %arg5[%add3A_450, %dma_start3A_469] : memref<320000x128xf32, #tpu.memory_space<hbm>> -> memref<16x128xf32, #tpu.memory_space<hbm>>
    %dma_start3A_471 = arith.constant 0 : i32
    %dma_start3A_472 = tpu.memref_slice %arg5[%add3A_450, %dma_start3A_471] : memref<320000x128xf32, #tpu.memory_space<hbm>> -> memref<16x128xf32, #tpu.memory_space<hbm>>
    %dma_start3A_473 = arith.constant 0 : i32
    %dma_start3A_474 = arith.constant 0 : i32
    %dma_start3A_475 = tpu.memref_slice %arg10[%dma_start3A_464, %dma_start3A_473, %dma_start3A_474] : memref<5x16x128xf32, #tpu.memory_space<vmem>> -> memref<1x16x128xf32, #tpu.memory_space<vmem>>
    %dma_start3A_476 = tpu.memref_squeeze %dma_start3A_475 : memref<1x16x128xf32, #tpu.memory_space<vmem>> -> memref<16x128xf32, #tpu.memory_space<vmem>>
    tpu.enqueue_dma source(%dma_start3A_476 : memref<16x128xf32, #tpu.memory_space<vmem>>) target(%dma_start3A_472 : memref<16x128xf32, #tpu.memory_space<hbm>>) target_semaphore(%arg31 : memref<!tpu.dma_semaphore, #tpu.memory_space<semaphore_mem>>)
    %scan3A = arith.constant 0 : i32
    %scan3A_477 = arith.constant 1 : i32
    %scan3A_478 = arith.constant 123 : i32
    %scan3A_479 = arith.addi %scan3A_477, %scan3A_478 : i32
    %scan3A_480 = arith.constant 1 : i32
    scf.for %scan3A_1022 = %scan3A_477 to %scan3A_479 step %scan3A_480  : i32 {
      %mul3A_1023 = arith.constant 5 : i32
      %mul3A_1024 = arith.muli %scan3A_1022, %mul3A_1023 : i32
      %add3A_1025 = arith.constant 0 : i32
      %add3A_1026 = arith.addi %mul3A_1024, %add3A_1025 : i32
      %dma_wait3A_1027 = arith.constant 2 : i32
      %dma_wait3A_1028 = arith.constant 0 : i32
      %dma_wait3A_1029 = arith.constant 0 : i32
      %dma_wait3A_1030 = tpu.memref_slice %arg9[%dma_wait3A_1027, %dma_wait3A_1028, %dma_wait3A_1029] : memref<5x16x128xf32, #tpu.memory_space<vmem>> -> memref<1x16x128xf32, #tpu.memory_space<vmem>>
      %dma_wait3A_1031 = tpu.memref_squeeze %dma_wait3A_1030 : memref<1x16x128xf32, #tpu.memory_space<vmem>> -> memref<16x128xf32, #tpu.memory_space<vmem>>
      %dma_wait3A_1032 = arith.constant 0 : i32
      %dma_wait3A_1033 = arith.constant 0 : i32
      %dma_wait3A_1034 = tpu.memref_slice %arg6[%dma_wait3A_1032, %dma_wait3A_1033] : memref<320000x128xf32, #tpu.memory_space<hbm>> -> memref<16x128xf32, #tpu.memory_space<hbm>>
      %dma_wait3A_1035 = arith.constant 0 : i32
      %dma_wait3A_1036 = arith.constant 0 : i32
      %dma_wait3A_1037 = tpu.memref_slice %arg6[%dma_wait3A_1035, %dma_wait3A_1036] : memref<320000x128xf32, #tpu.memory_space<hbm>> -> memref<16x128xf32, #tpu.memory_space<hbm>>
      %dma_wait3A_1038 = arith.constant 0 : i32
      %dma_wait3A_1039 = arith.constant 0 : i32
      %dma_wait3A_1040 = tpu.memref_slice %arg9[%dma_wait3A_1027, %dma_wait3A_1038, %dma_wait3A_1039] : memref<5x16x128xf32, #tpu.memory_space<vmem>> -> memref<1x16x128xf32, #tpu.memory_space<vmem>>
      %dma_wait3A_1041 = tpu.memref_squeeze %dma_wait3A_1040 : memref<1x16x128xf32, #tpu.memory_space<vmem>> -> memref<16x128xf32, #tpu.memory_space<vmem>>
      tpu.wait_dma2 semaphore(%arg24 : memref<!tpu.dma_semaphore, #tpu.memory_space<semaphore_mem>>) src(%dma_wait3A_1041 : memref<16x128xf32, #tpu.memory_space<vmem>>) dst(%dma_wait3A_1037 : memref<16x128xf32, #tpu.memory_space<hbm>>)
      %dma_wait3A_1042 = arith.constant 2 : i32
      %dma_wait3A_1043 = arith.constant 0 : i32
      %dma_wait3A_1044 = arith.constant 0 : i32
      %dma_wait3A_1045 = tpu.memref_slice %arg10[%dma_wait3A_1042, %dma_wait3A_1043, %dma_wait3A_1044] : memref<5x16x128xf32, #tpu.memory_space<vmem>> -> memref<1x16x128xf32, #tpu.memory_space<vmem>>
      %dma_wait3A_1046 = tpu.memref_squeeze %dma_wait3A_1045 : memref<1x16x128xf32, #tpu.memory_space<vmem>> -> memref<16x128xf32, #tpu.memory_space<vmem>>
      %dma_wait3A_1047 = arith.constant 0 : i32
      %dma_wait3A_1048 = arith.constant 0 : i32
      %dma_wait3A_1049 = tpu.memref_slice %arg5[%dma_wait3A_1047, %dma_wait3A_1048] : memref<320000x128xf32, #tpu.memory_space<hbm>> -> memref<16x128xf32, #tpu.memory_space<hbm>>
      %dma_wait3A_1050 = arith.constant 0 : i32
      %dma_wait3A_1051 = arith.constant 0 : i32
      %dma_wait3A_1052 = tpu.memref_slice %arg5[%dma_wait3A_1050, %dma_wait3A_1051] : memref<320000x128xf32, #tpu.memory_space<hbm>> -> memref<16x128xf32, #tpu.memory_space<hbm>>
      %dma_wait3A_1053 = arith.constant 0 : i32
      %dma_wait3A_1054 = arith.constant 0 : i32
      %dma_wait3A_1055 = tpu.memref_slice %arg10[%dma_wait3A_1042, %dma_wait3A_1053, %dma_wait3A_1054] : memref<5x16x128xf32, #tpu.memory_space<vmem>> -> memref<1x16x128xf32, #tpu.memory_space<vmem>>
      %dma_wait3A_1056 = tpu.memref_squeeze %dma_wait3A_1055 : memref<1x16x128xf32, #tpu.memory_space<vmem>> -> memref<16x128xf32, #tpu.memory_space<vmem>>
      tpu.wait_dma2 semaphore(%arg29 : memref<!tpu.dma_semaphore, #tpu.memory_space<semaphore_mem>>) src(%dma_wait3A_1056 : memref<16x128xf32, #tpu.memory_space<vmem>>) dst(%dma_wait3A_1052 : memref<16x128xf32, #tpu.memory_space<hbm>>)
      %sub3A = arith.constant 3 : i32
      %sub3A_1057 = arith.subi %add3A_1026, %sub3A : i32
      %add3A_1058 = arith.constant 5 : i32
      %add3A_1059 = arith.addi %sub3A_1057, %add3A_1058 : i32
      %mul3A_1060 = arith.constant 16 : i32
      %mul3A_1061 = arith.muli %add3A_1059, %mul3A_1060 : i32
      %dma_start3A_1062 = arith.constant 2 : i32
      %dma_start3A_1063 = arith.constant 0 : i32
      %dma_start3A_1064 = arith.constant 0 : i32
      %dma_start3A_1065 = tpu.memref_slice %arg9[%dma_start3A_1062, %dma_start3A_1063, %dma_start3A_1064] : memref<5x16x128xf32, #tpu.memory_space<vmem>> -> memref<1x16x128xf32, #tpu.memory_space<vmem>>
      %dma_start3A_1066 = tpu.memref_squeeze %dma_start3A_1065 : memref<1x16x128xf32, #tpu.memory_space<vmem>> -> memref<16x128xf32, #tpu.memory_space<vmem>>
      %dma_start3A_1067 = tpu.memref_slice %arg7[%mul3A_1061] : memref<10000xi32, #tpu.memory_space<vmem>> -> memref<16xi32, #tpu.memory_space<vmem>>
      %dma_start3A_1068 = arith.constant 0 : i32
      %dma_start3A_1069 = arith.constant 0 : i32
      %dma_start3A_1070 = tpu.memref_slice %arg11[%dma_start3A_1068, %dma_start3A_1069] : memref<10000x128xf32, #tpu.memory_space<vmem_shared>> -> memref<10000x128xf32, #tpu.memory_space<vmem_shared>>
      tpu.enqueue_indirect_dma source(%dma_start3A_1070 : memref<10000x128xf32, #tpu.memory_space<vmem_shared>>) target(%dma_start3A_1066 : memref<16x128xf32, #tpu.memory_space<vmem>>) offsets(%dma_start3A_1067 : memref<16xi32, #tpu.memory_space<vmem>>) semaphore(%arg14 : memref<!tpu.dma_semaphore, #tpu.memory_space<semaphore_mem>>)
      %dma_start3A_1071 = arith.constant 2 : i32
      %dma_start3A_1072 = arith.constant 0 : i32
      %dma_start3A_1073 = arith.constant 0 : i32
      %dma_start3A_1074 = tpu.memref_slice %arg10[%dma_start3A_1071, %dma_start3A_1072, %dma_start3A_1073] : memref<5x16x128xf32, #tpu.memory_space<vmem>> -> memref<1x16x128xf32, #tpu.memory_space<vmem>>
      %dma_start3A_1075 = tpu.memref_squeeze %dma_start3A_1074 : memref<1x16x128xf32, #tpu.memory_space<vmem>> -> memref<16x128xf32, #tpu.memory_space<vmem>>
      %dma_start3A_1076 = tpu.memref_slice %arg8[%mul3A_1061] : memref<10000xi32, #tpu.memory_space<vmem>> -> memref<16xi32, #tpu.memory_space<vmem>>
      %dma_start3A_1077 = arith.constant 0 : i32
      %dma_start3A_1078 = arith.constant 0 : i32
      %dma_start3A_1079 = tpu.memref_slice %arg11[%dma_start3A_1077, %dma_start3A_1078] : memref<10000x128xf32, #tpu.memory_space<vmem_shared>> -> memref<10000x128xf32, #tpu.memory_space<vmem_shared>>
      tpu.enqueue_indirect_dma source(%dma_start3A_1079 : memref<10000x128xf32, #tpu.memory_space<vmem_shared>>) target(%dma_start3A_1075 : memref<16x128xf32, #tpu.memory_space<vmem>>) offsets(%dma_start3A_1076 : memref<16xi32, #tpu.memory_space<vmem>>) semaphore(%arg19 : memref<!tpu.dma_semaphore, #tpu.memory_space<semaphore_mem>>)
      %dma_wait3A_1080 = arith.constant 0 : i32
      %dma_wait3A_1081 = arith.constant 0 : i32
      %dma_wait3A_1082 = arith.constant 0 : i32
      %dma_wait3A_1083 = tpu.memref_slice %arg9[%dma_wait3A_1080, %dma_wait3A_1081, %dma_wait3A_1082] : memref<5x16x128xf32, #tpu.memory_space<vmem>> -> memref<1x16x128xf32, #tpu.memory_space<vmem>>
      %dma_wait3A_1084 = tpu.memref_squeeze %dma_wait3A_1083 : memref<1x16x128xf32, #tpu.memory_space<vmem>> -> memref<16x128xf32, #tpu.memory_space<vmem>>
      %dma_wait3A_1085 = arith.constant 0 : i32
      %dma_wait3A_1086 = tpu.memref_slice %arg7[%dma_wait3A_1085] : memref<10000xi32, #tpu.memory_space<vmem>> -> memref<16xi32, #tpu.memory_space<vmem>>
      %dma_wait3A_1087 = arith.constant 0 : i32
      %dma_wait3A_1088 = arith.constant 0 : i32
      %dma_wait3A_1089 = tpu.memref_slice %arg11[%dma_wait3A_1087, %dma_wait3A_1088] : memref<10000x128xf32, #tpu.memory_space<vmem_shared>> -> memref<10000x128xf32, #tpu.memory_space<vmem_shared>>
      tpu.wait_indirect_dma semaphore(%arg12 : memref<!tpu.dma_semaphore, #tpu.memory_space<semaphore_mem>>) src(%dma_wait3A_1089 : memref<10000x128xf32, #tpu.memory_space<vmem_shared>>) dst(%dma_wait3A_1084 : memref<16x128xf32, #tpu.memory_space<vmem>>)
      %dma_wait3A_1090 = arith.constant 0 : i32
      %dma_wait3A_1091 = arith.constant 0 : i32
      %dma_wait3A_1092 = arith.constant 0 : i32
      %dma_wait3A_1093 = tpu.memref_slice %arg10[%dma_wait3A_1090, %dma_wait3A_1091, %dma_wait3A_1092] : memref<5x16x128xf32, #tpu.memory_space<vmem>> -> memref<1x16x128xf32, #tpu.memory_space<vmem>>
      %dma_wait3A_1094 = tpu.memref_squeeze %dma_wait3A_1093 : memref<1x16x128xf32, #tpu.memory_space<vmem>> -> memref<16x128xf32, #tpu.memory_space<vmem>>
      %dma_wait3A_1095 = arith.constant 0 : i32
      %dma_wait3A_1096 = tpu.memref_slice %arg8[%dma_wait3A_1095] : memref<10000xi32, #tpu.memory_space<vmem>> -> memref<16xi32, #tpu.memory_space<vmem>>
      %dma_wait3A_1097 = arith.constant 0 : i32
      %dma_wait3A_1098 = arith.constant 0 : i32
      %dma_wait3A_1099 = tpu.memref_slice %arg11[%dma_wait3A_1097, %dma_wait3A_1098] : memref<10000x128xf32, #tpu.memory_space<vmem_shared>> -> memref<10000x128xf32, #tpu.memory_space<vmem_shared>>
      tpu.wait_indirect_dma semaphore(%arg17 : memref<!tpu.dma_semaphore, #tpu.memory_space<semaphore_mem>>) src(%dma_wait3A_1099 : memref<10000x128xf32, #tpu.memory_space<vmem_shared>>) dst(%dma_wait3A_1094 : memref<16x128xf32, #tpu.memory_space<vmem>>)
      %mul3A_1100 = arith.constant 16 : i32
      %mul3A_1101 = arith.muli %add3A_1026, %mul3A_1100 : i32
      %add3A_1102 = arith.addi %mul3A_2, %mul3A_1101 : i32
      %dma_start3A_1103 = arith.constant 0 : i32
      %dma_start3A_1104 = arith.constant 0 : i32
      %dma_start3A_1105 = arith.constant 0 : i32
      %dma_start3A_1106 = tpu.memref_slice %arg9[%dma_start3A_1103, %dma_start3A_1104, %dma_start3A_1105] : memref<5x16x128xf32, #tpu.memory_space<vmem>> -> memref<1x16x128xf32, #tpu.memory_space<vmem>>
      %dma_start3A_1107 = tpu.memref_squeeze %dma_start3A_1106 : memref<1x16x128xf32, #tpu.memory_space<vmem>> -> memref<16x128xf32, #tpu.memory_space<vmem>>
      %dma_start3A_1108 = arith.constant 0 : i32
      %dma_start3A_1109 = tpu.memref_slice %arg6[%add3A_1102, %dma_start3A_1108] : memref<320000x128xf32, #tpu.memory_space<hbm>> -> memref<16x128xf32, #tpu.memory_space<hbm>>
      %dma_start3A_1110 = arith.constant 0 : i32
      %dma_start3A_1111 = tpu.memref_slice %arg6[%add3A_1102, %dma_start3A_1110] : memref<320000x128xf32, #tpu.memory_space<hbm>> -> memref<16x128xf32, #tpu.memory_space<hbm>>
      %dma_start3A_1112 = arith.constant 0 : i32
      %dma_start3A_1113 = arith.constant 0 : i32
      %dma_start3A_1114 = tpu.memref_slice %arg9[%dma_start3A_1103, %dma_start3A_1112, %dma_start3A_1113] : memref<5x16x128xf32, #tpu.memory_space<vmem>> -> memref<1x16x128xf32, #tpu.memory_space<vmem>>
      %dma_start3A_1115 = tpu.memref_squeeze %dma_start3A_1114 : memref<1x16x128xf32, #tpu.memory_space<vmem>> -> memref<16x128xf32, #tpu.memory_space<vmem>>
      tpu.enqueue_dma source(%dma_start3A_1115 : memref<16x128xf32, #tpu.memory_space<vmem>>) target(%dma_start3A_1111 : memref<16x128xf32, #tpu.memory_space<hbm>>) target_semaphore(%arg22 : memref<!tpu.dma_semaphore, #tpu.memory_space<semaphore_mem>>)
      %dma_start3A_1116 = arith.constant 0 : i32
      %dma_start3A_1117 = arith.constant 0 : i32
      %dma_start3A_1118 = arith.constant 0 : i32
      %dma_start3A_1119 = tpu.memref_slice %arg10[%dma_start3A_1116, %dma_start3A_1117, %dma_start3A_1118] : memref<5x16x128xf32, #tpu.memory_space<vmem>> -> memref<1x16x128xf32, #tpu.memory_space<vmem>>
      %dma_start3A_1120 = tpu.memref_squeeze %dma_start3A_1119 : memref<1x16x128xf32, #tpu.memory_space<vmem>> -> memref<16x128xf32, #tpu.memory_space<vmem>>
      %dma_start3A_1121 = arith.constant 0 : i32
      %dma_start3A_1122 = tpu.memref_slice %arg5[%add3A_1102, %dma_start3A_1121] : memref<320000x128xf32, #tpu.memory_space<hbm>> -> memref<16x128xf32, #tpu.memory_space<hbm>>
      %dma_start3A_1123 = arith.constant 0 : i32
      %dma_start3A_1124 = tpu.memref_slice %arg5[%add3A_1102, %dma_start3A_1123] : memref<320000x128xf32, #tpu.memory_space<hbm>> -> memref<16x128xf32, #tpu.memory_space<hbm>>
      %dma_start3A_1125 = arith.constant 0 : i32
      %dma_start3A_1126 = arith.constant 0 : i32
      %dma_start3A_1127 = tpu.memref_slice %arg10[%dma_start3A_1116, %dma_start3A_1125, %dma_start3A_1126] : memref<5x16x128xf32, #tpu.memory_space<vmem>> -> memref<1x16x128xf32, #tpu.memory_space<vmem>>
      %dma_start3A_1128 = tpu.memref_squeeze %dma_start3A_1127 : memref<1x16x128xf32, #tpu.memory_space<vmem>> -> memref<16x128xf32, #tpu.memory_space<vmem>>
      tpu.enqueue_dma source(%dma_start3A_1128 : memref<16x128xf32, #tpu.memory_space<vmem>>) target(%dma_start3A_1124 : memref<16x128xf32, #tpu.memory_space<hbm>>) target_semaphore(%arg27 : memref<!tpu.dma_semaphore, #tpu.memory_space<semaphore_mem>>)
      %add3A_1129 = arith.constant 1 : i32
      %add3A_1130 = arith.addi %mul3A_1024, %add3A_1129 : i32
      %dma_wait3A_1131 = arith.constant 3 : i32
      %dma_wait3A_1132 = arith.constant 0 : i32
      %dma_wait3A_1133 = arith.constant 0 : i32
      %dma_wait3A_1134 = tpu.memref_slice %arg9[%dma_wait3A_1131, %dma_wait3A_1132, %dma_wait3A_1133] : memref<5x16x128xf32, #tpu.memory_space<vmem>> -> memref<1x16x128xf32, #tpu.memory_space<vmem>>
      %dma_wait3A_1135 = tpu.memref_squeeze %dma_wait3A_1134 : memref<1x16x128xf32, #tpu.memory_space<vmem>> -> memref<16x128xf32, #tpu.memory_space<vmem>>
      %dma_wait3A_1136 = arith.constant 0 : i32
      %dma_wait3A_1137 = arith.constant 0 : i32
      %dma_wait3A_1138 = tpu.memref_slice %arg6[%dma_wait3A_1136, %dma_wait3A_1137] : memref<320000x128xf32, #tpu.memory_space<hbm>> -> memref<16x128xf32, #tpu.memory_space<hbm>>
      %dma_wait3A_1139 = arith.constant 0 : i32
      %dma_wait3A_1140 = arith.constant 0 : i32
      %dma_wait3A_1141 = tpu.memref_slice %arg6[%dma_wait3A_1139, %dma_wait3A_1140] : memref<320000x128xf32, #tpu.memory_space<hbm>> -> memref<16x128xf32, #tpu.memory_space<hbm>>
      %dma_wait3A_1142 = arith.constant 0 : i32
      %dma_wait3A_1143 = arith.constant 0 : i32
      %dma_wait3A_1144 = tpu.memref_slice %arg9[%dma_wait3A_1131, %dma_wait3A_1142, %dma_wait3A_1143] : memref<5x16x128xf32, #tpu.memory_space<vmem>> -> memref<1x16x128xf32, #tpu.memory_space<vmem>>
      %dma_wait3A_1145 = tpu.memref_squeeze %dma_wait3A_1144 : memref<1x16x128xf32, #tpu.memory_space<vmem>> -> memref<16x128xf32, #tpu.memory_space<vmem>>
      tpu.wait_dma2 semaphore(%arg25 : memref<!tpu.dma_semaphore, #tpu.memory_space<semaphore_mem>>) src(%dma_wait3A_1145 : memref<16x128xf32, #tpu.memory_space<vmem>>) dst(%dma_wait3A_1141 : memref<16x128xf32, #tpu.memory_space<hbm>>)
      %dma_wait3A_1146 = arith.constant 3 : i32
      %dma_wait3A_1147 = arith.constant 0 : i32
      %dma_wait3A_1148 = arith.constant 0 : i32
      %dma_wait3A_1149 = tpu.memref_slice %arg10[%dma_wait3A_1146, %dma_wait3A_1147, %dma_wait3A_1148] : memref<5x16x128xf32, #tpu.memory_space<vmem>> -> memref<1x16x128xf32, #tpu.memory_space<vmem>>
      %dma_wait3A_1150 = tpu.memref_squeeze %dma_wait3A_1149 : memref<1x16x128xf32, #tpu.memory_space<vmem>> -> memref<16x128xf32, #tpu.memory_space<vmem>>
      %dma_wait3A_1151 = arith.constant 0 : i32
      %dma_wait3A_1152 = arith.constant 0 : i32
      %dma_wait3A_1153 = tpu.memref_slice %arg5[%dma_wait3A_1151, %dma_wait3A_1152] : memref<320000x128xf32, #tpu.memory_space<hbm>> -> memref<16x128xf32, #tpu.memory_space<hbm>>
      %dma_wait3A_1154 = arith.constant 0 : i32
      %dma_wait3A_1155 = arith.constant 0 : i32
      %dma_wait3A_1156 = tpu.memref_slice %arg5[%dma_wait3A_1154, %dma_wait3A_1155] : memref<320000x128xf32, #tpu.memory_space<hbm>> -> memref<16x128xf32, #tpu.memory_space<hbm>>
      %dma_wait3A_1157 = arith.constant 0 : i32
      %dma_wait3A_1158 = arith.constant 0 : i32
      %dma_wait3A_1159 = tpu.memref_slice %arg10[%dma_wait3A_1146, %dma_wait3A_1157, %dma_wait3A_1158] : memref<5x16x128xf32, #tpu.memory_space<vmem>> -> memref<1x16x128xf32, #tpu.memory_space<vmem>>
      %dma_wait3A_1160 = tpu.memref_squeeze %dma_wait3A_1159 : memref<1x16x128xf32, #tpu.memory_space<vmem>> -> memref<16x128xf32, #tpu.memory_space<vmem>>
      tpu.wait_dma2 semaphore(%arg30 : memref<!tpu.dma_semaphore, #tpu.memory_space<semaphore_mem>>) src(%dma_wait3A_1160 : memref<16x128xf32, #tpu.memory_space<vmem>>) dst(%dma_wait3A_1156 : memref<16x128xf32, #tpu.memory_space<hbm>>)
      %sub3A_1161 = arith.constant 3 : i32
      %sub3A_1162 = arith.subi %add3A_1130, %sub3A_1161 : i32
      %add3A_1163 = arith.constant 5 : i32
      %add3A_1164 = arith.addi %sub3A_1162, %add3A_1163 : i32
      %mul3A_1165 = arith.constant 16 : i32
      %mul3A_1166 = arith.muli %add3A_1164, %mul3A_1165 : i32
      %dma_start3A_1167 = arith.constant 3 : i32
      %dma_start3A_1168 = arith.constant 0 : i32
      %dma_start3A_1169 = arith.constant 0 : i32
      %dma_start3A_1170 = tpu.memref_slice %arg9[%dma_start3A_1167, %dma_start3A_1168, %dma_start3A_1169] : memref<5x16x128xf32, #tpu.memory_space<vmem>> -> memref<1x16x128xf32, #tpu.memory_space<vmem>>
      %dma_start3A_1171 = tpu.memref_squeeze %dma_start3A_1170 : memref<1x16x128xf32, #tpu.memory_space<vmem>> -> memref<16x128xf32, #tpu.memory_space<vmem>>
      %dma_start3A_1172 = tpu.memref_slice %arg7[%mul3A_1166] : memref<10000xi32, #tpu.memory_space<vmem>> -> memref<16xi32, #tpu.memory_space<vmem>>
      %dma_start3A_1173 = arith.constant 0 : i32
      %dma_start3A_1174 = arith.constant 0 : i32
      %dma_start3A_1175 = tpu.memref_slice %arg11[%dma_start3A_1173, %dma_start3A_1174] : memref<10000x128xf32, #tpu.memory_space<vmem_shared>> -> memref<10000x128xf32, #tpu.memory_space<vmem_shared>>
      tpu.enqueue_indirect_dma source(%dma_start3A_1175 : memref<10000x128xf32, #tpu.memory_space<vmem_shared>>) target(%dma_start3A_1171 : memref<16x128xf32, #tpu.memory_space<vmem>>) offsets(%dma_start3A_1172 : memref<16xi32, #tpu.memory_space<vmem>>) semaphore(%arg15 : memref<!tpu.dma_semaphore, #tpu.memory_space<semaphore_mem>>)
      %dma_start3A_1176 = arith.constant 3 : i32
      %dma_start3A_1177 = arith.constant 0 : i32
      %dma_start3A_1178 = arith.constant 0 : i32
      %dma_start3A_1179 = tpu.memref_slice %arg10[%dma_start3A_1176, %dma_start3A_1177, %dma_start3A_1178] : memref<5x16x128xf32, #tpu.memory_space<vmem>> -> memref<1x16x128xf32, #tpu.memory_space<vmem>>
      %dma_start3A_1180 = tpu.memref_squeeze %dma_start3A_1179 : memref<1x16x128xf32, #tpu.memory_space<vmem>> -> memref<16x128xf32, #tpu.memory_space<vmem>>
      %dma_start3A_1181 = tpu.memref_slice %arg8[%mul3A_1166] : memref<10000xi32, #tpu.memory_space<vmem>> -> memref<16xi32, #tpu.memory_space<vmem>>
      %dma_start3A_1182 = arith.constant 0 : i32
      %dma_start3A_1183 = arith.constant 0 : i32
      %dma_start3A_1184 = tpu.memref_slice %arg11[%dma_start3A_1182, %dma_start3A_1183] : memref<10000x128xf32, #tpu.memory_space<vmem_shared>> -> memref<10000x128xf32, #tpu.memory_space<vmem_shared>>
      tpu.enqueue_indirect_dma source(%dma_start3A_1184 : memref<10000x128xf32, #tpu.memory_space<vmem_shared>>) target(%dma_start3A_1180 : memref<16x128xf32, #tpu.memory_space<vmem>>) offsets(%dma_start3A_1181 : memref<16xi32, #tpu.memory_space<vmem>>) semaphore(%arg20 : memref<!tpu.dma_semaphore, #tpu.memory_space<semaphore_mem>>)
      %dma_wait3A_1185 = arith.constant 1 : i32
      %dma_wait3A_1186 = arith.constant 0 : i32
      %dma_wait3A_1187 = arith.constant 0 : i32
      %dma_wait3A_1188 = tpu.memref_slice %arg9[%dma_wait3A_1185, %dma_wait3A_1186, %dma_wait3A_1187] : memref<5x16x128xf32, #tpu.memory_space<vmem>> -> memref<1x16x128xf32, #tpu.memory_space<vmem>>
      %dma_wait3A_1189 = tpu.memref_squeeze %dma_wait3A_1188 : memref<1x16x128xf32, #tpu.memory_space<vmem>> -> memref<16x128xf32, #tpu.memory_space<vmem>>
      %dma_wait3A_1190 = arith.constant 0 : i32
      %dma_wait3A_1191 = tpu.memref_slice %arg7[%dma_wait3A_1190] : memref<10000xi32, #tpu.memory_space<vmem>> -> memref<16xi32, #tpu.memory_space<vmem>>
      %dma_wait3A_1192 = arith.constant 0 : i32
      %dma_wait3A_1193 = arith.constant 0 : i32
      %dma_wait3A_1194 = tpu.memref_slice %arg11[%dma_wait3A_1192, %dma_wait3A_1193] : memref<10000x128xf32, #tpu.memory_space<vmem_shared>> -> memref<10000x128xf32, #tpu.memory_space<vmem_shared>>
      tpu.wait_indirect_dma semaphore(%arg13 : memref<!tpu.dma_semaphore, #tpu.memory_space<semaphore_mem>>) src(%dma_wait3A_1194 : memref<10000x128xf32, #tpu.memory_space<vmem_shared>>) dst(%dma_wait3A_1189 : memref<16x128xf32, #tpu.memory_space<vmem>>)
      %dma_wait3A_1195 = arith.constant 1 : i32
      %dma_wait3A_1196 = arith.constant 0 : i32
      %dma_wait3A_1197 = arith.constant 0 : i32
      %dma_wait3A_1198 = tpu.memref_slice %arg10[%dma_wait3A_1195, %dma_wait3A_1196, %dma_wait3A_1197] : memref<5x16x128xf32, #tpu.memory_space<vmem>> -> memref<1x16x128xf32, #tpu.memory_space<vmem>>
      %dma_wait3A_1199 = tpu.memref_squeeze %dma_wait3A_1198 : memref<1x16x128xf32, #tpu.memory_space<vmem>> -> memref<16x128xf32, #tpu.memory_space<vmem>>
      %dma_wait3A_1200 = arith.constant 0 : i32
      %dma_wait3A_1201 = tpu.memref_slice %arg8[%dma_wait3A_1200] : memref<10000xi32, #tpu.memory_space<vmem>> -> memref<16xi32, #tpu.memory_space<vmem>>
      %dma_wait3A_1202 = arith.constant 0 : i32
      %dma_wait3A_1203 = arith.constant 0 : i32
      %dma_wait3A_1204 = tpu.memref_slice %arg11[%dma_wait3A_1202, %dma_wait3A_1203] : memref<10000x128xf32, #tpu.memory_space<vmem_shared>> -> memref<10000x128xf32, #tpu.memory_space<vmem_shared>>
      tpu.wait_indirect_dma semaphore(%arg18 : memref<!tpu.dma_semaphore, #tpu.memory_space<semaphore_mem>>) src(%dma_wait3A_1204 : memref<10000x128xf32, #tpu.memory_space<vmem_shared>>) dst(%dma_wait3A_1199 : memref<16x128xf32, #tpu.memory_space<vmem>>)
      %mul3A_1205 = arith.constant 16 : i32
      %mul3A_1206 = arith.muli %add3A_1130, %mul3A_1205 : i32
      %add3A_1207 = arith.addi %mul3A_2, %mul3A_1206 : i32
      %dma_start3A_1208 = arith.constant 1 : i32
      %dma_start3A_1209 = arith.constant 0 : i32
      %dma_start3A_1210 = arith.constant 0 : i32
      %dma_start3A_1211 = tpu.memref_slice %arg9[%dma_start3A_1208, %dma_start3A_1209, %dma_start3A_1210] : memref<5x16x128xf32, #tpu.memory_space<vmem>> -> memref<1x16x128xf32, #tpu.memory_space<vmem>>
      %dma_start3A_1212 = tpu.memref_squeeze %dma_start3A_1211 : memref<1x16x128xf32, #tpu.memory_space<vmem>> -> memref<16x128xf32, #tpu.memory_space<vmem>>
      %dma_start3A_1213 = arith.constant 0 : i32
      %dma_start3A_1214 = tpu.memref_slice %arg6[%add3A_1207, %dma_start3A_1213] : memref<320000x128xf32, #tpu.memory_space<hbm>> -> memref<16x128xf32, #tpu.memory_space<hbm>>
      %dma_start3A_1215 = arith.constant 0 : i32
      %dma_start3A_1216 = tpu.memref_slice %arg6[%add3A_1207, %dma_start3A_1215] : memref<320000x128xf32, #tpu.memory_space<hbm>> -> memref<16x128xf32, #tpu.memory_space<hbm>>
      %dma_start3A_1217 = arith.constant 0 : i32
      %dma_start3A_1218 = arith.constant 0 : i32
      %dma_start3A_1219 = tpu.memref_slice %arg9[%dma_start3A_1208, %dma_start3A_1217, %dma_start3A_1218] : memref<5x16x128xf32, #tpu.memory_space<vmem>> -> memref<1x16x128xf32, #tpu.memory_space<vmem>>
      %dma_start3A_1220 = tpu.memref_squeeze %dma_start3A_1219 : memref<1x16x128xf32, #tpu.memory_space<vmem>> -> memref<16x128xf32, #tpu.memory_space<vmem>>
      tpu.enqueue_dma source(%dma_start3A_1220 : memref<16x128xf32, #tpu.memory_space<vmem>>) target(%dma_start3A_1216 : memref<16x128xf32, #tpu.memory_space<hbm>>) target_semaphore(%arg23 : memref<!tpu.dma_semaphore, #tpu.memory_space<semaphore_mem>>)
      %dma_start3A_1221 = arith.constant 1 : i32
      %dma_start3A_1222 = arith.constant 0 : i32
      %dma_start3A_1223 = arith.constant 0 : i32
      %dma_start3A_1224 = tpu.memref_slice %arg10[%dma_start3A_1221, %dma_start3A_1222, %dma_start3A_1223] : memref<5x16x128xf32, #tpu.memory_space<vmem>> -> memref<1x16x128xf32, #tpu.memory_space<vmem>>
      %dma_start3A_1225 = tpu.memref_squeeze %dma_start3A_1224 : memref<1x16x128xf32, #tpu.memory_space<vmem>> -> memref<16x128xf32, #tpu.memory_space<vmem>>
      %dma_start3A_1226 = arith.constant 0 : i32
      %dma_start3A_1227 = tpu.memref_slice %arg5[%add3A_1207, %dma_start3A_1226] : memref<320000x128xf32, #tpu.memory_space<hbm>> -> memref<16x128xf32, #tpu.memory_space<hbm>>
      %dma_start3A_1228 = arith.constant 0 : i32
      %dma_start3A_1229 = tpu.memref_slice %arg5[%add3A_1207, %dma_start3A_1228] : memref<320000x128xf32, #tpu.memory_space<hbm>> -> memref<16x128xf32, #tpu.memory_space<hbm>>
      %dma_start3A_1230 = arith.constant 0 : i32
      %dma_start3A_1231 = arith.constant 0 : i32
      %dma_start3A_1232 = tpu.memref_slice %arg10[%dma_start3A_1221, %dma_start3A_1230, %dma_start3A_1231] : memref<5x16x128xf32, #tpu.memory_space<vmem>> -> memref<1x16x128xf32, #tpu.memory_space<vmem>>
      %dma_start3A_1233 = tpu.memref_squeeze %dma_start3A_1232 : memref<1x16x128xf32, #tpu.memory_space<vmem>> -> memref<16x128xf32, #tpu.memory_space<vmem>>
      tpu.enqueue_dma source(%dma_start3A_1233 : memref<16x128xf32, #tpu.memory_space<vmem>>) target(%dma_start3A_1229 : memref<16x128xf32, #tpu.memory_space<hbm>>) target_semaphore(%arg28 : memref<!tpu.dma_semaphore, #tpu.memory_space<semaphore_mem>>)
      %add3A_1234 = arith.constant 2 : i32
      %add3A_1235 = arith.addi %mul3A_1024, %add3A_1234 : i32
      %dma_wait3A_1236 = arith.constant 4 : i32
      %dma_wait3A_1237 = arith.constant 0 : i32
      %dma_wait3A_1238 = arith.constant 0 : i32
      %dma_wait3A_1239 = tpu.memref_slice %arg9[%dma_wait3A_1236, %dma_wait3A_1237, %dma_wait3A_1238] : memref<5x16x128xf32, #tpu.memory_space<vmem>> -> memref<1x16x128xf32, #tpu.memory_space<vmem>>
      %dma_wait3A_1240 = tpu.memref_squeeze %dma_wait3A_1239 : memref<1x16x128xf32, #tpu.memory_space<vmem>> -> memref<16x128xf32, #tpu.memory_space<vmem>>
      %dma_wait3A_1241 = arith.constant 0 : i32
      %dma_wait3A_1242 = arith.constant 0 : i32
      %dma_wait3A_1243 = tpu.memref_slice %arg6[%dma_wait3A_1241, %dma_wait3A_1242] : memref<320000x128xf32, #tpu.memory_space<hbm>> -> memref<16x128xf32, #tpu.memory_space<hbm>>
      %dma_wait3A_1244 = arith.constant 0 : i32
      %dma_wait3A_1245 = arith.constant 0 : i32
      %dma_wait3A_1246 = tpu.memref_slice %arg6[%dma_wait3A_1244, %dma_wait3A_1245] : memref<320000x128xf32, #tpu.memory_space<hbm>> -> memref<16x128xf32, #tpu.memory_space<hbm>>
      %dma_wait3A_1247 = arith.constant 0 : i32
      %dma_wait3A_1248 = arith.constant 0 : i32
      %dma_wait3A_1249 = tpu.memref_slice %arg9[%dma_wait3A_1236, %dma_wait3A_1247, %dma_wait3A_1248] : memref<5x16x128xf32, #tpu.memory_space<vmem>> -> memref<1x16x128xf32, #tpu.memory_space<vmem>>
      %dma_wait3A_1250 = tpu.memref_squeeze %dma_wait3A_1249 : memref<1x16x128xf32, #tpu.memory_space<vmem>> -> memref<16x128xf32, #tpu.memory_space<vmem>>
      tpu.wait_dma2 semaphore(%arg26 : memref<!tpu.dma_semaphore, #tpu.memory_space<semaphore_mem>>) src(%dma_wait3A_1250 : memref<16x128xf32, #tpu.memory_space<vmem>>) dst(%dma_wait3A_1246 : memref<16x128xf32, #tpu.memory_space<hbm>>)
      %dma_wait3A_1251 = arith.constant 4 : i32
      %dma_wait3A_1252 = arith.constant 0 : i32
      %dma_wait3A_1253 = arith.constant 0 : i32
      %dma_wait3A_1254 = tpu.memref_slice %arg10[%dma_wait3A_1251, %dma_wait3A_1252, %dma_wait3A_1253] : memref<5x16x128xf32, #tpu.memory_space<vmem>> -> memref<1x16x128xf32, #tpu.memory_space<vmem>>
      %dma_wait3A_1255 = tpu.memref_squeeze %dma_wait3A_1254 : memref<1x16x128xf32, #tpu.memory_space<vmem>> -> memref<16x128xf32, #tpu.memory_space<vmem>>
      %dma_wait3A_1256 = arith.constant 0 : i32
      %dma_wait3A_1257 = arith.constant 0 : i32
      %dma_wait3A_1258 = tpu.memref_slice %arg5[%dma_wait3A_1256, %dma_wait3A_1257] : memref<320000x128xf32, #tpu.memory_space<hbm>> -> memref<16x128xf32, #tpu.memory_space<hbm>>
      %dma_wait3A_1259 = arith.constant 0 : i32
      %dma_wait3A_1260 = arith.constant 0 : i32
      %dma_wait3A_1261 = tpu.memref_slice %arg5[%dma_wait3A_1259, %dma_wait3A_1260] : memref<320000x128xf32, #tpu.memory_space<hbm>> -> memref<16x128xf32, #tpu.memory_space<hbm>>
      %dma_wait3A_1262 = arith.constant 0 : i32
      %dma_wait3A_1263 = arith.constant 0 : i32
      %dma_wait3A_1264 = tpu.memref_slice %arg10[%dma_wait3A_1251, %dma_wait3A_1262, %dma_wait3A_1263] : memref<5x16x128xf32, #tpu.memory_space<vmem>> -> memref<1x16x128xf32, #tpu.memory_space<vmem>>
      %dma_wait3A_1265 = tpu.memref_squeeze %dma_wait3A_1264 : memref<1x16x128xf32, #tpu.memory_space<vmem>> -> memref<16x128xf32, #tpu.memory_space<vmem>>
      tpu.wait_dma2 semaphore(%arg31 : memref<!tpu.dma_semaphore, #tpu.memory_space<semaphore_mem>>) src(%dma_wait3A_1265 : memref<16x128xf32, #tpu.memory_space<vmem>>) dst(%dma_wait3A_1261 : memref<16x128xf32, #tpu.memory_space<hbm>>)
      %sub3A_1266 = arith.constant 3 : i32
      %sub3A_1267 = arith.subi %add3A_1235, %sub3A_1266 : i32
      %add3A_1268 = arith.constant 5 : i32
      %add3A_1269 = arith.addi %sub3A_1267, %add3A_1268 : i32
      %mul3A_1270 = arith.constant 16 : i32
      %mul3A_1271 = arith.muli %add3A_1269, %mul3A_1270 : i32
      %dma_start3A_1272 = arith.constant 4 : i32
      %dma_start3A_1273 = arith.constant 0 : i32
      %dma_start3A_1274 = arith.constant 0 : i32
      %dma_start3A_1275 = tpu.memref_slice %arg9[%dma_start3A_1272, %dma_start3A_1273, %dma_start3A_1274] : memref<5x16x128xf32, #tpu.memory_space<vmem>> -> memref<1x16x128xf32, #tpu.memory_space<vmem>>
      %dma_start3A_1276 = tpu.memref_squeeze %dma_start3A_1275 : memref<1x16x128xf32, #tpu.memory_space<vmem>> -> memref<16x128xf32, #tpu.memory_space<vmem>>
      %dma_start3A_1277 = tpu.memref_slice %arg7[%mul3A_1271] : memref<10000xi32, #tpu.memory_space<vmem>> -> memref<16xi32, #tpu.memory_space<vmem>>
      %dma_start3A_1278 = arith.constant 0 : i32
      %dma_start3A_1279 = arith.constant 0 : i32
      %dma_start3A_1280 = tpu.memref_slice %arg11[%dma_start3A_1278, %dma_start3A_1279] : memref<10000x128xf32, #tpu.memory_space<vmem_shared>> -> memref<10000x128xf32, #tpu.memory_space<vmem_shared>>
      tpu.enqueue_indirect_dma source(%dma_start3A_1280 : memref<10000x128xf32, #tpu.memory_space<vmem_shared>>) target(%dma_start3A_1276 : memref<16x128xf32, #tpu.memory_space<vmem>>) offsets(%dma_start3A_1277 : memref<16xi32, #tpu.memory_space<vmem>>) semaphore(%arg16 : memref<!tpu.dma_semaphore, #tpu.memory_space<semaphore_mem>>)
      %dma_start3A_1281 = arith.constant 4 : i32
      %dma_start3A_1282 = arith.constant 0 : i32
      %dma_start3A_1283 = arith.constant 0 : i32
      %dma_start3A_1284 = tpu.memref_slice %arg10[%dma_start3A_1281, %dma_start3A_1282, %dma_start3A_1283] : memref<5x16x128xf32, #tpu.memory_space<vmem>> -> memref<1x16x128xf32, #tpu.memory_space<vmem>>
      %dma_start3A_1285 = tpu.memref_squeeze %dma_start3A_1284 : memref<1x16x128xf32, #tpu.memory_space<vmem>> -> memref<16x128xf32, #tpu.memory_space<vmem>>
      %dma_start3A_1286 = tpu.memref_slice %arg8[%mul3A_1271] : memref<10000xi32, #tpu.memory_space<vmem>> -> memref<16xi32, #tpu.memory_space<vmem>>
      %dma_start3A_1287 = arith.constant 0 : i32
      %dma_start3A_1288 = arith.constant 0 : i32
      %dma_start3A_1289 = tpu.memref_slice %arg11[%dma_start3A_1287, %dma_start3A_1288] : memref<10000x128xf32, #tpu.memory_space<vmem_shared>> -> memref<10000x128xf32, #tpu.memory_space<vmem_shared>>
      tpu.enqueue_indirect_dma source(%dma_start3A_1289 : memref<10000x128xf32, #tpu.memory_space<vmem_shared>>) target(%dma_start3A_1285 : memref<16x128xf32, #tpu.memory_space<vmem>>) offsets(%dma_start3A_1286 : memref<16xi32, #tpu.memory_space<vmem>>) semaphore(%arg21 : memref<!tpu.dma_semaphore, #tpu.memory_space<semaphore_mem>>)
      %dma_wait3A_1290 = arith.constant 2 : i32
      %dma_wait3A_1291 = arith.constant 0 : i32
      %dma_wait3A_1292 = arith.constant 0 : i32
      %dma_wait3A_1293 = tpu.memref_slice %arg9[%dma_wait3A_1290, %dma_wait3A_1291, %dma_wait3A_1292] : memref<5x16x128xf32, #tpu.memory_space<vmem>> -> memref<1x16x128xf32, #tpu.memory_space<vmem>>
      %dma_wait3A_1294 = tpu.memref_squeeze %dma_wait3A_1293 : memref<1x16x128xf32, #tpu.memory_space<vmem>> -> memref<16x128xf32, #tpu.memory_space<vmem>>
      %dma_wait3A_1295 = arith.constant 0 : i32
      %dma_wait3A_1296 = tpu.memref_slice %arg7[%dma_wait3A_1295] : memref<10000xi32, #tpu.memory_space<vmem>> -> memref<16xi32, #tpu.memory_space<vmem>>
      %dma_wait3A_1297 = arith.constant 0 : i32
      %dma_wait3A_1298 = arith.constant 0 : i32
      %dma_wait3A_1299 = tpu.memref_slice %arg11[%dma_wait3A_1297, %dma_wait3A_1298] : memref<10000x128xf32, #tpu.memory_space<vmem_shared>> -> memref<10000x128xf32, #tpu.memory_space<vmem_shared>>
      tpu.wait_indirect_dma semaphore(%arg14 : memref<!tpu.dma_semaphore, #tpu.memory_space<semaphore_mem>>) src(%dma_wait3A_1299 : memref<10000x128xf32, #tpu.memory_space<vmem_shared>>) dst(%dma_wait3A_1294 : memref<16x128xf32, #tpu.memory_space<vmem>>)
      %dma_wait3A_1300 = arith.constant 2 : i32
      %dma_wait3A_1301 = arith.constant 0 : i32
      %dma_wait3A_1302 = arith.constant 0 : i32
      %dma_wait3A_1303 = tpu.memref_slice %arg10[%dma_wait3A_1300, %dma_wait3A_1301, %dma_wait3A_1302] : memref<5x16x128xf32, #tpu.memory_space<vmem>> -> memref<1x16x128xf32, #tpu.memory_space<vmem>>
      %dma_wait3A_1304 = tpu.memref_squeeze %dma_wait3A_1303 : memref<1x16x128xf32, #tpu.memory_space<vmem>> -> memref<16x128xf32, #tpu.memory_space<vmem>>
      %dma_wait3A_1305 = arith.constant 0 : i32
      %dma_wait3A_1306 = tpu.memref_slice %arg8[%dma_wait3A_1305] : memref<10000xi32, #tpu.memory_space<vmem>> -> memref<16xi32, #tpu.memory_space<vmem>>
      %dma_wait3A_1307 = arith.constant 0 : i32
      %dma_wait3A_1308 = arith.constant 0 : i32
      %dma_wait3A_1309 = tpu.memref_slice %arg11[%dma_wait3A_1307, %dma_wait3A_1308] : memref<10000x128xf32, #tpu.memory_space<vmem_shared>> -> memref<10000x128xf32, #tpu.memory_space<vmem_shared>>
      tpu.wait_indirect_dma semaphore(%arg19 : memref<!tpu.dma_semaphore, #tpu.memory_space<semaphore_mem>>) src(%dma_wait3A_1309 : memref<10000x128xf32, #tpu.memory_space<vmem_shared>>) dst(%dma_wait3A_1304 : memref<16x128xf32, #tpu.memory_space<vmem>>)
      %mul3A_1310 = arith.constant 16 : i32
      %mul3A_1311 = arith.muli %add3A_1235, %mul3A_1310 : i32
      %add3A_1312 = arith.addi %mul3A_2, %mul3A_1311 : i32
      %dma_start3A_1313 = arith.constant 2 : i32
      %dma_start3A_1314 = arith.constant 0 : i32
      %dma_start3A_1315 = arith.constant 0 : i32
      %dma_start3A_1316 = tpu.memref_slice %arg9[%dma_start3A_1313, %dma_start3A_1314, %dma_start3A_1315] : memref<5x16x128xf32, #tpu.memory_space<vmem>> -> memref<1x16x128xf32, #tpu.memory_space<vmem>>
      %dma_start3A_1317 = tpu.memref_squeeze %dma_start3A_1316 : memref<1x16x128xf32, #tpu.memory_space<vmem>> -> memref<16x128xf32, #tpu.memory_space<vmem>>
      %dma_start3A_1318 = arith.constant 0 : i32
      %dma_start3A_1319 = tpu.memref_slice %arg6[%add3A_1312, %dma_start3A_1318] : memref<320000x128xf32, #tpu.memory_space<hbm>> -> memref<16x128xf32, #tpu.memory_space<hbm>>
      %dma_start3A_1320 = arith.constant 0 : i32
      %dma_start3A_1321 = tpu.memref_slice %arg6[%add3A_1312, %dma_start3A_1320] : memref<320000x128xf32, #tpu.memory_space<hbm>> -> memref<16x128xf32, #tpu.memory_space<hbm>>
      %dma_start3A_1322 = arith.constant 0 : i32
      %dma_start3A_1323 = arith.constant 0 : i32
      %dma_start3A_1324 = tpu.memref_slice %arg9[%dma_start3A_1313, %dma_start3A_1322, %dma_start3A_1323] : memref<5x16x128xf32, #tpu.memory_space<vmem>> -> memref<1x16x128xf32, #tpu.memory_space<vmem>>
      %dma_start3A_1325 = tpu.memref_squeeze %dma_start3A_1324 : memref<1x16x128xf32, #tpu.memory_space<vmem>> -> memref<16x128xf32, #tpu.memory_space<vmem>>
      tpu.enqueue_dma source(%dma_start3A_1325 : memref<16x128xf32, #tpu.memory_space<vmem>>) target(%dma_start3A_1321 : memref<16x128xf32, #tpu.memory_space<hbm>>) target_semaphore(%arg24 : memref<!tpu.dma_semaphore, #tpu.memory_space<semaphore_mem>>)
      %dma_start3A_1326 = arith.constant 2 : i32
      %dma_start3A_1327 = arith.constant 0 : i32
      %dma_start3A_1328 = arith.constant 0 : i32
      %dma_start3A_1329 = tpu.memref_slice %arg10[%dma_start3A_1326, %dma_start3A_1327, %dma_start3A_1328] : memref<5x16x128xf32, #tpu.memory_space<vmem>> -> memref<1x16x128xf32, #tpu.memory_space<vmem>>
      %dma_start3A_1330 = tpu.memref_squeeze %dma_start3A_1329 : memref<1x16x128xf32, #tpu.memory_space<vmem>> -> memref<16x128xf32, #tpu.memory_space<vmem>>
      %dma_start3A_1331 = arith.constant 0 : i32
      %dma_start3A_1332 = tpu.memref_slice %arg5[%add3A_1312, %dma_start3A_1331] : memref<320000x128xf32, #tpu.memory_space<hbm>> -> memref<16x128xf32, #tpu.memory_space<hbm>>
      %dma_start3A_1333 = arith.constant 0 : i32
      %dma_start3A_1334 = tpu.memref_slice %arg5[%add3A_1312, %dma_start3A_1333] : memref<320000x128xf32, #tpu.memory_space<hbm>> -> memref<16x128xf32, #tpu.memory_space<hbm>>
      %dma_start3A_1335 = arith.constant 0 : i32
      %dma_start3A_1336 = arith.constant 0 : i32
      %dma_start3A_1337 = tpu.memref_slice %arg10[%dma_start3A_1326, %dma_start3A_1335, %dma_start3A_1336] : memref<5x16x128xf32, #tpu.memory_space<vmem>> -> memref<1x16x128xf32, #tpu.memory_space<vmem>>
      %dma_start3A_1338 = tpu.memref_squeeze %dma_start3A_1337 : memref<1x16x128xf32, #tpu.memory_space<vmem>> -> memref<16x128xf32, #tpu.memory_space<vmem>>
      tpu.enqueue_dma source(%dma_start3A_1338 : memref<16x128xf32, #tpu.memory_space<vmem>>) target(%dma_start3A_1334 : memref<16x128xf32, #tpu.memory_space<hbm>>) target_semaphore(%arg29 : memref<!tpu.dma_semaphore, #tpu.memory_space<semaphore_mem>>)
      %add3A_1339 = arith.constant 3 : i32
      %add3A_1340 = arith.addi %mul3A_1024, %add3A_1339 : i32
      %dma_wait3A_1341 = arith.constant 0 : i32
      %dma_wait3A_1342 = arith.constant 0 : i32
      %dma_wait3A_1343 = arith.constant 0 : i32
      %dma_wait3A_1344 = tpu.memref_slice %arg9[%dma_wait3A_1341, %dma_wait3A_1342, %dma_wait3A_1343] : memref<5x16x128xf32, #tpu.memory_space<vmem>> -> memref<1x16x128xf32, #tpu.memory_space<vmem>>
      %dma_wait3A_1345 = tpu.memref_squeeze %dma_wait3A_1344 : memref<1x16x128xf32, #tpu.memory_space<vmem>> -> memref<16x128xf32, #tpu.memory_space<vmem>>
      %dma_wait3A_1346 = arith.constant 0 : i32
      %dma_wait3A_1347 = arith.constant 0 : i32
      %dma_wait3A_1348 = tpu.memref_slice %arg6[%dma_wait3A_1346, %dma_wait3A_1347] : memref<320000x128xf32, #tpu.memory_space<hbm>> -> memref<16x128xf32, #tpu.memory_space<hbm>>
      %dma_wait3A_1349 = arith.constant 0 : i32
      %dma_wait3A_1350 = arith.constant 0 : i32
      %dma_wait3A_1351 = tpu.memref_slice %arg6[%dma_wait3A_1349, %dma_wait3A_1350] : memref<320000x128xf32, #tpu.memory_space<hbm>> -> memref<16x128xf32, #tpu.memory_space<hbm>>
      %dma_wait3A_1352 = arith.constant 0 : i32
      %dma_wait3A_1353 = arith.constant 0 : i32
      %dma_wait3A_1354 = tpu.memref_slice %arg9[%dma_wait3A_1341, %dma_wait3A_1352, %dma_wait3A_1353] : memref<5x16x128xf32, #tpu.memory_space<vmem>> -> memref<1x16x128xf32, #tpu.memory_space<vmem>>
      %dma_wait3A_1355 = tpu.memref_squeeze %dma_wait3A_1354 : memref<1x16x128xf32, #tpu.memory_space<vmem>> -> memref<16x128xf32, #tpu.memory_space<vmem>>
      tpu.wait_dma2 semaphore(%arg22 : memref<!tpu.dma_semaphore, #tpu.memory_space<semaphore_mem>>) src(%dma_wait3A_1355 : memref<16x128xf32, #tpu.memory_space<vmem>>) dst(%dma_wait3A_1351 : memref<16x128xf32, #tpu.memory_space<hbm>>)
      %dma_wait3A_1356 = arith.constant 0 : i32
      %dma_wait3A_1357 = arith.constant 0 : i32
      %dma_wait3A_1358 = arith.constant 0 : i32
      %dma_wait3A_1359 = tpu.memref_slice %arg10[%dma_wait3A_1356, %dma_wait3A_1357, %dma_wait3A_1358] : memref<5x16x128xf32, #tpu.memory_space<vmem>> -> memref<1x16x128xf32, #tpu.memory_space<vmem>>
      %dma_wait3A_1360 = tpu.memref_squeeze %dma_wait3A_1359 : memref<1x16x128xf32, #tpu.memory_space<vmem>> -> memref<16x128xf32, #tpu.memory_space<vmem>>
      %dma_wait3A_1361 = arith.constant 0 : i32
      %dma_wait3A_1362 = arith.constant 0 : i32
      %dma_wait3A_1363 = tpu.memref_slice %arg5[%dma_wait3A_1361, %dma_wait3A_1362] : memref<320000x128xf32, #tpu.memory_space<hbm>> -> memref<16x128xf32, #tpu.memory_space<hbm>>
      %dma_wait3A_1364 = arith.constant 0 : i32
      %dma_wait3A_1365 = arith.constant 0 : i32
      %dma_wait3A_1366 = tpu.memref_slice %arg5[%dma_wait3A_1364, %dma_wait3A_1365] : memref<320000x128xf32, #tpu.memory_space<hbm>> -> memref<16x128xf32, #tpu.memory_space<hbm>>
      %dma_wait3A_1367 = arith.constant 0 : i32
      %dma_wait3A_1368 = arith.constant 0 : i32
      %dma_wait3A_1369 = tpu.memref_slice %arg10[%dma_wait3A_1356, %dma_wait3A_1367, %dma_wait3A_1368] : memref<5x16x128xf32, #tpu.memory_space<vmem>> -> memref<1x16x128xf32, #tpu.memory_space<vmem>>
      %dma_wait3A_1370 = tpu.memref_squeeze %dma_wait3A_1369 : memref<1x16x128xf32, #tpu.memory_space<vmem>> -> memref<16x128xf32, #tpu.memory_space<vmem>>
      tpu.wait_dma2 semaphore(%arg27 : memref<!tpu.dma_semaphore, #tpu.memory_space<semaphore_mem>>) src(%dma_wait3A_1370 : memref<16x128xf32, #tpu.memory_space<vmem>>) dst(%dma_wait3A_1366 : memref<16x128xf32, #tpu.memory_space<hbm>>)
      %sub3A_1371 = arith.constant 3 : i32
      %sub3A_1372 = arith.subi %add3A_1340, %sub3A_1371 : i32
      %add3A_1373 = arith.constant 5 : i32
      %add3A_1374 = arith.addi %sub3A_1372, %add3A_1373 : i32
      %mul3A_1375 = arith.constant 16 : i32
      %mul3A_1376 = arith.muli %add3A_1374, %mul3A_1375 : i32
      %dma_start3A_1377 = arith.constant 0 : i32
      %dma_start3A_1378 = arith.constant 0 : i32
      %dma_start3A_1379 = arith.constant 0 : i32
      %dma_start3A_1380 = tpu.memref_slice %arg9[%dma_start3A_1377, %dma_start3A_1378, %dma_start3A_1379] : memref<5x16x128xf32, #tpu.memory_space<vmem>> -> memref<1x16x128xf32, #tpu.memory_space<vmem>>
      %dma_start3A_1381 = tpu.memref_squeeze %dma_start3A_1380 : memref<1x16x128xf32, #tpu.memory_space<vmem>> -> memref<16x128xf32, #tpu.memory_space<vmem>>
      %dma_start3A_1382 = tpu.memref_slice %arg7[%mul3A_1376] : memref<10000xi32, #tpu.memory_space<vmem>> -> memref<16xi32, #tpu.memory_space<vmem>>
      %dma_start3A_1383 = arith.constant 0 : i32
      %dma_start3A_1384 = arith.constant 0 : i32
      %dma_start3A_1385 = tpu.memref_slice %arg11[%dma_start3A_1383, %dma_start3A_1384] : memref<10000x128xf32, #tpu.memory_space<vmem_shared>> -> memref<10000x128xf32, #tpu.memory_space<vmem_shared>>
      tpu.enqueue_indirect_dma source(%dma_start3A_1385 : memref<10000x128xf32, #tpu.memory_space<vmem_shared>>) target(%dma_start3A_1381 : memref<16x128xf32, #tpu.memory_space<vmem>>) offsets(%dma_start3A_1382 : memref<16xi32, #tpu.memory_space<vmem>>) semaphore(%arg12 : memref<!tpu.dma_semaphore, #tpu.memory_space<semaphore_mem>>)
      %dma_start3A_1386 = arith.constant 0 : i32
      %dma_start3A_1387 = arith.constant 0 : i32
      %dma_start3A_1388 = arith.constant 0 : i32
      %dma_start3A_1389 = tpu.memref_slice %arg10[%dma_start3A_1386, %dma_start3A_1387, %dma_start3A_1388] : memref<5x16x128xf32, #tpu.memory_space<vmem>> -> memref<1x16x128xf32, #tpu.memory_space<vmem>>
      %dma_start3A_1390 = tpu.memref_squeeze %dma_start3A_1389 : memref<1x16x128xf32, #tpu.memory_space<vmem>> -> memref<16x128xf32, #tpu.memory_space<vmem>>
      %dma_start3A_1391 = tpu.memref_slice %arg8[%mul3A_1376] : memref<10000xi32, #tpu.memory_space<vmem>> -> memref<16xi32, #tpu.memory_space<vmem>>
      %dma_start3A_1392 = arith.constant 0 : i32
      %dma_start3A_1393 = arith.constant 0 : i32
      %dma_start3A_1394 = tpu.memref_slice %arg11[%dma_start3A_1392, %dma_start3A_1393] : memref<10000x128xf32, #tpu.memory_space<vmem_shared>> -> memref<10000x128xf32, #tpu.memory_space<vmem_shared>>
      tpu.enqueue_indirect_dma source(%dma_start3A_1394 : memref<10000x128xf32, #tpu.memory_space<vmem_shared>>) target(%dma_start3A_1390 : memref<16x128xf32, #tpu.memory_space<vmem>>) offsets(%dma_start3A_1391 : memref<16xi32, #tpu.memory_space<vmem>>) semaphore(%arg17 : memref<!tpu.dma_semaphore, #tpu.memory_space<semaphore_mem>>)
      %dma_wait3A_1395 = arith.constant 3 : i32
      %dma_wait3A_1396 = arith.constant 0 : i32
      %dma_wait3A_1397 = arith.constant 0 : i32
      %dma_wait3A_1398 = tpu.memref_slice %arg9[%dma_wait3A_1395, %dma_wait3A_1396, %dma_wait3A_1397] : memref<5x16x128xf32, #tpu.memory_space<vmem>> -> memref<1x16x128xf32, #tpu.memory_space<vmem>>
      %dma_wait3A_1399 = tpu.memref_squeeze %dma_wait3A_1398 : memref<1x16x128xf32, #tpu.memory_space<vmem>> -> memref<16x128xf32, #tpu.memory_space<vmem>>
      %dma_wait3A_1400 = arith.constant 0 : i32
      %dma_wait3A_1401 = tpu.memref_slice %arg7[%dma_wait3A_1400] : memref<10000xi32, #tpu.memory_space<vmem>> -> memref<16xi32, #tpu.memory_space<vmem>>
      %dma_wait3A_1402 = arith.constant 0 : i32
      %dma_wait3A_1403 = arith.constant 0 : i32
      %dma_wait3A_1404 = tpu.memref_slice %arg11[%dma_wait3A_1402, %dma_wait3A_1403] : memref<10000x128xf32, #tpu.memory_space<vmem_shared>> -> memref<10000x128xf32, #tpu.memory_space<vmem_shared>>
      tpu.wait_indirect_dma semaphore(%arg15 : memref<!tpu.dma_semaphore, #tpu.memory_space<semaphore_mem>>) src(%dma_wait3A_1404 : memref<10000x128xf32, #tpu.memory_space<vmem_shared>>) dst(%dma_wait3A_1399 : memref<16x128xf32, #tpu.memory_space<vmem>>)
      %dma_wait3A_1405 = arith.constant 3 : i32
      %dma_wait3A_1406 = arith.constant 0 : i32
      %dma_wait3A_1407 = arith.constant 0 : i32
      %dma_wait3A_1408 = tpu.memref_slice %arg10[%dma_wait3A_1405, %dma_wait3A_1406, %dma_wait3A_1407] : memref<5x16x128xf32, #tpu.memory_space<vmem>> -> memref<1x16x128xf32, #tpu.memory_space<vmem>>
      %dma_wait3A_1409 = tpu.memref_squeeze %dma_wait3A_1408 : memref<1x16x128xf32, #tpu.memory_space<vmem>> -> memref<16x128xf32, #tpu.memory_space<vmem>>
      %dma_wait3A_1410 = arith.constant 0 : i32
      %dma_wait3A_1411 = tpu.memref_slice %arg8[%dma_wait3A_1410] : memref<10000xi32, #tpu.memory_space<vmem>> -> memref<16xi32, #tpu.memory_space<vmem>>
      %dma_wait3A_1412 = arith.constant 0 : i32
      %dma_wait3A_1413 = arith.constant 0 : i32
      %dma_wait3A_1414 = tpu.memref_slice %arg11[%dma_wait3A_1412, %dma_wait3A_1413] : memref<10000x128xf32, #tpu.memory_space<vmem_shared>> -> memref<10000x128xf32, #tpu.memory_space<vmem_shared>>
      tpu.wait_indirect_dma semaphore(%arg20 : memref<!tpu.dma_semaphore, #tpu.memory_space<semaphore_mem>>) src(%dma_wait3A_1414 : memref<10000x128xf32, #tpu.memory_space<vmem_shared>>) dst(%dma_wait3A_1409 : memref<16x128xf32, #tpu.memory_space<vmem>>)
      %mul3A_1415 = arith.constant 16 : i32
      %mul3A_1416 = arith.muli %add3A_1340, %mul3A_1415 : i32
      %add3A_1417 = arith.addi %mul3A_2, %mul3A_1416 : i32
      %dma_start3A_1418 = arith.constant 3 : i32
      %dma_start3A_1419 = arith.constant 0 : i32
      %dma_start3A_1420 = arith.constant 0 : i32
      %dma_start3A_1421 = tpu.memref_slice %arg9[%dma_start3A_1418, %dma_start3A_1419, %dma_start3A_1420] : memref<5x16x128xf32, #tpu.memory_space<vmem>> -> memref<1x16x128xf32, #tpu.memory_space<vmem>>
      %dma_start3A_1422 = tpu.memref_squeeze %dma_start3A_1421 : memref<1x16x128xf32, #tpu.memory_space<vmem>> -> memref<16x128xf32, #tpu.memory_space<vmem>>
      %dma_start3A_1423 = arith.constant 0 : i32
      %dma_start3A_1424 = tpu.memref_slice %arg6[%add3A_1417, %dma_start3A_1423] : memref<320000x128xf32, #tpu.memory_space<hbm>> -> memref<16x128xf32, #tpu.memory_space<hbm>>
      %dma_start3A_1425 = arith.constant 0 : i32
      %dma_start3A_1426 = tpu.memref_slice %arg6[%add3A_1417, %dma_start3A_1425] : memref<320000x128xf32, #tpu.memory_space<hbm>> -> memref<16x128xf32, #tpu.memory_space<hbm>>
      %dma_start3A_1427 = arith.constant 0 : i32
      %dma_start3A_1428 = arith.constant 0 : i32
      %dma_start3A_1429 = tpu.memref_slice %arg9[%dma_start3A_1418, %dma_start3A_1427, %dma_start3A_1428] : memref<5x16x128xf32, #tpu.memory_space<vmem>> -> memref<1x16x128xf32, #tpu.memory_space<vmem>>
      %dma_start3A_1430 = tpu.memref_squeeze %dma_start3A_1429 : memref<1x16x128xf32, #tpu.memory_space<vmem>> -> memref<16x128xf32, #tpu.memory_space<vmem>>
      tpu.enqueue_dma source(%dma_start3A_1430 : memref<16x128xf32, #tpu.memory_space<vmem>>) target(%dma_start3A_1426 : memref<16x128xf32, #tpu.memory_space<hbm>>) target_semaphore(%arg25 : memref<!tpu.dma_semaphore, #tpu.memory_space<semaphore_mem>>)
      %dma_start3A_1431 = arith.constant 3 : i32
      %dma_start3A_1432 = arith.constant 0 : i32
      %dma_start3A_1433 = arith.constant 0 : i32
      %dma_start3A_1434 = tpu.memref_slice %arg10[%dma_start3A_1431, %dma_start3A_1432, %dma_start3A_1433] : memref<5x16x128xf32, #tpu.memory_space<vmem>> -> memref<1x16x128xf32, #tpu.memory_space<vmem>>
      %dma_start3A_1435 = tpu.memref_squeeze %dma_start3A_1434 : memref<1x16x128xf32, #tpu.memory_space<vmem>> -> memref<16x128xf32, #tpu.memory_space<vmem>>
      %dma_start3A_1436 = arith.constant 0 : i32
      %dma_start3A_1437 = tpu.memref_slice %arg5[%add3A_1417, %dma_start3A_1436] : memref<320000x128xf32, #tpu.memory_space<hbm>> -> memref<16x128xf32, #tpu.memory_space<hbm>>
      %dma_start3A_1438 = arith.constant 0 : i32
      %dma_start3A_1439 = tpu.memref_slice %arg5[%add3A_1417, %dma_start3A_1438] : memref<320000x128xf32, #tpu.memory_space<hbm>> -> memref<16x128xf32, #tpu.memory_space<hbm>>
      %dma_start3A_1440 = arith.constant 0 : i32
      %dma_start3A_1441 = arith.constant 0 : i32
      %dma_start3A_1442 = tpu.memref_slice %arg10[%dma_start3A_1431, %dma_start3A_1440, %dma_start3A_1441] : memref<5x16x128xf32, #tpu.memory_space<vmem>> -> memref<1x16x128xf32, #tpu.memory_space<vmem>>
      %dma_start3A_1443 = tpu.memref_squeeze %dma_start3A_1442 : memref<1x16x128xf32, #tpu.memory_space<vmem>> -> memref<16x128xf32, #tpu.memory_space<vmem>>
      tpu.enqueue_dma source(%dma_start3A_1443 : memref<16x128xf32, #tpu.memory_space<vmem>>) target(%dma_start3A_1439 : memref<16x128xf32, #tpu.memory_space<hbm>>) target_semaphore(%arg30 : memref<!tpu.dma_semaphore, #tpu.memory_space<semaphore_mem>>)
      %add3A_1444 = arith.constant 4 : i32
      %add3A_1445 = arith.addi %mul3A_1024, %add3A_1444 : i32
      %dma_wait3A_1446 = arith.constant 1 : i32
      %dma_wait3A_1447 = arith.constant 0 : i32
      %dma_wait3A_1448 = arith.constant 0 : i32
      %dma_wait3A_1449 = tpu.memref_slice %arg9[%dma_wait3A_1446, %dma_wait3A_1447, %dma_wait3A_1448] : memref<5x16x128xf32, #tpu.memory_space<vmem>> -> memref<1x16x128xf32, #tpu.memory_space<vmem>>
      %dma_wait3A_1450 = tpu.memref_squeeze %dma_wait3A_1449 : memref<1x16x128xf32, #tpu.memory_space<vmem>> -> memref<16x128xf32, #tpu.memory_space<vmem>>
      %dma_wait3A_1451 = arith.constant 0 : i32
      %dma_wait3A_1452 = arith.constant 0 : i32
      %dma_wait3A_1453 = tpu.memref_slice %arg6[%dma_wait3A_1451, %dma_wait3A_1452] : memref<320000x128xf32, #tpu.memory_space<hbm>> -> memref<16x128xf32, #tpu.memory_space<hbm>>
      %dma_wait3A_1454 = arith.constant 0 : i32
      %dma_wait3A_1455 = arith.constant 0 : i32
      %dma_wait3A_1456 = tpu.memref_slice %arg6[%dma_wait3A_1454, %dma_wait3A_1455] : memref<320000x128xf32, #tpu.memory_space<hbm>> -> memref<16x128xf32, #tpu.memory_space<hbm>>
      %dma_wait3A_1457 = arith.constant 0 : i32
      %dma_wait3A_1458 = arith.constant 0 : i32
      %dma_wait3A_1459 = tpu.memref_slice %arg9[%dma_wait3A_1446, %dma_wait3A_1457, %dma_wait3A_1458] : memref<5x16x128xf32, #tpu.memory_space<vmem>> -> memref<1x16x128xf32, #tpu.memory_space<vmem>>
      %dma_wait3A_1460 = tpu.memref_squeeze %dma_wait3A_1459 : memref<1x16x128xf32, #tpu.memory_space<vmem>> -> memref<16x128xf32, #tpu.memory_space<vmem>>
      tpu.wait_dma2 semaphore(%arg23 : memref<!tpu.dma_semaphore, #tpu.memory_space<semaphore_mem>>) src(%dma_wait3A_1460 : memref<16x128xf32, #tpu.memory_space<vmem>>) dst(%dma_wait3A_1456 : memref<16x128xf32, #tpu.memory_space<hbm>>)
      %dma_wait3A_1461 = arith.constant 1 : i32
      %dma_wait3A_1462 = arith.constant 0 : i32
      %dma_wait3A_1463 = arith.constant 0 : i32
      %dma_wait3A_1464 = tpu.memref_slice %arg10[%dma_wait3A_1461, %dma_wait3A_1462, %dma_wait3A_1463] : memref<5x16x128xf32, #tpu.memory_space<vmem>> -> memref<1x16x128xf32, #tpu.memory_space<vmem>>
      %dma_wait3A_1465 = tpu.memref_squeeze %dma_wait3A_1464 : memref<1x16x128xf32, #tpu.memory_space<vmem>> -> memref<16x128xf32, #tpu.memory_space<vmem>>
      %dma_wait3A_1466 = arith.constant 0 : i32
      %dma_wait3A_1467 = arith.constant 0 : i32
      %dma_wait3A_1468 = tpu.memref_slice %arg5[%dma_wait3A_1466, %dma_wait3A_1467] : memref<320000x128xf32, #tpu.memory_space<hbm>> -> memref<16x128xf32, #tpu.memory_space<hbm>>
      %dma_wait3A_1469 = arith.constant 0 : i32
      %dma_wait3A_1470 = arith.constant 0 : i32
      %dma_wait3A_1471 = tpu.memref_slice %arg5[%dma_wait3A_1469, %dma_wait3A_1470] : memref<320000x128xf32, #tpu.memory_space<hbm>> -> memref<16x128xf32, #tpu.memory_space<hbm>>
      %dma_wait3A_1472 = arith.constant 0 : i32
      %dma_wait3A_1473 = arith.constant 0 : i32
      %dma_wait3A_1474 = tpu.memref_slice %arg10[%dma_wait3A_1461, %dma_wait3A_1472, %dma_wait3A_1473] : memref<5x16x128xf32, #tpu.memory_space<vmem>> -> memref<1x16x128xf32, #tpu.memory_space<vmem>>
      %dma_wait3A_1475 = tpu.memref_squeeze %dma_wait3A_1474 : memref<1x16x128xf32, #tpu.memory_space<vmem>> -> memref<16x128xf32, #tpu.memory_space<vmem>>
      tpu.wait_dma2 semaphore(%arg28 : memref<!tpu.dma_semaphore, #tpu.memory_space<semaphore_mem>>) src(%dma_wait3A_1475 : memref<16x128xf32, #tpu.memory_space<vmem>>) dst(%dma_wait3A_1471 : memref<16x128xf32, #tpu.memory_space<hbm>>)
      %sub3A_1476 = arith.constant 3 : i32
      %sub3A_1477 = arith.subi %add3A_1445, %sub3A_1476 : i32
      %add3A_1478 = arith.constant 5 : i32
      %add3A_1479 = arith.addi %sub3A_1477, %add3A_1478 : i32
      %mul3A_1480 = arith.constant 16 : i32
      %mul3A_1481 = arith.muli %add3A_1479, %mul3A_1480 : i32
      %dma_start3A_1482 = arith.constant 1 : i32
      %dma_start3A_1483 = arith.constant 0 : i32
      %dma_start3A_1484 = arith.constant 0 : i32
      %dma_start3A_1485 = tpu.memref_slice %arg9[%dma_start3A_1482, %dma_start3A_1483, %dma_start3A_1484] : memref<5x16x128xf32, #tpu.memory_space<vmem>> -> memref<1x16x128xf32, #tpu.memory_space<vmem>>
      %dma_start3A_1486 = tpu.memref_squeeze %dma_start3A_1485 : memref<1x16x128xf32, #tpu.memory_space<vmem>> -> memref<16x128xf32, #tpu.memory_space<vmem>>
      %dma_start3A_1487 = tpu.memref_slice %arg7[%mul3A_1481] : memref<10000xi32, #tpu.memory_space<vmem>> -> memref<16xi32, #tpu.memory_space<vmem>>
      %dma_start3A_1488 = arith.constant 0 : i32
      %dma_start3A_1489 = arith.constant 0 : i32
      %dma_start3A_1490 = tpu.memref_slice %arg11[%dma_start3A_1488, %dma_start3A_1489] : memref<10000x128xf32, #tpu.memory_space<vmem_shared>> -> memref<10000x128xf32, #tpu.memory_space<vmem_shared>>
      tpu.enqueue_indirect_dma source(%dma_start3A_1490 : memref<10000x128xf32, #tpu.memory_space<vmem_shared>>) target(%dma_start3A_1486 : memref<16x128xf32, #tpu.memory_space<vmem>>) offsets(%dma_start3A_1487 : memref<16xi32, #tpu.memory_space<vmem>>) semaphore(%arg13 : memref<!tpu.dma_semaphore, #tpu.memory_space<semaphore_mem>>)
      %dma_start3A_1491 = arith.constant 1 : i32
      %dma_start3A_1492 = arith.constant 0 : i32
      %dma_start3A_1493 = arith.constant 0 : i32
      %dma_start3A_1494 = tpu.memref_slice %arg10[%dma_start3A_1491, %dma_start3A_1492, %dma_start3A_1493] : memref<5x16x128xf32, #tpu.memory_space<vmem>> -> memref<1x16x128xf32, #tpu.memory_space<vmem>>
      %dma_start3A_1495 = tpu.memref_squeeze %dma_start3A_1494 : memref<1x16x128xf32, #tpu.memory_space<vmem>> -> memref<16x128xf32, #tpu.memory_space<vmem>>
      %dma_start3A_1496 = tpu.memref_slice %arg8[%mul3A_1481] : memref<10000xi32, #tpu.memory_space<vmem>> -> memref<16xi32, #tpu.memory_space<vmem>>
      %dma_start3A_1497 = arith.constant 0 : i32
      %dma_start3A_1498 = arith.constant 0 : i32
      %dma_start3A_1499 = tpu.memref_slice %arg11[%dma_start3A_1497, %dma_start3A_1498] : memref<10000x128xf32, #tpu.memory_space<vmem_shared>> -> memref<10000x128xf32, #tpu.memory_space<vmem_shared>>
      tpu.enqueue_indirect_dma source(%dma_start3A_1499 : memref<10000x128xf32, #tpu.memory_space<vmem_shared>>) target(%dma_start3A_1495 : memref<16x128xf32, #tpu.memory_space<vmem>>) offsets(%dma_start3A_1496 : memref<16xi32, #tpu.memory_space<vmem>>) semaphore(%arg18 : memref<!tpu.dma_semaphore, #tpu.memory_space<semaphore_mem>>)
      %dma_wait3A_1500 = arith.constant 4 : i32
      %dma_wait3A_1501 = arith.constant 0 : i32
      %dma_wait3A_1502 = arith.constant 0 : i32
      %dma_wait3A_1503 = tpu.memref_slice %arg9[%dma_wait3A_1500, %dma_wait3A_1501, %dma_wait3A_1502] : memref<5x16x128xf32, #tpu.memory_space<vmem>> -> memref<1x16x128xf32, #tpu.memory_space<vmem>>
      %dma_wait3A_1504 = tpu.memref_squeeze %dma_wait3A_1503 : memref<1x16x128xf32, #tpu.memory_space<vmem>> -> memref<16x128xf32, #tpu.memory_space<vmem>>
      %dma_wait3A_1505 = arith.constant 0 : i32
      %dma_wait3A_1506 = tpu.memref_slice %arg7[%dma_wait3A_1505] : memref<10000xi32, #tpu.memory_space<vmem>> -> memref<16xi32, #tpu.memory_space<vmem>>
      %dma_wait3A_1507 = arith.constant 0 : i32
      %dma_wait3A_1508 = arith.constant 0 : i32
      %dma_wait3A_1509 = tpu.memref_slice %arg11[%dma_wait3A_1507, %dma_wait3A_1508] : memref<10000x128xf32, #tpu.memory_space<vmem_shared>> -> memref<10000x128xf32, #tpu.memory_space<vmem_shared>>
      tpu.wait_indirect_dma semaphore(%arg16 : memref<!tpu.dma_semaphore, #tpu.memory_space<semaphore_mem>>) src(%dma_wait3A_1509 : memref<10000x128xf32, #tpu.memory_space<vmem_shared>>) dst(%dma_wait3A_1504 : memref<16x128xf32, #tpu.memory_space<vmem>>)
      %dma_wait3A_1510 = arith.constant 4 : i32
      %dma_wait3A_1511 = arith.constant 0 : i32
      %dma_wait3A_1512 = arith.constant 0 : i32
      %dma_wait3A_1513 = tpu.memref_slice %arg10[%dma_wait3A_1510, %dma_wait3A_1511, %dma_wait3A_1512] : memref<5x16x128xf32, #tpu.memory_space<vmem>> -> memref<1x16x128xf32, #tpu.memory_space<vmem>>
      %dma_wait3A_1514 = tpu.memref_squeeze %dma_wait3A_1513 : memref<1x16x128xf32, #tpu.memory_space<vmem>> -> memref<16x128xf32, #tpu.memory_space<vmem>>
      %dma_wait3A_1515 = arith.constant 0 : i32
      %dma_wait3A_1516 = tpu.memref_slice %arg8[%dma_wait3A_1515] : memref<10000xi32, #tpu.memory_space<vmem>> -> memref<16xi32, #tpu.memory_space<vmem>>
      %dma_wait3A_1517 = arith.constant 0 : i32
      %dma_wait3A_1518 = arith.constant 0 : i32
      %dma_wait3A_1519 = tpu.memref_slice %arg11[%dma_wait3A_1517, %dma_wait3A_1518] : memref<10000x128xf32, #tpu.memory_space<vmem_shared>> -> memref<10000x128xf32, #tpu.memory_space<vmem_shared>>
      tpu.wait_indirect_dma semaphore(%arg21 : memref<!tpu.dma_semaphore, #tpu.memory_space<semaphore_mem>>) src(%dma_wait3A_1519 : memref<10000x128xf32, #tpu.memory_space<vmem_shared>>) dst(%dma_wait3A_1514 : memref<16x128xf32, #tpu.memory_space<vmem>>)
      %mul3A_1520 = arith.constant 16 : i32
      %mul3A_1521 = arith.muli %add3A_1445, %mul3A_1520 : i32
      %add3A_1522 = arith.addi %mul3A_2, %mul3A_1521 : i32
      %dma_start3A_1523 = arith.constant 4 : i32
      %dma_start3A_1524 = arith.constant 0 : i32
      %dma_start3A_1525 = arith.constant 0 : i32
      %dma_start3A_1526 = tpu.memref_slice %arg9[%dma_start3A_1523, %dma_start3A_1524, %dma_start3A_1525] : memref<5x16x128xf32, #tpu.memory_space<vmem>> -> memref<1x16x128xf32, #tpu.memory_space<vmem>>
      %dma_start3A_1527 = tpu.memref_squeeze %dma_start3A_1526 : memref<1x16x128xf32, #tpu.memory_space<vmem>> -> memref<16x128xf32, #tpu.memory_space<vmem>>
      %dma_start3A_1528 = arith.constant 0 : i32
      %dma_start3A_1529 = tpu.memref_slice %arg6[%add3A_1522, %dma_start3A_1528] : memref<320000x128xf32, #tpu.memory_space<hbm>> -> memref<16x128xf32, #tpu.memory_space<hbm>>
      %dma_start3A_1530 = arith.constant 0 : i32
      %dma_start3A_1531 = tpu.memref_slice %arg6[%add3A_1522, %dma_start3A_1530] : memref<320000x128xf32, #tpu.memory_space<hbm>> -> memref<16x128xf32, #tpu.memory_space<hbm>>
      %dma_start3A_1532 = arith.constant 0 : i32
      %dma_start3A_1533 = arith.constant 0 : i32
      %dma_start3A_1534 = tpu.memref_slice %arg9[%dma_start3A_1523, %dma_start3A_1532, %dma_start3A_1533] : memref<5x16x128xf32, #tpu.memory_space<vmem>> -> memref<1x16x128xf32, #tpu.memory_space<vmem>>
      %dma_start3A_1535 = tpu.memref_squeeze %dma_start3A_1534 : memref<1x16x128xf32, #tpu.memory_space<vmem>> -> memref<16x128xf32, #tpu.memory_space<vmem>>
      tpu.enqueue_dma source(%dma_start3A_1535 : memref<16x128xf32, #tpu.memory_space<vmem>>) target(%dma_start3A_1531 : memref<16x128xf32, #tpu.memory_space<hbm>>) target_semaphore(%arg26 : memref<!tpu.dma_semaphore, #tpu.memory_space<semaphore_mem>>)
      %dma_start3A_1536 = arith.constant 4 : i32
      %dma_start3A_1537 = arith.constant 0 : i32
      %dma_start3A_1538 = arith.constant 0 : i32
      %dma_start3A_1539 = tpu.memref_slice %arg10[%dma_start3A_1536, %dma_start3A_1537, %dma_start3A_1538] : memref<5x16x128xf32, #tpu.memory_space<vmem>> -> memref<1x16x128xf32, #tpu.memory_space<vmem>>
      %dma_start3A_1540 = tpu.memref_squeeze %dma_start3A_1539 : memref<1x16x128xf32, #tpu.memory_space<vmem>> -> memref<16x128xf32, #tpu.memory_space<vmem>>
      %dma_start3A_1541 = arith.constant 0 : i32
      %dma_start3A_1542 = tpu.memref_slice %arg5[%add3A_1522, %dma_start3A_1541] : memref<320000x128xf32, #tpu.memory_space<hbm>> -> memref<16x128xf32, #tpu.memory_space<hbm>>
      %dma_start3A_1543 = arith.constant 0 : i32
      %dma_start3A_1544 = tpu.memref_slice %arg5[%add3A_1522, %dma_start3A_1543] : memref<320000x128xf32, #tpu.memory_space<hbm>> -> memref<16x128xf32, #tpu.memory_space<hbm>>
      %dma_start3A_1545 = arith.constant 0 : i32
      %dma_start3A_1546 = arith.constant 0 : i32
      %dma_start3A_1547 = tpu.memref_slice %arg10[%dma_start3A_1536, %dma_start3A_1545, %dma_start3A_1546] : memref<5x16x128xf32, #tpu.memory_space<vmem>> -> memref<1x16x128xf32, #tpu.memory_space<vmem>>
      %dma_start3A_1548 = tpu.memref_squeeze %dma_start3A_1547 : memref<1x16x128xf32, #tpu.memory_space<vmem>> -> memref<16x128xf32, #tpu.memory_space<vmem>>
      tpu.enqueue_dma source(%dma_start3A_1548 : memref<16x128xf32, #tpu.memory_space<vmem>>) target(%dma_start3A_1544 : memref<16x128xf32, #tpu.memory_space<hbm>>) target_semaphore(%arg31 : memref<!tpu.dma_semaphore, #tpu.memory_space<semaphore_mem>>)
    }
    %scan3A_481 = arith.constant 123 : i32
    %dma_wait3A_482 = arith.constant 2 : i32
    %dma_wait3A_483 = arith.constant 0 : i32
    %dma_wait3A_484 = arith.constant 0 : i32
    %dma_wait3A_485 = tpu.memref_slice %arg9[%dma_wait3A_482, %dma_wait3A_483, %dma_wait3A_484] : memref<5x16x128xf32, #tpu.memory_space<vmem>> -> memref<1x16x128xf32, #tpu.memory_space<vmem>>
    %dma_wait3A_486 = tpu.memref_squeeze %dma_wait3A_485 : memref<1x16x128xf32, #tpu.memory_space<vmem>> -> memref<16x128xf32, #tpu.memory_space<vmem>>
    %dma_wait3A_487 = arith.constant 0 : i32
    %dma_wait3A_488 = arith.constant 0 : i32
    %dma_wait3A_489 = tpu.memref_slice %arg6[%dma_wait3A_487, %dma_wait3A_488] : memref<320000x128xf32, #tpu.memory_space<hbm>> -> memref<16x128xf32, #tpu.memory_space<hbm>>
    %dma_wait3A_490 = arith.constant 0 : i32
    %dma_wait3A_491 = arith.constant 0 : i32
    %dma_wait3A_492 = tpu.memref_slice %arg6[%dma_wait3A_490, %dma_wait3A_491] : memref<320000x128xf32, #tpu.memory_space<hbm>> -> memref<16x128xf32, #tpu.memory_space<hbm>>
    %dma_wait3A_493 = arith.constant 0 : i32
    %dma_wait3A_494 = arith.constant 0 : i32
    %dma_wait3A_495 = tpu.memref_slice %arg9[%dma_wait3A_482, %dma_wait3A_493, %dma_wait3A_494] : memref<5x16x128xf32, #tpu.memory_space<vmem>> -> memref<1x16x128xf32, #tpu.memory_space<vmem>>
    %dma_wait3A_496 = tpu.memref_squeeze %dma_wait3A_495 : memref<1x16x128xf32, #tpu.memory_space<vmem>> -> memref<16x128xf32, #tpu.memory_space<vmem>>
    tpu.wait_dma2 semaphore(%arg24 : memref<!tpu.dma_semaphore, #tpu.memory_space<semaphore_mem>>) src(%dma_wait3A_496 : memref<16x128xf32, #tpu.memory_space<vmem>>) dst(%dma_wait3A_492 : memref<16x128xf32, #tpu.memory_space<hbm>>)
    %dma_wait3A_497 = arith.constant 2 : i32
    %dma_wait3A_498 = arith.constant 0 : i32
    %dma_wait3A_499 = arith.constant 0 : i32
    %dma_wait3A_500 = tpu.memref_slice %arg10[%dma_wait3A_497, %dma_wait3A_498, %dma_wait3A_499] : memref<5x16x128xf32, #tpu.memory_space<vmem>> -> memref<1x16x128xf32, #tpu.memory_space<vmem>>
    %dma_wait3A_501 = tpu.memref_squeeze %dma_wait3A_500 : memref<1x16x128xf32, #tpu.memory_space<vmem>> -> memref<16x128xf32, #tpu.memory_space<vmem>>
    %dma_wait3A_502 = arith.constant 0 : i32
    %dma_wait3A_503 = arith.constant 0 : i32
    %dma_wait3A_504 = tpu.memref_slice %arg5[%dma_wait3A_502, %dma_wait3A_503] : memref<320000x128xf32, #tpu.memory_space<hbm>> -> memref<16x128xf32, #tpu.memory_space<hbm>>
    %dma_wait3A_505 = arith.constant 0 : i32
    %dma_wait3A_506 = arith.constant 0 : i32
    %dma_wait3A_507 = tpu.memref_slice %arg5[%dma_wait3A_505, %dma_wait3A_506] : memref<320000x128xf32, #tpu.memory_space<hbm>> -> memref<16x128xf32, #tpu.memory_space<hbm>>
    %dma_wait3A_508 = arith.constant 0 : i32
    %dma_wait3A_509 = arith.constant 0 : i32
    %dma_wait3A_510 = tpu.memref_slice %arg10[%dma_wait3A_497, %dma_wait3A_508, %dma_wait3A_509] : memref<5x16x128xf32, #tpu.memory_space<vmem>> -> memref<1x16x128xf32, #tpu.memory_space<vmem>>
    %dma_wait3A_511 = tpu.memref_squeeze %dma_wait3A_510 : memref<1x16x128xf32, #tpu.memory_space<vmem>> -> memref<16x128xf32, #tpu.memory_space<vmem>>
    tpu.wait_dma2 semaphore(%arg29 : memref<!tpu.dma_semaphore, #tpu.memory_space<semaphore_mem>>) src(%dma_wait3A_511 : memref<16x128xf32, #tpu.memory_space<vmem>>) dst(%dma_wait3A_507 : memref<16x128xf32, #tpu.memory_space<hbm>>)
    %dma_start3A_512 = arith.constant 2 : i32
    %dma_start3A_513 = arith.constant 0 : i32
    %dma_start3A_514 = arith.constant 0 : i32
    %dma_start3A_515 = tpu.memref_slice %arg9[%dma_start3A_512, %dma_start3A_513, %dma_start3A_514] : memref<5x16x128xf32, #tpu.memory_space<vmem>> -> memref<1x16x128xf32, #tpu.memory_space<vmem>>
    %dma_start3A_516 = tpu.memref_squeeze %dma_start3A_515 : memref<1x16x128xf32, #tpu.memory_space<vmem>> -> memref<16x128xf32, #tpu.memory_space<vmem>>
    %dma_start3A_517 = arith.constant 9952 : i32
    %dma_start3A_518 = tpu.memref_slice %arg7[%dma_start3A_517] : memref<10000xi32, #tpu.memory_space<vmem>> -> memref<16xi32, #tpu.memory_space<vmem>>
    %dma_start3A_519 = arith.constant 0 : i32
    %dma_start3A_520 = arith.constant 0 : i32
    %dma_start3A_521 = tpu.memref_slice %arg11[%dma_start3A_519, %dma_start3A_520] : memref<10000x128xf32, #tpu.memory_space<vmem_shared>> -> memref<10000x128xf32, #tpu.memory_space<vmem_shared>>
    tpu.enqueue_indirect_dma source(%dma_start3A_521 : memref<10000x128xf32, #tpu.memory_space<vmem_shared>>) target(%dma_start3A_516 : memref<16x128xf32, #tpu.memory_space<vmem>>) offsets(%dma_start3A_518 : memref<16xi32, #tpu.memory_space<vmem>>) semaphore(%arg14 : memref<!tpu.dma_semaphore, #tpu.memory_space<semaphore_mem>>)
    %dma_start3A_522 = arith.constant 2 : i32
    %dma_start3A_523 = arith.constant 0 : i32
    %dma_start3A_524 = arith.constant 0 : i32
    %dma_start3A_525 = tpu.memref_slice %arg10[%dma_start3A_522, %dma_start3A_523, %dma_start3A_524] : memref<5x16x128xf32, #tpu.memory_space<vmem>> -> memref<1x16x128xf32, #tpu.memory_space<vmem>>
    %dma_start3A_526 = tpu.memref_squeeze %dma_start3A_525 : memref<1x16x128xf32, #tpu.memory_space<vmem>> -> memref<16x128xf32, #tpu.memory_space<vmem>>
    %dma_start3A_527 = arith.constant 9952 : i32
    %dma_start3A_528 = tpu.memref_slice %arg8[%dma_start3A_527] : memref<10000xi32, #tpu.memory_space<vmem>> -> memref<16xi32, #tpu.memory_space<vmem>>
    %dma_start3A_529 = arith.constant 0 : i32
    %dma_start3A_530 = arith.constant 0 : i32
    %dma_start3A_531 = tpu.memref_slice %arg11[%dma_start3A_529, %dma_start3A_530] : memref<10000x128xf32, #tpu.memory_space<vmem_shared>> -> memref<10000x128xf32, #tpu.memory_space<vmem_shared>>
    tpu.enqueue_indirect_dma source(%dma_start3A_531 : memref<10000x128xf32, #tpu.memory_space<vmem_shared>>) target(%dma_start3A_526 : memref<16x128xf32, #tpu.memory_space<vmem>>) offsets(%dma_start3A_528 : memref<16xi32, #tpu.memory_space<vmem>>) semaphore(%arg19 : memref<!tpu.dma_semaphore, #tpu.memory_space<semaphore_mem>>)
    %dma_wait3A_532 = arith.constant 0 : i32
    %dma_wait3A_533 = arith.constant 0 : i32
    %dma_wait3A_534 = arith.constant 0 : i32
    %dma_wait3A_535 = tpu.memref_slice %arg9[%dma_wait3A_532, %dma_wait3A_533, %dma_wait3A_534] : memref<5x16x128xf32, #tpu.memory_space<vmem>> -> memref<1x16x128xf32, #tpu.memory_space<vmem>>
    %dma_wait3A_536 = tpu.memref_squeeze %dma_wait3A_535 : memref<1x16x128xf32, #tpu.memory_space<vmem>> -> memref<16x128xf32, #tpu.memory_space<vmem>>
    %dma_wait3A_537 = arith.constant 0 : i32
    %dma_wait3A_538 = tpu.memref_slice %arg7[%dma_wait3A_537] : memref<10000xi32, #tpu.memory_space<vmem>> -> memref<16xi32, #tpu.memory_space<vmem>>
    %dma_wait3A_539 = arith.constant 0 : i32
    %dma_wait3A_540 = arith.constant 0 : i32
    %dma_wait3A_541 = tpu.memref_slice %arg11[%dma_wait3A_539, %dma_wait3A_540] : memref<10000x128xf32, #tpu.memory_space<vmem_shared>> -> memref<10000x128xf32, #tpu.memory_space<vmem_shared>>
    tpu.wait_indirect_dma semaphore(%arg12 : memref<!tpu.dma_semaphore, #tpu.memory_space<semaphore_mem>>) src(%dma_wait3A_541 : memref<10000x128xf32, #tpu.memory_space<vmem_shared>>) dst(%dma_wait3A_536 : memref<16x128xf32, #tpu.memory_space<vmem>>)
    %dma_wait3A_542 = arith.constant 0 : i32
    %dma_wait3A_543 = arith.constant 0 : i32
    %dma_wait3A_544 = arith.constant 0 : i32
    %dma_wait3A_545 = tpu.memref_slice %arg10[%dma_wait3A_542, %dma_wait3A_543, %dma_wait3A_544] : memref<5x16x128xf32, #tpu.memory_space<vmem>> -> memref<1x16x128xf32, #tpu.memory_space<vmem>>
    %dma_wait3A_546 = tpu.memref_squeeze %dma_wait3A_545 : memref<1x16x128xf32, #tpu.memory_space<vmem>> -> memref<16x128xf32, #tpu.memory_space<vmem>>
    %dma_wait3A_547 = arith.constant 0 : i32
    %dma_wait3A_548 = tpu.memref_slice %arg8[%dma_wait3A_547] : memref<10000xi32, #tpu.memory_space<vmem>> -> memref<16xi32, #tpu.memory_space<vmem>>
    %dma_wait3A_549 = arith.constant 0 : i32
    %dma_wait3A_550 = arith.constant 0 : i32
    %dma_wait3A_551 = tpu.memref_slice %arg11[%dma_wait3A_549, %dma_wait3A_550] : memref<10000x128xf32, #tpu.memory_space<vmem_shared>> -> memref<10000x128xf32, #tpu.memory_space<vmem_shared>>
    tpu.wait_indirect_dma semaphore(%arg17 : memref<!tpu.dma_semaphore, #tpu.memory_space<semaphore_mem>>) src(%dma_wait3A_551 : memref<10000x128xf32, #tpu.memory_space<vmem_shared>>) dst(%dma_wait3A_546 : memref<16x128xf32, #tpu.memory_space<vmem>>)
    %add3A_552 = arith.constant 9920 : i32
    %add3A_553 = arith.addi %mul3A_2, %add3A_552 : i32
    %dma_start3A_554 = arith.constant 0 : i32
    %dma_start3A_555 = arith.constant 0 : i32
    %dma_start3A_556 = arith.constant 0 : i32
    %dma_start3A_557 = tpu.memref_slice %arg9[%dma_start3A_554, %dma_start3A_555, %dma_start3A_556] : memref<5x16x128xf32, #tpu.memory_space<vmem>> -> memref<1x16x128xf32, #tpu.memory_space<vmem>>
    %dma_start3A_558 = tpu.memref_squeeze %dma_start3A_557 : memref<1x16x128xf32, #tpu.memory_space<vmem>> -> memref<16x128xf32, #tpu.memory_space<vmem>>
    %dma_start3A_559 = arith.constant 0 : i32
    %dma_start3A_560 = tpu.memref_slice %arg6[%add3A_553, %dma_start3A_559] : memref<320000x128xf32, #tpu.memory_space<hbm>> -> memref<16x128xf32, #tpu.memory_space<hbm>>
    %dma_start3A_561 = arith.constant 0 : i32
    %dma_start3A_562 = tpu.memref_slice %arg6[%add3A_553, %dma_start3A_561] : memref<320000x128xf32, #tpu.memory_space<hbm>> -> memref<16x128xf32, #tpu.memory_space<hbm>>
    %dma_start3A_563 = arith.constant 0 : i32
    %dma_start3A_564 = arith.constant 0 : i32
    %dma_start3A_565 = tpu.memref_slice %arg9[%dma_start3A_554, %dma_start3A_563, %dma_start3A_564] : memref<5x16x128xf32, #tpu.memory_space<vmem>> -> memref<1x16x128xf32, #tpu.memory_space<vmem>>
    %dma_start3A_566 = tpu.memref_squeeze %dma_start3A_565 : memref<1x16x128xf32, #tpu.memory_space<vmem>> -> memref<16x128xf32, #tpu.memory_space<vmem>>
    tpu.enqueue_dma source(%dma_start3A_566 : memref<16x128xf32, #tpu.memory_space<vmem>>) target(%dma_start3A_562 : memref<16x128xf32, #tpu.memory_space<hbm>>) target_semaphore(%arg22 : memref<!tpu.dma_semaphore, #tpu.memory_space<semaphore_mem>>)
    %dma_start3A_567 = arith.constant 0 : i32
    %dma_start3A_568 = arith.constant 0 : i32
    %dma_start3A_569 = arith.constant 0 : i32
    %dma_start3A_570 = tpu.memref_slice %arg10[%dma_start3A_567, %dma_start3A_568, %dma_start3A_569] : memref<5x16x128xf32, #tpu.memory_space<vmem>> -> memref<1x16x128xf32, #tpu.memory_space<vmem>>
    %dma_start3A_571 = tpu.memref_squeeze %dma_start3A_570 : memref<1x16x128xf32, #tpu.memory_space<vmem>> -> memref<16x128xf32, #tpu.memory_space<vmem>>
    %dma_start3A_572 = arith.constant 0 : i32
    %dma_start3A_573 = tpu.memref_slice %arg5[%add3A_553, %dma_start3A_572] : memref<320000x128xf32, #tpu.memory_space<hbm>> -> memref<16x128xf32, #tpu.memory_space<hbm>>
    %dma_start3A_574 = arith.constant 0 : i32
    %dma_start3A_575 = tpu.memref_slice %arg5[%add3A_553, %dma_start3A_574] : memref<320000x128xf32, #tpu.memory_space<hbm>> -> memref<16x128xf32, #tpu.memory_space<hbm>>
    %dma_start3A_576 = arith.constant 0 : i32
    %dma_start3A_577 = arith.constant 0 : i32
    %dma_start3A_578 = tpu.memref_slice %arg10[%dma_start3A_567, %dma_start3A_576, %dma_start3A_577] : memref<5x16x128xf32, #tpu.memory_space<vmem>> -> memref<1x16x128xf32, #tpu.memory_space<vmem>>
    %dma_start3A_579 = tpu.memref_squeeze %dma_start3A_578 : memref<1x16x128xf32, #tpu.memory_space<vmem>> -> memref<16x128xf32, #tpu.memory_space<vmem>>
    tpu.enqueue_dma source(%dma_start3A_579 : memref<16x128xf32, #tpu.memory_space<vmem>>) target(%dma_start3A_575 : memref<16x128xf32, #tpu.memory_space<hbm>>) target_semaphore(%arg27 : memref<!tpu.dma_semaphore, #tpu.memory_space<semaphore_mem>>)
    %dma_wait3A_580 = arith.constant 3 : i32
    %dma_wait3A_581 = arith.constant 0 : i32
    %dma_wait3A_582 = arith.constant 0 : i32
    %dma_wait3A_583 = tpu.memref_slice %arg9[%dma_wait3A_580, %dma_wait3A_581, %dma_wait3A_582] : memref<5x16x128xf32, #tpu.memory_space<vmem>> -> memref<1x16x128xf32, #tpu.memory_space<vmem>>
    %dma_wait3A_584 = tpu.memref_squeeze %dma_wait3A_583 : memref<1x16x128xf32, #tpu.memory_space<vmem>> -> memref<16x128xf32, #tpu.memory_space<vmem>>
    %dma_wait3A_585 = arith.constant 0 : i32
    %dma_wait3A_586 = arith.constant 0 : i32
    %dma_wait3A_587 = tpu.memref_slice %arg6[%dma_wait3A_585, %dma_wait3A_586] : memref<320000x128xf32, #tpu.memory_space<hbm>> -> memref<16x128xf32, #tpu.memory_space<hbm>>
    %dma_wait3A_588 = arith.constant 0 : i32
    %dma_wait3A_589 = arith.constant 0 : i32
    %dma_wait3A_590 = tpu.memref_slice %arg6[%dma_wait3A_588, %dma_wait3A_589] : memref<320000x128xf32, #tpu.memory_space<hbm>> -> memref<16x128xf32, #tpu.memory_space<hbm>>
    %dma_wait3A_591 = arith.constant 0 : i32
    %dma_wait3A_592 = arith.constant 0 : i32
    %dma_wait3A_593 = tpu.memref_slice %arg9[%dma_wait3A_580, %dma_wait3A_591, %dma_wait3A_592] : memref<5x16x128xf32, #tpu.memory_space<vmem>> -> memref<1x16x128xf32, #tpu.memory_space<vmem>>
    %dma_wait3A_594 = tpu.memref_squeeze %dma_wait3A_593 : memref<1x16x128xf32, #tpu.memory_space<vmem>> -> memref<16x128xf32, #tpu.memory_space<vmem>>
    tpu.wait_dma2 semaphore(%arg25 : memref<!tpu.dma_semaphore, #tpu.memory_space<semaphore_mem>>) src(%dma_wait3A_594 : memref<16x128xf32, #tpu.memory_space<vmem>>) dst(%dma_wait3A_590 : memref<16x128xf32, #tpu.memory_space<hbm>>)
    %dma_wait3A_595 = arith.constant 3 : i32
    %dma_wait3A_596 = arith.constant 0 : i32
    %dma_wait3A_597 = arith.constant 0 : i32
    %dma_wait3A_598 = tpu.memref_slice %arg10[%dma_wait3A_595, %dma_wait3A_596, %dma_wait3A_597] : memref<5x16x128xf32, #tpu.memory_space<vmem>> -> memref<1x16x128xf32, #tpu.memory_space<vmem>>
    %dma_wait3A_599 = tpu.memref_squeeze %dma_wait3A_598 : memref<1x16x128xf32, #tpu.memory_space<vmem>> -> memref<16x128xf32, #tpu.memory_space<vmem>>
    %dma_wait3A_600 = arith.constant 0 : i32
    %dma_wait3A_601 = arith.constant 0 : i32
    %dma_wait3A_602 = tpu.memref_slice %arg5[%dma_wait3A_600, %dma_wait3A_601] : memref<320000x128xf32, #tpu.memory_space<hbm>> -> memref<16x128xf32, #tpu.memory_space<hbm>>
    %dma_wait3A_603 = arith.constant 0 : i32
    %dma_wait3A_604 = arith.constant 0 : i32
    %dma_wait3A_605 = tpu.memref_slice %arg5[%dma_wait3A_603, %dma_wait3A_604] : memref<320000x128xf32, #tpu.memory_space<hbm>> -> memref<16x128xf32, #tpu.memory_space<hbm>>
    %dma_wait3A_606 = arith.constant 0 : i32
    %dma_wait3A_607 = arith.constant 0 : i32
    %dma_wait3A_608 = tpu.memref_slice %arg10[%dma_wait3A_595, %dma_wait3A_606, %dma_wait3A_607] : memref<5x16x128xf32, #tpu.memory_space<vmem>> -> memref<1x16x128xf32, #tpu.memory_space<vmem>>
    %dma_wait3A_609 = tpu.memref_squeeze %dma_wait3A_608 : memref<1x16x128xf32, #tpu.memory_space<vmem>> -> memref<16x128xf32, #tpu.memory_space<vmem>>
    tpu.wait_dma2 semaphore(%arg30 : memref<!tpu.dma_semaphore, #tpu.memory_space<semaphore_mem>>) src(%dma_wait3A_609 : memref<16x128xf32, #tpu.memory_space<vmem>>) dst(%dma_wait3A_605 : memref<16x128xf32, #tpu.memory_space<hbm>>)
    %dma_start3A_610 = arith.constant 3 : i32
    %dma_start3A_611 = arith.constant 0 : i32
    %dma_start3A_612 = arith.constant 0 : i32
    %dma_start3A_613 = tpu.memref_slice %arg9[%dma_start3A_610, %dma_start3A_611, %dma_start3A_612] : memref<5x16x128xf32, #tpu.memory_space<vmem>> -> memref<1x16x128xf32, #tpu.memory_space<vmem>>
    %dma_start3A_614 = tpu.memref_squeeze %dma_start3A_613 : memref<1x16x128xf32, #tpu.memory_space<vmem>> -> memref<16x128xf32, #tpu.memory_space<vmem>>
    %dma_start3A_615 = arith.constant 9968 : i32
    %dma_start3A_616 = tpu.memref_slice %arg7[%dma_start3A_615] : memref<10000xi32, #tpu.memory_space<vmem>> -> memref<16xi32, #tpu.memory_space<vmem>>
    %dma_start3A_617 = arith.constant 0 : i32
    %dma_start3A_618 = arith.constant 0 : i32
    %dma_start3A_619 = tpu.memref_slice %arg11[%dma_start3A_617, %dma_start3A_618] : memref<10000x128xf32, #tpu.memory_space<vmem_shared>> -> memref<10000x128xf32, #tpu.memory_space<vmem_shared>>
    tpu.enqueue_indirect_dma source(%dma_start3A_619 : memref<10000x128xf32, #tpu.memory_space<vmem_shared>>) target(%dma_start3A_614 : memref<16x128xf32, #tpu.memory_space<vmem>>) offsets(%dma_start3A_616 : memref<16xi32, #tpu.memory_space<vmem>>) semaphore(%arg15 : memref<!tpu.dma_semaphore, #tpu.memory_space<semaphore_mem>>)
    %dma_start3A_620 = arith.constant 3 : i32
    %dma_start3A_621 = arith.constant 0 : i32
    %dma_start3A_622 = arith.constant 0 : i32
    %dma_start3A_623 = tpu.memref_slice %arg10[%dma_start3A_620, %dma_start3A_621, %dma_start3A_622] : memref<5x16x128xf32, #tpu.memory_space<vmem>> -> memref<1x16x128xf32, #tpu.memory_space<vmem>>
    %dma_start3A_624 = tpu.memref_squeeze %dma_start3A_623 : memref<1x16x128xf32, #tpu.memory_space<vmem>> -> memref<16x128xf32, #tpu.memory_space<vmem>>
    %dma_start3A_625 = arith.constant 9968 : i32
    %dma_start3A_626 = tpu.memref_slice %arg8[%dma_start3A_625] : memref<10000xi32, #tpu.memory_space<vmem>> -> memref<16xi32, #tpu.memory_space<vmem>>
    %dma_start3A_627 = arith.constant 0 : i32
    %dma_start3A_628 = arith.constant 0 : i32
    %dma_start3A_629 = tpu.memref_slice %arg11[%dma_start3A_627, %dma_start3A_628] : memref<10000x128xf32, #tpu.memory_space<vmem_shared>> -> memref<10000x128xf32, #tpu.memory_space<vmem_shared>>
    tpu.enqueue_indirect_dma source(%dma_start3A_629 : memref<10000x128xf32, #tpu.memory_space<vmem_shared>>) target(%dma_start3A_624 : memref<16x128xf32, #tpu.memory_space<vmem>>) offsets(%dma_start3A_626 : memref<16xi32, #tpu.memory_space<vmem>>) semaphore(%arg20 : memref<!tpu.dma_semaphore, #tpu.memory_space<semaphore_mem>>)
    %dma_wait3A_630 = arith.constant 1 : i32
    %dma_wait3A_631 = arith.constant 0 : i32
    %dma_wait3A_632 = arith.constant 0 : i32
    %dma_wait3A_633 = tpu.memref_slice %arg9[%dma_wait3A_630, %dma_wait3A_631, %dma_wait3A_632] : memref<5x16x128xf32, #tpu.memory_space<vmem>> -> memref<1x16x128xf32, #tpu.memory_space<vmem>>
    %dma_wait3A_634 = tpu.memref_squeeze %dma_wait3A_633 : memref<1x16x128xf32, #tpu.memory_space<vmem>> -> memref<16x128xf32, #tpu.memory_space<vmem>>
    %dma_wait3A_635 = arith.constant 0 : i32
    %dma_wait3A_636 = tpu.memref_slice %arg7[%dma_wait3A_635] : memref<10000xi32, #tpu.memory_space<vmem>> -> memref<16xi32, #tpu.memory_space<vmem>>
    %dma_wait3A_637 = arith.constant 0 : i32
    %dma_wait3A_638 = arith.constant 0 : i32
    %dma_wait3A_639 = tpu.memref_slice %arg11[%dma_wait3A_637, %dma_wait3A_638] : memref<10000x128xf32, #tpu.memory_space<vmem_shared>> -> memref<10000x128xf32, #tpu.memory_space<vmem_shared>>
    tpu.wait_indirect_dma semaphore(%arg13 : memref<!tpu.dma_semaphore, #tpu.memory_space<semaphore_mem>>) src(%dma_wait3A_639 : memref<10000x128xf32, #tpu.memory_space<vmem_shared>>) dst(%dma_wait3A_634 : memref<16x128xf32, #tpu.memory_space<vmem>>)
    %dma_wait3A_640 = arith.constant 1 : i32
    %dma_wait3A_641 = arith.constant 0 : i32
    %dma_wait3A_642 = arith.constant 0 : i32
    %dma_wait3A_643 = tpu.memref_slice %arg10[%dma_wait3A_640, %dma_wait3A_641, %dma_wait3A_642] : memref<5x16x128xf32, #tpu.memory_space<vmem>> -> memref<1x16x128xf32, #tpu.memory_space<vmem>>
    %dma_wait3A_644 = tpu.memref_squeeze %dma_wait3A_643 : memref<1x16x128xf32, #tpu.memory_space<vmem>> -> memref<16x128xf32, #tpu.memory_space<vmem>>
    %dma_wait3A_645 = arith.constant 0 : i32
    %dma_wait3A_646 = tpu.memref_slice %arg8[%dma_wait3A_645] : memref<10000xi32, #tpu.memory_space<vmem>> -> memref<16xi32, #tpu.memory_space<vmem>>
    %dma_wait3A_647 = arith.constant 0 : i32
    %dma_wait3A_648 = arith.constant 0 : i32
    %dma_wait3A_649 = tpu.memref_slice %arg11[%dma_wait3A_647, %dma_wait3A_648] : memref<10000x128xf32, #tpu.memory_space<vmem_shared>> -> memref<10000x128xf32, #tpu.memory_space<vmem_shared>>
    tpu.wait_indirect_dma semaphore(%arg18 : memref<!tpu.dma_semaphore, #tpu.memory_space<semaphore_mem>>) src(%dma_wait3A_649 : memref<10000x128xf32, #tpu.memory_space<vmem_shared>>) dst(%dma_wait3A_644 : memref<16x128xf32, #tpu.memory_space<vmem>>)
    %add3A_650 = arith.constant 9936 : i32
    %add3A_651 = arith.addi %mul3A_2, %add3A_650 : i32
    %dma_start3A_652 = arith.constant 1 : i32
    %dma_start3A_653 = arith.constant 0 : i32
    %dma_start3A_654 = arith.constant 0 : i32
    %dma_start3A_655 = tpu.memref_slice %arg9[%dma_start3A_652, %dma_start3A_653, %dma_start3A_654] : memref<5x16x128xf32, #tpu.memory_space<vmem>> -> memref<1x16x128xf32, #tpu.memory_space<vmem>>
    %dma_start3A_656 = tpu.memref_squeeze %dma_start3A_655 : memref<1x16x128xf32, #tpu.memory_space<vmem>> -> memref<16x128xf32, #tpu.memory_space<vmem>>
    %dma_start3A_657 = arith.constant 0 : i32
    %dma_start3A_658 = tpu.memref_slice %arg6[%add3A_651, %dma_start3A_657] : memref<320000x128xf32, #tpu.memory_space<hbm>> -> memref<16x128xf32, #tpu.memory_space<hbm>>
    %dma_start3A_659 = arith.constant 0 : i32
    %dma_start3A_660 = tpu.memref_slice %arg6[%add3A_651, %dma_start3A_659] : memref<320000x128xf32, #tpu.memory_space<hbm>> -> memref<16x128xf32, #tpu.memory_space<hbm>>
    %dma_start3A_661 = arith.constant 0 : i32
    %dma_start3A_662 = arith.constant 0 : i32
    %dma_start3A_663 = tpu.memref_slice %arg9[%dma_start3A_652, %dma_start3A_661, %dma_start3A_662] : memref<5x16x128xf32, #tpu.memory_space<vmem>> -> memref<1x16x128xf32, #tpu.memory_space<vmem>>
    %dma_start3A_664 = tpu.memref_squeeze %dma_start3A_663 : memref<1x16x128xf32, #tpu.memory_space<vmem>> -> memref<16x128xf32, #tpu.memory_space<vmem>>
    tpu.enqueue_dma source(%dma_start3A_664 : memref<16x128xf32, #tpu.memory_space<vmem>>) target(%dma_start3A_660 : memref<16x128xf32, #tpu.memory_space<hbm>>) target_semaphore(%arg23 : memref<!tpu.dma_semaphore, #tpu.memory_space<semaphore_mem>>)
    %dma_start3A_665 = arith.constant 1 : i32
    %dma_start3A_666 = arith.constant 0 : i32
    %dma_start3A_667 = arith.constant 0 : i32
    %dma_start3A_668 = tpu.memref_slice %arg10[%dma_start3A_665, %dma_start3A_666, %dma_start3A_667] : memref<5x16x128xf32, #tpu.memory_space<vmem>> -> memref<1x16x128xf32, #tpu.memory_space<vmem>>
    %dma_start3A_669 = tpu.memref_squeeze %dma_start3A_668 : memref<1x16x128xf32, #tpu.memory_space<vmem>> -> memref<16x128xf32, #tpu.memory_space<vmem>>
    %dma_start3A_670 = arith.constant 0 : i32
    %dma_start3A_671 = tpu.memref_slice %arg5[%add3A_651, %dma_start3A_670] : memref<320000x128xf32, #tpu.memory_space<hbm>> -> memref<16x128xf32, #tpu.memory_space<hbm>>
    %dma_start3A_672 = arith.constant 0 : i32
    %dma_start3A_673 = tpu.memref_slice %arg5[%add3A_651, %dma_start3A_672] : memref<320000x128xf32, #tpu.memory_space<hbm>> -> memref<16x128xf32, #tpu.memory_space<hbm>>
    %dma_start3A_674 = arith.constant 0 : i32
    %dma_start3A_675 = arith.constant 0 : i32
    %dma_start3A_676 = tpu.memref_slice %arg10[%dma_start3A_665, %dma_start3A_674, %dma_start3A_675] : memref<5x16x128xf32, #tpu.memory_space<vmem>> -> memref<1x16x128xf32, #tpu.memory_space<vmem>>
    %dma_start3A_677 = tpu.memref_squeeze %dma_start3A_676 : memref<1x16x128xf32, #tpu.memory_space<vmem>> -> memref<16x128xf32, #tpu.memory_space<vmem>>
    tpu.enqueue_dma source(%dma_start3A_677 : memref<16x128xf32, #tpu.memory_space<vmem>>) target(%dma_start3A_673 : memref<16x128xf32, #tpu.memory_space<hbm>>) target_semaphore(%arg28 : memref<!tpu.dma_semaphore, #tpu.memory_space<semaphore_mem>>)
    %dma_wait3A_678 = arith.constant 4 : i32
    %dma_wait3A_679 = arith.constant 0 : i32
    %dma_wait3A_680 = arith.constant 0 : i32
    %dma_wait3A_681 = tpu.memref_slice %arg9[%dma_wait3A_678, %dma_wait3A_679, %dma_wait3A_680] : memref<5x16x128xf32, #tpu.memory_space<vmem>> -> memref<1x16x128xf32, #tpu.memory_space<vmem>>
    %dma_wait3A_682 = tpu.memref_squeeze %dma_wait3A_681 : memref<1x16x128xf32, #tpu.memory_space<vmem>> -> memref<16x128xf32, #tpu.memory_space<vmem>>
    %dma_wait3A_683 = arith.constant 0 : i32
    %dma_wait3A_684 = arith.constant 0 : i32
    %dma_wait3A_685 = tpu.memref_slice %arg6[%dma_wait3A_683, %dma_wait3A_684] : memref<320000x128xf32, #tpu.memory_space<hbm>> -> memref<16x128xf32, #tpu.memory_space<hbm>>
    %dma_wait3A_686 = arith.constant 0 : i32
    %dma_wait3A_687 = arith.constant 0 : i32
    %dma_wait3A_688 = tpu.memref_slice %arg6[%dma_wait3A_686, %dma_wait3A_687] : memref<320000x128xf32, #tpu.memory_space<hbm>> -> memref<16x128xf32, #tpu.memory_space<hbm>>
    %dma_wait3A_689 = arith.constant 0 : i32
    %dma_wait3A_690 = arith.constant 0 : i32
    %dma_wait3A_691 = tpu.memref_slice %arg9[%dma_wait3A_678, %dma_wait3A_689, %dma_wait3A_690] : memref<5x16x128xf32, #tpu.memory_space<vmem>> -> memref<1x16x128xf32, #tpu.memory_space<vmem>>
    %dma_wait3A_692 = tpu.memref_squeeze %dma_wait3A_691 : memref<1x16x128xf32, #tpu.memory_space<vmem>> -> memref<16x128xf32, #tpu.memory_space<vmem>>
    tpu.wait_dma2 semaphore(%arg26 : memref<!tpu.dma_semaphore, #tpu.memory_space<semaphore_mem>>) src(%dma_wait3A_692 : memref<16x128xf32, #tpu.memory_space<vmem>>) dst(%dma_wait3A_688 : memref<16x128xf32, #tpu.memory_space<hbm>>)
    %dma_wait3A_693 = arith.constant 4 : i32
    %dma_wait3A_694 = arith.constant 0 : i32
    %dma_wait3A_695 = arith.constant 0 : i32
    %dma_wait3A_696 = tpu.memref_slice %arg10[%dma_wait3A_693, %dma_wait3A_694, %dma_wait3A_695] : memref<5x16x128xf32, #tpu.memory_space<vmem>> -> memref<1x16x128xf32, #tpu.memory_space<vmem>>
    %dma_wait3A_697 = tpu.memref_squeeze %dma_wait3A_696 : memref<1x16x128xf32, #tpu.memory_space<vmem>> -> memref<16x128xf32, #tpu.memory_space<vmem>>
    %dma_wait3A_698 = arith.constant 0 : i32
    %dma_wait3A_699 = arith.constant 0 : i32
    %dma_wait3A_700 = tpu.memref_slice %arg5[%dma_wait3A_698, %dma_wait3A_699] : memref<320000x128xf32, #tpu.memory_space<hbm>> -> memref<16x128xf32, #tpu.memory_space<hbm>>
    %dma_wait3A_701 = arith.constant 0 : i32
    %dma_wait3A_702 = arith.constant 0 : i32
    %dma_wait3A_703 = tpu.memref_slice %arg5[%dma_wait3A_701, %dma_wait3A_702] : memref<320000x128xf32, #tpu.memory_space<hbm>> -> memref<16x128xf32, #tpu.memory_space<hbm>>
    %dma_wait3A_704 = arith.constant 0 : i32
    %dma_wait3A_705 = arith.constant 0 : i32
    %dma_wait3A_706 = tpu.memref_slice %arg10[%dma_wait3A_693, %dma_wait3A_704, %dma_wait3A_705] : memref<5x16x128xf32, #tpu.memory_space<vmem>> -> memref<1x16x128xf32, #tpu.memory_space<vmem>>
    %dma_wait3A_707 = tpu.memref_squeeze %dma_wait3A_706 : memref<1x16x128xf32, #tpu.memory_space<vmem>> -> memref<16x128xf32, #tpu.memory_space<vmem>>
    tpu.wait_dma2 semaphore(%arg31 : memref<!tpu.dma_semaphore, #tpu.memory_space<semaphore_mem>>) src(%dma_wait3A_707 : memref<16x128xf32, #tpu.memory_space<vmem>>) dst(%dma_wait3A_703 : memref<16x128xf32, #tpu.memory_space<hbm>>)
    %dma_start3A_708 = arith.constant 4 : i32
    %dma_start3A_709 = arith.constant 0 : i32
    %dma_start3A_710 = arith.constant 0 : i32
    %dma_start3A_711 = tpu.memref_slice %arg9[%dma_start3A_708, %dma_start3A_709, %dma_start3A_710] : memref<5x16x128xf32, #tpu.memory_space<vmem>> -> memref<1x16x128xf32, #tpu.memory_space<vmem>>
    %dma_start3A_712 = tpu.memref_squeeze %dma_start3A_711 : memref<1x16x128xf32, #tpu.memory_space<vmem>> -> memref<16x128xf32, #tpu.memory_space<vmem>>
    %dma_start3A_713 = arith.constant 9984 : i32
    %dma_start3A_714 = tpu.memref_slice %arg7[%dma_start3A_713] : memref<10000xi32, #tpu.memory_space<vmem>> -> memref<16xi32, #tpu.memory_space<vmem>>
    %dma_start3A_715 = arith.constant 0 : i32
    %dma_start3A_716 = arith.constant 0 : i32
    %dma_start3A_717 = tpu.memref_slice %arg11[%dma_start3A_715, %dma_start3A_716] : memref<10000x128xf32, #tpu.memory_space<vmem_shared>> -> memref<10000x128xf32, #tpu.memory_space<vmem_shared>>
    tpu.enqueue_indirect_dma source(%dma_start3A_717 : memref<10000x128xf32, #tpu.memory_space<vmem_shared>>) target(%dma_start3A_712 : memref<16x128xf32, #tpu.memory_space<vmem>>) offsets(%dma_start3A_714 : memref<16xi32, #tpu.memory_space<vmem>>) semaphore(%arg16 : memref<!tpu.dma_semaphore, #tpu.memory_space<semaphore_mem>>)
    %dma_start3A_718 = arith.constant 4 : i32
    %dma_start3A_719 = arith.constant 0 : i32
    %dma_start3A_720 = arith.constant 0 : i32
    %dma_start3A_721 = tpu.memref_slice %arg10[%dma_start3A_718, %dma_start3A_719, %dma_start3A_720] : memref<5x16x128xf32, #tpu.memory_space<vmem>> -> memref<1x16x128xf32, #tpu.memory_space<vmem>>
    %dma_start3A_722 = tpu.memref_squeeze %dma_start3A_721 : memref<1x16x128xf32, #tpu.memory_space<vmem>> -> memref<16x128xf32, #tpu.memory_space<vmem>>
    %dma_start3A_723 = arith.constant 9984 : i32
    %dma_start3A_724 = tpu.memref_slice %arg8[%dma_start3A_723] : memref<10000xi32, #tpu.memory_space<vmem>> -> memref<16xi32, #tpu.memory_space<vmem>>
    %dma_start3A_725 = arith.constant 0 : i32
    %dma_start3A_726 = arith.constant 0 : i32
    %dma_start3A_727 = tpu.memref_slice %arg11[%dma_start3A_725, %dma_start3A_726] : memref<10000x128xf32, #tpu.memory_space<vmem_shared>> -> memref<10000x128xf32, #tpu.memory_space<vmem_shared>>
    tpu.enqueue_indirect_dma source(%dma_start3A_727 : memref<10000x128xf32, #tpu.memory_space<vmem_shared>>) target(%dma_start3A_722 : memref<16x128xf32, #tpu.memory_space<vmem>>) offsets(%dma_start3A_724 : memref<16xi32, #tpu.memory_space<vmem>>) semaphore(%arg21 : memref<!tpu.dma_semaphore, #tpu.memory_space<semaphore_mem>>)
    %dma_wait3A_728 = arith.constant 2 : i32
    %dma_wait3A_729 = arith.constant 0 : i32
    %dma_wait3A_730 = arith.constant 0 : i32
    %dma_wait3A_731 = tpu.memref_slice %arg9[%dma_wait3A_728, %dma_wait3A_729, %dma_wait3A_730] : memref<5x16x128xf32, #tpu.memory_space<vmem>> -> memref<1x16x128xf32, #tpu.memory_space<vmem>>
    %dma_wait3A_732 = tpu.memref_squeeze %dma_wait3A_731 : memref<1x16x128xf32, #tpu.memory_space<vmem>> -> memref<16x128xf32, #tpu.memory_space<vmem>>
    %dma_wait3A_733 = arith.constant 0 : i32
    %dma_wait3A_734 = tpu.memref_slice %arg7[%dma_wait3A_733] : memref<10000xi32, #tpu.memory_space<vmem>> -> memref<16xi32, #tpu.memory_space<vmem>>
    %dma_wait3A_735 = arith.constant 0 : i32
    %dma_wait3A_736 = arith.constant 0 : i32
    %dma_wait3A_737 = tpu.memref_slice %arg11[%dma_wait3A_735, %dma_wait3A_736] : memref<10000x128xf32, #tpu.memory_space<vmem_shared>> -> memref<10000x128xf32, #tpu.memory_space<vmem_shared>>
    tpu.wait_indirect_dma semaphore(%arg14 : memref<!tpu.dma_semaphore, #tpu.memory_space<semaphore_mem>>) src(%dma_wait3A_737 : memref<10000x128xf32, #tpu.memory_space<vmem_shared>>) dst(%dma_wait3A_732 : memref<16x128xf32, #tpu.memory_space<vmem>>)
    %dma_wait3A_738 = arith.constant 2 : i32
    %dma_wait3A_739 = arith.constant 0 : i32
    %dma_wait3A_740 = arith.constant 0 : i32
    %dma_wait3A_741 = tpu.memref_slice %arg10[%dma_wait3A_738, %dma_wait3A_739, %dma_wait3A_740] : memref<5x16x128xf32, #tpu.memory_space<vmem>> -> memref<1x16x128xf32, #tpu.memory_space<vmem>>
    %dma_wait3A_742 = tpu.memref_squeeze %dma_wait3A_741 : memref<1x16x128xf32, #tpu.memory_space<vmem>> -> memref<16x128xf32, #tpu.memory_space<vmem>>
    %dma_wait3A_743 = arith.constant 0 : i32
    %dma_wait3A_744 = tpu.memref_slice %arg8[%dma_wait3A_743] : memref<10000xi32, #tpu.memory_space<vmem>> -> memref<16xi32, #tpu.memory_space<vmem>>
    %dma_wait3A_745 = arith.constant 0 : i32
    %dma_wait3A_746 = arith.constant 0 : i32
    %dma_wait3A_747 = tpu.memref_slice %arg11[%dma_wait3A_745, %dma_wait3A_746] : memref<10000x128xf32, #tpu.memory_space<vmem_shared>> -> memref<10000x128xf32, #tpu.memory_space<vmem_shared>>
    tpu.wait_indirect_dma semaphore(%arg19 : memref<!tpu.dma_semaphore, #tpu.memory_space<semaphore_mem>>) src(%dma_wait3A_747 : memref<10000x128xf32, #tpu.memory_space<vmem_shared>>) dst(%dma_wait3A_742 : memref<16x128xf32, #tpu.memory_space<vmem>>)
    %add3A_748 = arith.constant 9952 : i32
    %add3A_749 = arith.addi %mul3A_2, %add3A_748 : i32
    %dma_start3A_750 = arith.constant 2 : i32
    %dma_start3A_751 = arith.constant 0 : i32
    %dma_start3A_752 = arith.constant 0 : i32
    %dma_start3A_753 = tpu.memref_slice %arg9[%dma_start3A_750, %dma_start3A_751, %dma_start3A_752] : memref<5x16x128xf32, #tpu.memory_space<vmem>> -> memref<1x16x128xf32, #tpu.memory_space<vmem>>
    %dma_start3A_754 = tpu.memref_squeeze %dma_start3A_753 : memref<1x16x128xf32, #tpu.memory_space<vmem>> -> memref<16x128xf32, #tpu.memory_space<vmem>>
    %dma_start3A_755 = arith.constant 0 : i32
    %dma_start3A_756 = tpu.memref_slice %arg6[%add3A_749, %dma_start3A_755] : memref<320000x128xf32, #tpu.memory_space<hbm>> -> memref<16x128xf32, #tpu.memory_space<hbm>>
    %dma_start3A_757 = arith.constant 0 : i32
    %dma_start3A_758 = tpu.memref_slice %arg6[%add3A_749, %dma_start3A_757] : memref<320000x128xf32, #tpu.memory_space<hbm>> -> memref<16x128xf32, #tpu.memory_space<hbm>>
    %dma_start3A_759 = arith.constant 0 : i32
    %dma_start3A_760 = arith.constant 0 : i32
    %dma_start3A_761 = tpu.memref_slice %arg9[%dma_start3A_750, %dma_start3A_759, %dma_start3A_760] : memref<5x16x128xf32, #tpu.memory_space<vmem>> -> memref<1x16x128xf32, #tpu.memory_space<vmem>>
    %dma_start3A_762 = tpu.memref_squeeze %dma_start3A_761 : memref<1x16x128xf32, #tpu.memory_space<vmem>> -> memref<16x128xf32, #tpu.memory_space<vmem>>
    tpu.enqueue_dma source(%dma_start3A_762 : memref<16x128xf32, #tpu.memory_space<vmem>>) target(%dma_start3A_758 : memref<16x128xf32, #tpu.memory_space<hbm>>) target_semaphore(%arg24 : memref<!tpu.dma_semaphore, #tpu.memory_space<semaphore_mem>>)
    %dma_start3A_763 = arith.constant 2 : i32
    %dma_start3A_764 = arith.constant 0 : i32
    %dma_start3A_765 = arith.constant 0 : i32
    %dma_start3A_766 = tpu.memref_slice %arg10[%dma_start3A_763, %dma_start3A_764, %dma_start3A_765] : memref<5x16x128xf32, #tpu.memory_space<vmem>> -> memref<1x16x128xf32, #tpu.memory_space<vmem>>
    %dma_start3A_767 = tpu.memref_squeeze %dma_start3A_766 : memref<1x16x128xf32, #tpu.memory_space<vmem>> -> memref<16x128xf32, #tpu.memory_space<vmem>>
    %dma_start3A_768 = arith.constant 0 : i32
    %dma_start3A_769 = tpu.memref_slice %arg5[%add3A_749, %dma_start3A_768] : memref<320000x128xf32, #tpu.memory_space<hbm>> -> memref<16x128xf32, #tpu.memory_space<hbm>>
    %dma_start3A_770 = arith.constant 0 : i32
    %dma_start3A_771 = tpu.memref_slice %arg5[%add3A_749, %dma_start3A_770] : memref<320000x128xf32, #tpu.memory_space<hbm>> -> memref<16x128xf32, #tpu.memory_space<hbm>>
    %dma_start3A_772 = arith.constant 0 : i32
    %dma_start3A_773 = arith.constant 0 : i32
    %dma_start3A_774 = tpu.memref_slice %arg10[%dma_start3A_763, %dma_start3A_772, %dma_start3A_773] : memref<5x16x128xf32, #tpu.memory_space<vmem>> -> memref<1x16x128xf32, #tpu.memory_space<vmem>>
    %dma_start3A_775 = tpu.memref_squeeze %dma_start3A_774 : memref<1x16x128xf32, #tpu.memory_space<vmem>> -> memref<16x128xf32, #tpu.memory_space<vmem>>
    tpu.enqueue_dma source(%dma_start3A_775 : memref<16x128xf32, #tpu.memory_space<vmem>>) target(%dma_start3A_771 : memref<16x128xf32, #tpu.memory_space<hbm>>) target_semaphore(%arg29 : memref<!tpu.dma_semaphore, #tpu.memory_space<semaphore_mem>>)
    %dma_wait3A_776 = arith.constant 0 : i32
    %dma_wait3A_777 = arith.constant 0 : i32
    %dma_wait3A_778 = arith.constant 0 : i32
    %dma_wait3A_779 = tpu.memref_slice %arg9[%dma_wait3A_776, %dma_wait3A_777, %dma_wait3A_778] : memref<5x16x128xf32, #tpu.memory_space<vmem>> -> memref<1x16x128xf32, #tpu.memory_space<vmem>>
    %dma_wait3A_780 = tpu.memref_squeeze %dma_wait3A_779 : memref<1x16x128xf32, #tpu.memory_space<vmem>> -> memref<16x128xf32, #tpu.memory_space<vmem>>
    %dma_wait3A_781 = arith.constant 0 : i32
    %dma_wait3A_782 = arith.constant 0 : i32
    %dma_wait3A_783 = tpu.memref_slice %arg6[%dma_wait3A_781, %dma_wait3A_782] : memref<320000x128xf32, #tpu.memory_space<hbm>> -> memref<16x128xf32, #tpu.memory_space<hbm>>
    %dma_wait3A_784 = arith.constant 0 : i32
    %dma_wait3A_785 = arith.constant 0 : i32
    %dma_wait3A_786 = tpu.memref_slice %arg6[%dma_wait3A_784, %dma_wait3A_785] : memref<320000x128xf32, #tpu.memory_space<hbm>> -> memref<16x128xf32, #tpu.memory_space<hbm>>
    %dma_wait3A_787 = arith.constant 0 : i32
    %dma_wait3A_788 = arith.constant 0 : i32
    %dma_wait3A_789 = tpu.memref_slice %arg9[%dma_wait3A_776, %dma_wait3A_787, %dma_wait3A_788] : memref<5x16x128xf32, #tpu.memory_space<vmem>> -> memref<1x16x128xf32, #tpu.memory_space<vmem>>
    %dma_wait3A_790 = tpu.memref_squeeze %dma_wait3A_789 : memref<1x16x128xf32, #tpu.memory_space<vmem>> -> memref<16x128xf32, #tpu.memory_space<vmem>>
    tpu.wait_dma2 semaphore(%arg22 : memref<!tpu.dma_semaphore, #tpu.memory_space<semaphore_mem>>) src(%dma_wait3A_790 : memref<16x128xf32, #tpu.memory_space<vmem>>) dst(%dma_wait3A_786 : memref<16x128xf32, #tpu.memory_space<hbm>>)
    %dma_wait3A_791 = arith.constant 0 : i32
    %dma_wait3A_792 = arith.constant 0 : i32
    %dma_wait3A_793 = arith.constant 0 : i32
    %dma_wait3A_794 = tpu.memref_slice %arg10[%dma_wait3A_791, %dma_wait3A_792, %dma_wait3A_793] : memref<5x16x128xf32, #tpu.memory_space<vmem>> -> memref<1x16x128xf32, #tpu.memory_space<vmem>>
    %dma_wait3A_795 = tpu.memref_squeeze %dma_wait3A_794 : memref<1x16x128xf32, #tpu.memory_space<vmem>> -> memref<16x128xf32, #tpu.memory_space<vmem>>
    %dma_wait3A_796 = arith.constant 0 : i32
    %dma_wait3A_797 = arith.constant 0 : i32
    %dma_wait3A_798 = tpu.memref_slice %arg5[%dma_wait3A_796, %dma_wait3A_797] : memref<320000x128xf32, #tpu.memory_space<hbm>> -> memref<16x128xf32, #tpu.memory_space<hbm>>
    %dma_wait3A_799 = arith.constant 0 : i32
    %dma_wait3A_800 = arith.constant 0 : i32
    %dma_wait3A_801 = tpu.memref_slice %arg5[%dma_wait3A_799, %dma_wait3A_800] : memref<320000x128xf32, #tpu.memory_space<hbm>> -> memref<16x128xf32, #tpu.memory_space<hbm>>
    %dma_wait3A_802 = arith.constant 0 : i32
    %dma_wait3A_803 = arith.constant 0 : i32
    %dma_wait3A_804 = tpu.memref_slice %arg10[%dma_wait3A_791, %dma_wait3A_802, %dma_wait3A_803] : memref<5x16x128xf32, #tpu.memory_space<vmem>> -> memref<1x16x128xf32, #tpu.memory_space<vmem>>
    %dma_wait3A_805 = tpu.memref_squeeze %dma_wait3A_804 : memref<1x16x128xf32, #tpu.memory_space<vmem>> -> memref<16x128xf32, #tpu.memory_space<vmem>>
    tpu.wait_dma2 semaphore(%arg27 : memref<!tpu.dma_semaphore, #tpu.memory_space<semaphore_mem>>) src(%dma_wait3A_805 : memref<16x128xf32, #tpu.memory_space<vmem>>) dst(%dma_wait3A_801 : memref<16x128xf32, #tpu.memory_space<hbm>>)
    %dma_wait3A_806 = arith.constant 3 : i32
    %dma_wait3A_807 = arith.constant 0 : i32
    %dma_wait3A_808 = arith.constant 0 : i32
    %dma_wait3A_809 = tpu.memref_slice %arg9[%dma_wait3A_806, %dma_wait3A_807, %dma_wait3A_808] : memref<5x16x128xf32, #tpu.memory_space<vmem>> -> memref<1x16x128xf32, #tpu.memory_space<vmem>>
    %dma_wait3A_810 = tpu.memref_squeeze %dma_wait3A_809 : memref<1x16x128xf32, #tpu.memory_space<vmem>> -> memref<16x128xf32, #tpu.memory_space<vmem>>
    %dma_wait3A_811 = arith.constant 0 : i32
    %dma_wait3A_812 = tpu.memref_slice %arg7[%dma_wait3A_811] : memref<10000xi32, #tpu.memory_space<vmem>> -> memref<16xi32, #tpu.memory_space<vmem>>
    %dma_wait3A_813 = arith.constant 0 : i32
    %dma_wait3A_814 = arith.constant 0 : i32
    %dma_wait3A_815 = tpu.memref_slice %arg11[%dma_wait3A_813, %dma_wait3A_814] : memref<10000x128xf32, #tpu.memory_space<vmem_shared>> -> memref<10000x128xf32, #tpu.memory_space<vmem_shared>>
    tpu.wait_indirect_dma semaphore(%arg15 : memref<!tpu.dma_semaphore, #tpu.memory_space<semaphore_mem>>) src(%dma_wait3A_815 : memref<10000x128xf32, #tpu.memory_space<vmem_shared>>) dst(%dma_wait3A_810 : memref<16x128xf32, #tpu.memory_space<vmem>>)
    %dma_wait3A_816 = arith.constant 3 : i32
    %dma_wait3A_817 = arith.constant 0 : i32
    %dma_wait3A_818 = arith.constant 0 : i32
    %dma_wait3A_819 = tpu.memref_slice %arg10[%dma_wait3A_816, %dma_wait3A_817, %dma_wait3A_818] : memref<5x16x128xf32, #tpu.memory_space<vmem>> -> memref<1x16x128xf32, #tpu.memory_space<vmem>>
    %dma_wait3A_820 = tpu.memref_squeeze %dma_wait3A_819 : memref<1x16x128xf32, #tpu.memory_space<vmem>> -> memref<16x128xf32, #tpu.memory_space<vmem>>
    %dma_wait3A_821 = arith.constant 0 : i32
    %dma_wait3A_822 = tpu.memref_slice %arg8[%dma_wait3A_821] : memref<10000xi32, #tpu.memory_space<vmem>> -> memref<16xi32, #tpu.memory_space<vmem>>
    %dma_wait3A_823 = arith.constant 0 : i32
    %dma_wait3A_824 = arith.constant 0 : i32
    %dma_wait3A_825 = tpu.memref_slice %arg11[%dma_wait3A_823, %dma_wait3A_824] : memref<10000x128xf32, #tpu.memory_space<vmem_shared>> -> memref<10000x128xf32, #tpu.memory_space<vmem_shared>>
    tpu.wait_indirect_dma semaphore(%arg20 : memref<!tpu.dma_semaphore, #tpu.memory_space<semaphore_mem>>) src(%dma_wait3A_825 : memref<10000x128xf32, #tpu.memory_space<vmem_shared>>) dst(%dma_wait3A_820 : memref<16x128xf32, #tpu.memory_space<vmem>>)
    %add3A_826 = arith.constant 9968 : i32
    %add3A_827 = arith.addi %mul3A_2, %add3A_826 : i32
    %dma_start3A_828 = arith.constant 3 : i32
    %dma_start3A_829 = arith.constant 0 : i32
    %dma_start3A_830 = arith.constant 0 : i32
    %dma_start3A_831 = tpu.memref_slice %arg9[%dma_start3A_828, %dma_start3A_829, %dma_start3A_830] : memref<5x16x128xf32, #tpu.memory_space<vmem>> -> memref<1x16x128xf32, #tpu.memory_space<vmem>>
    %dma_start3A_832 = tpu.memref_squeeze %dma_start3A_831 : memref<1x16x128xf32, #tpu.memory_space<vmem>> -> memref<16x128xf32, #tpu.memory_space<vmem>>
    %dma_start3A_833 = arith.constant 0 : i32
    %dma_start3A_834 = tpu.memref_slice %arg6[%add3A_827, %dma_start3A_833] : memref<320000x128xf32, #tpu.memory_space<hbm>> -> memref<16x128xf32, #tpu.memory_space<hbm>>
    %dma_start3A_835 = arith.constant 0 : i32
    %dma_start3A_836 = tpu.memref_slice %arg6[%add3A_827, %dma_start3A_835] : memref<320000x128xf32, #tpu.memory_space<hbm>> -> memref<16x128xf32, #tpu.memory_space<hbm>>
    %dma_start3A_837 = arith.constant 0 : i32
    %dma_start3A_838 = arith.constant 0 : i32
    %dma_start3A_839 = tpu.memref_slice %arg9[%dma_start3A_828, %dma_start3A_837, %dma_start3A_838] : memref<5x16x128xf32, #tpu.memory_space<vmem>> -> memref<1x16x128xf32, #tpu.memory_space<vmem>>
    %dma_start3A_840 = tpu.memref_squeeze %dma_start3A_839 : memref<1x16x128xf32, #tpu.memory_space<vmem>> -> memref<16x128xf32, #tpu.memory_space<vmem>>
    tpu.enqueue_dma source(%dma_start3A_840 : memref<16x128xf32, #tpu.memory_space<vmem>>) target(%dma_start3A_836 : memref<16x128xf32, #tpu.memory_space<hbm>>) target_semaphore(%arg25 : memref<!tpu.dma_semaphore, #tpu.memory_space<semaphore_mem>>)
    %dma_start3A_841 = arith.constant 3 : i32
    %dma_start3A_842 = arith.constant 0 : i32
    %dma_start3A_843 = arith.constant 0 : i32
    %dma_start3A_844 = tpu.memref_slice %arg10[%dma_start3A_841, %dma_start3A_842, %dma_start3A_843] : memref<5x16x128xf32, #tpu.memory_space<vmem>> -> memref<1x16x128xf32, #tpu.memory_space<vmem>>
    %dma_start3A_845 = tpu.memref_squeeze %dma_start3A_844 : memref<1x16x128xf32, #tpu.memory_space<vmem>> -> memref<16x128xf32, #tpu.memory_space<vmem>>
    %dma_start3A_846 = arith.constant 0 : i32
    %dma_start3A_847 = tpu.memref_slice %arg5[%add3A_827, %dma_start3A_846] : memref<320000x128xf32, #tpu.memory_space<hbm>> -> memref<16x128xf32, #tpu.memory_space<hbm>>
    %dma_start3A_848 = arith.constant 0 : i32
    %dma_start3A_849 = tpu.memref_slice %arg5[%add3A_827, %dma_start3A_848] : memref<320000x128xf32, #tpu.memory_space<hbm>> -> memref<16x128xf32, #tpu.memory_space<hbm>>
    %dma_start3A_850 = arith.constant 0 : i32
    %dma_start3A_851 = arith.constant 0 : i32
    %dma_start3A_852 = tpu.memref_slice %arg10[%dma_start3A_841, %dma_start3A_850, %dma_start3A_851] : memref<5x16x128xf32, #tpu.memory_space<vmem>> -> memref<1x16x128xf32, #tpu.memory_space<vmem>>
    %dma_start3A_853 = tpu.memref_squeeze %dma_start3A_852 : memref<1x16x128xf32, #tpu.memory_space<vmem>> -> memref<16x128xf32, #tpu.memory_space<vmem>>
    tpu.enqueue_dma source(%dma_start3A_853 : memref<16x128xf32, #tpu.memory_space<vmem>>) target(%dma_start3A_849 : memref<16x128xf32, #tpu.memory_space<hbm>>) target_semaphore(%arg30 : memref<!tpu.dma_semaphore, #tpu.memory_space<semaphore_mem>>)
    %dma_wait3A_854 = arith.constant 1 : i32
    %dma_wait3A_855 = arith.constant 0 : i32
    %dma_wait3A_856 = arith.constant 0 : i32
    %dma_wait3A_857 = tpu.memref_slice %arg9[%dma_wait3A_854, %dma_wait3A_855, %dma_wait3A_856] : memref<5x16x128xf32, #tpu.memory_space<vmem>> -> memref<1x16x128xf32, #tpu.memory_space<vmem>>
    %dma_wait3A_858 = tpu.memref_squeeze %dma_wait3A_857 : memref<1x16x128xf32, #tpu.memory_space<vmem>> -> memref<16x128xf32, #tpu.memory_space<vmem>>
    %dma_wait3A_859 = arith.constant 0 : i32
    %dma_wait3A_860 = arith.constant 0 : i32
    %dma_wait3A_861 = tpu.memref_slice %arg6[%dma_wait3A_859, %dma_wait3A_860] : memref<320000x128xf32, #tpu.memory_space<hbm>> -> memref<16x128xf32, #tpu.memory_space<hbm>>
    %dma_wait3A_862 = arith.constant 0 : i32
    %dma_wait3A_863 = arith.constant 0 : i32
    %dma_wait3A_864 = tpu.memref_slice %arg6[%dma_wait3A_862, %dma_wait3A_863] : memref<320000x128xf32, #tpu.memory_space<hbm>> -> memref<16x128xf32, #tpu.memory_space<hbm>>
    %dma_wait3A_865 = arith.constant 0 : i32
    %dma_wait3A_866 = arith.constant 0 : i32
    %dma_wait3A_867 = tpu.memref_slice %arg9[%dma_wait3A_854, %dma_wait3A_865, %dma_wait3A_866] : memref<5x16x128xf32, #tpu.memory_space<vmem>> -> memref<1x16x128xf32, #tpu.memory_space<vmem>>
    %dma_wait3A_868 = tpu.memref_squeeze %dma_wait3A_867 : memref<1x16x128xf32, #tpu.memory_space<vmem>> -> memref<16x128xf32, #tpu.memory_space<vmem>>
    tpu.wait_dma2 semaphore(%arg23 : memref<!tpu.dma_semaphore, #tpu.memory_space<semaphore_mem>>) src(%dma_wait3A_868 : memref<16x128xf32, #tpu.memory_space<vmem>>) dst(%dma_wait3A_864 : memref<16x128xf32, #tpu.memory_space<hbm>>)
    %dma_wait3A_869 = arith.constant 1 : i32
    %dma_wait3A_870 = arith.constant 0 : i32
    %dma_wait3A_871 = arith.constant 0 : i32
    %dma_wait3A_872 = tpu.memref_slice %arg10[%dma_wait3A_869, %dma_wait3A_870, %dma_wait3A_871] : memref<5x16x128xf32, #tpu.memory_space<vmem>> -> memref<1x16x128xf32, #tpu.memory_space<vmem>>
    %dma_wait3A_873 = tpu.memref_squeeze %dma_wait3A_872 : memref<1x16x128xf32, #tpu.memory_space<vmem>> -> memref<16x128xf32, #tpu.memory_space<vmem>>
    %dma_wait3A_874 = arith.constant 0 : i32
    %dma_wait3A_875 = arith.constant 0 : i32
    %dma_wait3A_876 = tpu.memref_slice %arg5[%dma_wait3A_874, %dma_wait3A_875] : memref<320000x128xf32, #tpu.memory_space<hbm>> -> memref<16x128xf32, #tpu.memory_space<hbm>>
    %dma_wait3A_877 = arith.constant 0 : i32
    %dma_wait3A_878 = arith.constant 0 : i32
    %dma_wait3A_879 = tpu.memref_slice %arg5[%dma_wait3A_877, %dma_wait3A_878] : memref<320000x128xf32, #tpu.memory_space<hbm>> -> memref<16x128xf32, #tpu.memory_space<hbm>>
    %dma_wait3A_880 = arith.constant 0 : i32
    %dma_wait3A_881 = arith.constant 0 : i32
    %dma_wait3A_882 = tpu.memref_slice %arg10[%dma_wait3A_869, %dma_wait3A_880, %dma_wait3A_881] : memref<5x16x128xf32, #tpu.memory_space<vmem>> -> memref<1x16x128xf32, #tpu.memory_space<vmem>>
    %dma_wait3A_883 = tpu.memref_squeeze %dma_wait3A_882 : memref<1x16x128xf32, #tpu.memory_space<vmem>> -> memref<16x128xf32, #tpu.memory_space<vmem>>
    tpu.wait_dma2 semaphore(%arg28 : memref<!tpu.dma_semaphore, #tpu.memory_space<semaphore_mem>>) src(%dma_wait3A_883 : memref<16x128xf32, #tpu.memory_space<vmem>>) dst(%dma_wait3A_879 : memref<16x128xf32, #tpu.memory_space<hbm>>)
    %dma_wait3A_884 = arith.constant 4 : i32
    %dma_wait3A_885 = arith.constant 0 : i32
    %dma_wait3A_886 = arith.constant 0 : i32
    %dma_wait3A_887 = tpu.memref_slice %arg9[%dma_wait3A_884, %dma_wait3A_885, %dma_wait3A_886] : memref<5x16x128xf32, #tpu.memory_space<vmem>> -> memref<1x16x128xf32, #tpu.memory_space<vmem>>
    %dma_wait3A_888 = tpu.memref_squeeze %dma_wait3A_887 : memref<1x16x128xf32, #tpu.memory_space<vmem>> -> memref<16x128xf32, #tpu.memory_space<vmem>>
    %dma_wait3A_889 = arith.constant 0 : i32
    %dma_wait3A_890 = tpu.memref_slice %arg7[%dma_wait3A_889] : memref<10000xi32, #tpu.memory_space<vmem>> -> memref<16xi32, #tpu.memory_space<vmem>>
    %dma_wait3A_891 = arith.constant 0 : i32
    %dma_wait3A_892 = arith.constant 0 : i32
    %dma_wait3A_893 = tpu.memref_slice %arg11[%dma_wait3A_891, %dma_wait3A_892] : memref<10000x128xf32, #tpu.memory_space<vmem_shared>> -> memref<10000x128xf32, #tpu.memory_space<vmem_shared>>
    tpu.wait_indirect_dma semaphore(%arg16 : memref<!tpu.dma_semaphore, #tpu.memory_space<semaphore_mem>>) src(%dma_wait3A_893 : memref<10000x128xf32, #tpu.memory_space<vmem_shared>>) dst(%dma_wait3A_888 : memref<16x128xf32, #tpu.memory_space<vmem>>)
    %dma_wait3A_894 = arith.constant 4 : i32
    %dma_wait3A_895 = arith.constant 0 : i32
    %dma_wait3A_896 = arith.constant 0 : i32
    %dma_wait3A_897 = tpu.memref_slice %arg10[%dma_wait3A_894, %dma_wait3A_895, %dma_wait3A_896] : memref<5x16x128xf32, #tpu.memory_space<vmem>> -> memref<1x16x128xf32, #tpu.memory_space<vmem>>
    %dma_wait3A_898 = tpu.memref_squeeze %dma_wait3A_897 : memref<1x16x128xf32, #tpu.memory_space<vmem>> -> memref<16x128xf32, #tpu.memory_space<vmem>>
    %dma_wait3A_899 = arith.constant 0 : i32
    %dma_wait3A_900 = tpu.memref_slice %arg8[%dma_wait3A_899] : memref<10000xi32, #tpu.memory_space<vmem>> -> memref<16xi32, #tpu.memory_space<vmem>>
    %dma_wait3A_901 = arith.constant 0 : i32
    %dma_wait3A_902 = arith.constant 0 : i32
    %dma_wait3A_903 = tpu.memref_slice %arg11[%dma_wait3A_901, %dma_wait3A_902] : memref<10000x128xf32, #tpu.memory_space<vmem_shared>> -> memref<10000x128xf32, #tpu.memory_space<vmem_shared>>
    tpu.wait_indirect_dma semaphore(%arg21 : memref<!tpu.dma_semaphore, #tpu.memory_space<semaphore_mem>>) src(%dma_wait3A_903 : memref<10000x128xf32, #tpu.memory_space<vmem_shared>>) dst(%dma_wait3A_898 : memref<16x128xf32, #tpu.memory_space<vmem>>)
    %add3A_904 = arith.constant 9984 : i32
    %add3A_905 = arith.addi %mul3A_2, %add3A_904 : i32
    %dma_start3A_906 = arith.constant 4 : i32
    %dma_start3A_907 = arith.constant 0 : i32
    %dma_start3A_908 = arith.constant 0 : i32
    %dma_start3A_909 = tpu.memref_slice %arg9[%dma_start3A_906, %dma_start3A_907, %dma_start3A_908] : memref<5x16x128xf32, #tpu.memory_space<vmem>> -> memref<1x16x128xf32, #tpu.memory_space<vmem>>
    %dma_start3A_910 = tpu.memref_squeeze %dma_start3A_909 : memref<1x16x128xf32, #tpu.memory_space<vmem>> -> memref<16x128xf32, #tpu.memory_space<vmem>>
    %dma_start3A_911 = arith.constant 0 : i32
    %dma_start3A_912 = tpu.memref_slice %arg6[%add3A_905, %dma_start3A_911] : memref<320000x128xf32, #tpu.memory_space<hbm>> -> memref<16x128xf32, #tpu.memory_space<hbm>>
    %dma_start3A_913 = arith.constant 0 : i32
    %dma_start3A_914 = tpu.memref_slice %arg6[%add3A_905, %dma_start3A_913] : memref<320000x128xf32, #tpu.memory_space<hbm>> -> memref<16x128xf32, #tpu.memory_space<hbm>>
    %dma_start3A_915 = arith.constant 0 : i32
    %dma_start3A_916 = arith.constant 0 : i32
    %dma_start3A_917 = tpu.memref_slice %arg9[%dma_start3A_906, %dma_start3A_915, %dma_start3A_916] : memref<5x16x128xf32, #tpu.memory_space<vmem>> -> memref<1x16x128xf32, #tpu.memory_space<vmem>>
    %dma_start3A_918 = tpu.memref_squeeze %dma_start3A_917 : memref<1x16x128xf32, #tpu.memory_space<vmem>> -> memref<16x128xf32, #tpu.memory_space<vmem>>
    tpu.enqueue_dma source(%dma_start3A_918 : memref<16x128xf32, #tpu.memory_space<vmem>>) target(%dma_start3A_914 : memref<16x128xf32, #tpu.memory_space<hbm>>) target_semaphore(%arg26 : memref<!tpu.dma_semaphore, #tpu.memory_space<semaphore_mem>>)
    %dma_start3A_919 = arith.constant 4 : i32
    %dma_start3A_920 = arith.constant 0 : i32
    %dma_start3A_921 = arith.constant 0 : i32
    %dma_start3A_922 = tpu.memref_slice %arg10[%dma_start3A_919, %dma_start3A_920, %dma_start3A_921] : memref<5x16x128xf32, #tpu.memory_space<vmem>> -> memref<1x16x128xf32, #tpu.memory_space<vmem>>
    %dma_start3A_923 = tpu.memref_squeeze %dma_start3A_922 : memref<1x16x128xf32, #tpu.memory_space<vmem>> -> memref<16x128xf32, #tpu.memory_space<vmem>>
    %dma_start3A_924 = arith.constant 0 : i32
    %dma_start3A_925 = tpu.memref_slice %arg5[%add3A_905, %dma_start3A_924] : memref<320000x128xf32, #tpu.memory_space<hbm>> -> memref<16x128xf32, #tpu.memory_space<hbm>>
    %dma_start3A_926 = arith.constant 0 : i32
    %dma_start3A_927 = tpu.memref_slice %arg5[%add3A_905, %dma_start3A_926] : memref<320000x128xf32, #tpu.memory_space<hbm>> -> memref<16x128xf32, #tpu.memory_space<hbm>>
    %dma_start3A_928 = arith.constant 0 : i32
    %dma_start3A_929 = arith.constant 0 : i32
    %dma_start3A_930 = tpu.memref_slice %arg10[%dma_start3A_919, %dma_start3A_928, %dma_start3A_929] : memref<5x16x128xf32, #tpu.memory_space<vmem>> -> memref<1x16x128xf32, #tpu.memory_space<vmem>>
    %dma_start3A_931 = tpu.memref_squeeze %dma_start3A_930 : memref<1x16x128xf32, #tpu.memory_space<vmem>> -> memref<16x128xf32, #tpu.memory_space<vmem>>
    tpu.enqueue_dma source(%dma_start3A_931 : memref<16x128xf32, #tpu.memory_space<vmem>>) target(%dma_start3A_927 : memref<16x128xf32, #tpu.memory_space<hbm>>) target_semaphore(%arg31 : memref<!tpu.dma_semaphore, #tpu.memory_space<semaphore_mem>>)
    %dma_wait3A_932 = arith.constant 2 : i32
    %dma_wait3A_933 = arith.constant 0 : i32
    %dma_wait3A_934 = arith.constant 0 : i32
    %dma_wait3A_935 = tpu.memref_slice %arg9[%dma_wait3A_932, %dma_wait3A_933, %dma_wait3A_934] : memref<5x16x128xf32, #tpu.memory_space<vmem>> -> memref<1x16x128xf32, #tpu.memory_space<vmem>>
    %dma_wait3A_936 = tpu.memref_squeeze %dma_wait3A_935 : memref<1x16x128xf32, #tpu.memory_space<vmem>> -> memref<16x128xf32, #tpu.memory_space<vmem>>
    %dma_wait3A_937 = arith.constant 0 : i32
    %dma_wait3A_938 = arith.constant 0 : i32
    %dma_wait3A_939 = tpu.memref_slice %arg6[%dma_wait3A_937, %dma_wait3A_938] : memref<320000x128xf32, #tpu.memory_space<hbm>> -> memref<16x128xf32, #tpu.memory_space<hbm>>
    %dma_wait3A_940 = arith.constant 0 : i32
    %dma_wait3A_941 = arith.constant 0 : i32
    %dma_wait3A_942 = tpu.memref_slice %arg6[%dma_wait3A_940, %dma_wait3A_941] : memref<320000x128xf32, #tpu.memory_space<hbm>> -> memref<16x128xf32, #tpu.memory_space<hbm>>
    %dma_wait3A_943 = arith.constant 0 : i32
    %dma_wait3A_944 = arith.constant 0 : i32
    %dma_wait3A_945 = tpu.memref_slice %arg9[%dma_wait3A_932, %dma_wait3A_943, %dma_wait3A_944] : memref<5x16x128xf32, #tpu.memory_space<vmem>> -> memref<1x16x128xf32, #tpu.memory_space<vmem>>
    %dma_wait3A_946 = tpu.memref_squeeze %dma_wait3A_945 : memref<1x16x128xf32, #tpu.memory_space<vmem>> -> memref<16x128xf32, #tpu.memory_space<vmem>>
    tpu.wait_dma2 semaphore(%arg24 : memref<!tpu.dma_semaphore, #tpu.memory_space<semaphore_mem>>) src(%dma_wait3A_946 : memref<16x128xf32, #tpu.memory_space<vmem>>) dst(%dma_wait3A_942 : memref<16x128xf32, #tpu.memory_space<hbm>>)
    %dma_wait3A_947 = arith.constant 2 : i32
    %dma_wait3A_948 = arith.constant 0 : i32
    %dma_wait3A_949 = arith.constant 0 : i32
    %dma_wait3A_950 = tpu.memref_slice %arg10[%dma_wait3A_947, %dma_wait3A_948, %dma_wait3A_949] : memref<5x16x128xf32, #tpu.memory_space<vmem>> -> memref<1x16x128xf32, #tpu.memory_space<vmem>>
    %dma_wait3A_951 = tpu.memref_squeeze %dma_wait3A_950 : memref<1x16x128xf32, #tpu.memory_space<vmem>> -> memref<16x128xf32, #tpu.memory_space<vmem>>
    %dma_wait3A_952 = arith.constant 0 : i32
    %dma_wait3A_953 = arith.constant 0 : i32
    %dma_wait3A_954 = tpu.memref_slice %arg5[%dma_wait3A_952, %dma_wait3A_953] : memref<320000x128xf32, #tpu.memory_space<hbm>> -> memref<16x128xf32, #tpu.memory_space<hbm>>
    %dma_wait3A_955 = arith.constant 0 : i32
    %dma_wait3A_956 = arith.constant 0 : i32
    %dma_wait3A_957 = tpu.memref_slice %arg5[%dma_wait3A_955, %dma_wait3A_956] : memref<320000x128xf32, #tpu.memory_space<hbm>> -> memref<16x128xf32, #tpu.memory_space<hbm>>
    %dma_wait3A_958 = arith.constant 0 : i32
    %dma_wait3A_959 = arith.constant 0 : i32
    %dma_wait3A_960 = tpu.memref_slice %arg10[%dma_wait3A_947, %dma_wait3A_958, %dma_wait3A_959] : memref<5x16x128xf32, #tpu.memory_space<vmem>> -> memref<1x16x128xf32, #tpu.memory_space<vmem>>
    %dma_wait3A_961 = tpu.memref_squeeze %dma_wait3A_960 : memref<1x16x128xf32, #tpu.memory_space<vmem>> -> memref<16x128xf32, #tpu.memory_space<vmem>>
    tpu.wait_dma2 semaphore(%arg29 : memref<!tpu.dma_semaphore, #tpu.memory_space<semaphore_mem>>) src(%dma_wait3A_961 : memref<16x128xf32, #tpu.memory_space<vmem>>) dst(%dma_wait3A_957 : memref<16x128xf32, #tpu.memory_space<hbm>>)
    %dma_wait3A_962 = arith.constant 3 : i32
    %dma_wait3A_963 = arith.constant 0 : i32
    %dma_wait3A_964 = arith.constant 0 : i32
    %dma_wait3A_965 = tpu.memref_slice %arg9[%dma_wait3A_962, %dma_wait3A_963, %dma_wait3A_964] : memref<5x16x128xf32, #tpu.memory_space<vmem>> -> memref<1x16x128xf32, #tpu.memory_space<vmem>>
    %dma_wait3A_966 = tpu.memref_squeeze %dma_wait3A_965 : memref<1x16x128xf32, #tpu.memory_space<vmem>> -> memref<16x128xf32, #tpu.memory_space<vmem>>
    %dma_wait3A_967 = arith.constant 0 : i32
    %dma_wait3A_968 = arith.constant 0 : i32
    %dma_wait3A_969 = tpu.memref_slice %arg6[%dma_wait3A_967, %dma_wait3A_968] : memref<320000x128xf32, #tpu.memory_space<hbm>> -> memref<16x128xf32, #tpu.memory_space<hbm>>
    %dma_wait3A_970 = arith.constant 0 : i32
    %dma_wait3A_971 = arith.constant 0 : i32
    %dma_wait3A_972 = tpu.memref_slice %arg6[%dma_wait3A_970, %dma_wait3A_971] : memref<320000x128xf32, #tpu.memory_space<hbm>> -> memref<16x128xf32, #tpu.memory_space<hbm>>
    %dma_wait3A_973 = arith.constant 0 : i32
    %dma_wait3A_974 = arith.constant 0 : i32
    %dma_wait3A_975 = tpu.memref_slice %arg9[%dma_wait3A_962, %dma_wait3A_973, %dma_wait3A_974] : memref<5x16x128xf32, #tpu.memory_space<vmem>> -> memref<1x16x128xf32, #tpu.memory_space<vmem>>
    %dma_wait3A_976 = tpu.memref_squeeze %dma_wait3A_975 : memref<1x16x128xf32, #tpu.memory_space<vmem>> -> memref<16x128xf32, #tpu.memory_space<vmem>>
    tpu.wait_dma2 semaphore(%arg25 : memref<!tpu.dma_semaphore, #tpu.memory_space<semaphore_mem>>) src(%dma_wait3A_976 : memref<16x128xf32, #tpu.memory_space<vmem>>) dst(%dma_wait3A_972 : memref<16x128xf32, #tpu.memory_space<hbm>>)
    %dma_wait3A_977 = arith.constant 3 : i32
    %dma_wait3A_978 = arith.constant 0 : i32
    %dma_wait3A_979 = arith.constant 0 : i32
    %dma_wait3A_980 = tpu.memref_slice %arg10[%dma_wait3A_977, %dma_wait3A_978, %dma_wait3A_979] : memref<5x16x128xf32, #tpu.memory_space<vmem>> -> memref<1x16x128xf32, #tpu.memory_space<vmem>>
    %dma_wait3A_981 = tpu.memref_squeeze %dma_wait3A_980 : memref<1x16x128xf32, #tpu.memory_space<vmem>> -> memref<16x128xf32, #tpu.memory_space<vmem>>
    %dma_wait3A_982 = arith.constant 0 : i32
    %dma_wait3A_983 = arith.constant 0 : i32
    %dma_wait3A_984 = tpu.memref_slice %arg5[%dma_wait3A_982, %dma_wait3A_983] : memref<320000x128xf32, #tpu.memory_space<hbm>> -> memref<16x128xf32, #tpu.memory_space<hbm>>
    %dma_wait3A_985 = arith.constant 0 : i32
    %dma_wait3A_986 = arith.constant 0 : i32
    %dma_wait3A_987 = tpu.memref_slice %arg5[%dma_wait3A_985, %dma_wait3A_986] : memref<320000x128xf32, #tpu.memory_space<hbm>> -> memref<16x128xf32, #tpu.memory_space<hbm>>
    %dma_wait3A_988 = arith.constant 0 : i32
    %dma_wait3A_989 = arith.constant 0 : i32
    %dma_wait3A_990 = tpu.memref_slice %arg10[%dma_wait3A_977, %dma_wait3A_988, %dma_wait3A_989] : memref<5x16x128xf32, #tpu.memory_space<vmem>> -> memref<1x16x128xf32, #tpu.memory_space<vmem>>
    %dma_wait3A_991 = tpu.memref_squeeze %dma_wait3A_990 : memref<1x16x128xf32, #tpu.memory_space<vmem>> -> memref<16x128xf32, #tpu.memory_space<vmem>>
    tpu.wait_dma2 semaphore(%arg30 : memref<!tpu.dma_semaphore, #tpu.memory_space<semaphore_mem>>) src(%dma_wait3A_991 : memref<16x128xf32, #tpu.memory_space<vmem>>) dst(%dma_wait3A_987 : memref<16x128xf32, #tpu.memory_space<hbm>>)
    %dma_wait3A_992 = arith.constant 4 : i32
    %dma_wait3A_993 = arith.constant 0 : i32
    %dma_wait3A_994 = arith.constant 0 : i32
    %dma_wait3A_995 = tpu.memref_slice %arg9[%dma_wait3A_992, %dma_wait3A_993, %dma_wait3A_994] : memref<5x16x128xf32, #tpu.memory_space<vmem>> -> memref<1x16x128xf32, #tpu.memory_space<vmem>>
    %dma_wait3A_996 = tpu.memref_squeeze %dma_wait3A_995 : memref<1x16x128xf32, #tpu.memory_space<vmem>> -> memref<16x128xf32, #tpu.memory_space<vmem>>
    %dma_wait3A_997 = arith.constant 0 : i32
    %dma_wait3A_998 = arith.constant 0 : i32
    %dma_wait3A_999 = tpu.memref_slice %arg6[%dma_wait3A_997, %dma_wait3A_998] : memref<320000x128xf32, #tpu.memory_space<hbm>> -> memref<16x128xf32, #tpu.memory_space<hbm>>
    %dma_wait3A_1000 = arith.constant 0 : i32
    %dma_wait3A_1001 = arith.constant 0 : i32
    %dma_wait3A_1002 = tpu.memref_slice %arg6[%dma_wait3A_1000, %dma_wait3A_1001] : memref<320000x128xf32, #tpu.memory_space<hbm>> -> memref<16x128xf32, #tpu.memory_space<hbm>>
    %dma_wait3A_1003 = arith.constant 0 : i32
    %dma_wait3A_1004 = arith.constant 0 : i32
    %dma_wait3A_1005 = tpu.memref_slice %arg9[%dma_wait3A_992, %dma_wait3A_1003, %dma_wait3A_1004] : memref<5x16x128xf32, #tpu.memory_space<vmem>> -> memref<1x16x128xf32, #tpu.memory_space<vmem>>
    %dma_wait3A_1006 = tpu.memref_squeeze %dma_wait3A_1005 : memref<1x16x128xf32, #tpu.memory_space<vmem>> -> memref<16x128xf32, #tpu.memory_space<vmem>>
    tpu.wait_dma2 semaphore(%arg26 : memref<!tpu.dma_semaphore, #tpu.memory_space<semaphore_mem>>) src(%dma_wait3A_1006 : memref<16x128xf32, #tpu.memory_space<vmem>>) dst(%dma_wait3A_1002 : memref<16x128xf32, #tpu.memory_space<hbm>>)
    %dma_wait3A_1007 = arith.constant 4 : i32
    %dma_wait3A_1008 = arith.constant 0 : i32
    %dma_wait3A_1009 = arith.constant 0 : i32
    %dma_wait3A_1010 = tpu.memref_slice %arg10[%dma_wait3A_1007, %dma_wait3A_1008, %dma_wait3A_1009] : memref<5x16x128xf32, #tpu.memory_space<vmem>> -> memref<1x16x128xf32, #tpu.memory_space<vmem>>
    %dma_wait3A_1011 = tpu.memref_squeeze %dma_wait3A_1010 : memref<1x16x128xf32, #tpu.memory_space<vmem>> -> memref<16x128xf32, #tpu.memory_space<vmem>>
    %dma_wait3A_1012 = arith.constant 0 : i32
    %dma_wait3A_1013 = arith.constant 0 : i32
    %dma_wait3A_1014 = tpu.memref_slice %arg5[%dma_wait3A_1012, %dma_wait3A_1013] : memref<320000x128xf32, #tpu.memory_space<hbm>> -> memref<16x128xf32, #tpu.memory_space<hbm>>
    %dma_wait3A_1015 = arith.constant 0 : i32
    %dma_wait3A_1016 = arith.constant 0 : i32
    %dma_wait3A_1017 = tpu.memref_slice %arg5[%dma_wait3A_1015, %dma_wait3A_1016] : memref<320000x128xf32, #tpu.memory_space<hbm>> -> memref<16x128xf32, #tpu.memory_space<hbm>>
    %dma_wait3A_1018 = arith.constant 0 : i32
    %dma_wait3A_1019 = arith.constant 0 : i32
    %dma_wait3A_1020 = tpu.memref_slice %arg10[%dma_wait3A_1007, %dma_wait3A_1018, %dma_wait3A_1019] : memref<5x16x128xf32, #tpu.memory_space<vmem>> -> memref<1x16x128xf32, #tpu.memory_space<vmem>>
    %dma_wait3A_1021 = tpu.memref_squeeze %dma_wait3A_1020 : memref<1x16x128xf32, #tpu.memory_space<vmem>> -> memref<16x128xf32, #tpu.memory_space<vmem>>
    tpu.wait_dma2 semaphore(%arg31 : memref<!tpu.dma_semaphore, #tpu.memory_space<semaphore_mem>>) src(%dma_wait3A_1021 : memref<16x128xf32, #tpu.memory_space<vmem>>) dst(%dma_wait3A_1017 : memref<16x128xf32, #tpu.memory_space<hbm>>)
    return
  }
}

</mosaic_0001>

<sc_bundles>
// kernel: kernel.3.cloned.1.call-start
scs
__scs_entry_jumppad:
0x0: {  	(pc) =	sbr.rel $0x88, $3  }
0x1: {  	(tag) =	ssettag $0x0;
	lr =	simm.s32 $0x1  }
0x2: {  	[smem:$0x3F9F] =	sst lr;
	_ =	strace $0xD0000000  }
0x3: {  	_ = 	snop  }
0x4: {  	_ = 	snop  }
0x5: {  	_ = 	snop  }
0x6: {  	_ = 	snop  }
0x7: {  	_ = 	snop  }
__scs_overlays_trampoline_lowered:
0x8: {  	[smem:$0x3FAE] =	sst s0  }
0x9: {  	[smem:$0x3FAF] =	sst s1  }
0xa: {  	[smem:$0x3FB0] =	sst s2  }
0xb: {  	[smem:$0x3FB1] =	sst s3  }
0xc: {  	[smem:$0x3FB2] =	sst s4  }
0xd: {  	[smem:$0x3FB3] =	sst s5  }
0xe: {  	[smem:$0x3FB4] =	sst s6  }
0xf: {  	[smem:$0x3FB5] =	sst s7  }
0x10: {  	[smem:$0x3FB6] =	sst s8  }
0x11: {  	[smem:$0x3FB7] =	sst s9;
	s0 =	simm.s32 @!p0 $0x0  }
0x12: {  	s1 =	sld [smem:$0x3F9D];
	s0 =	simm.s32 @p0 $0x1  }
0x13: {  	[smem:$0x3FB8] =	sst s0;
	s0 =	simm.s32 @!p1 $0x0  }
0x14: {  	s2 =	sld [smem:$0x3F9C];
	s0 =	simm.s32 @p1 $0x1  }
0x15: {  	[smem:$0x3FB9] =	sst s0;
	s0 =	simm.s32 @!p2 $0x0  }
0x16: {  	s3 =	sld [smem:$0x3FDB];
	s0 =	simm.s32 @p2 $0x1  }
0x17: {  	s4 =	simm.s32 $0x1BF5;
	[smem:$0x3FBB] =	sst s0  }
0x18: {  	s0 =	sld [smem:$0x3F9E];
	_ =	swait.ge [sflag:s4], $0x0  }
0x19: {  	s7 =	sld [smem:$0x3F9F]  }
0x1a: {  	s8 =	sadd.s32 $0xFFFFE003, lr  }
0x1b: {  	s9 =	sadd.s32 $0xFFFFFEF7, lr;
	s5 =	simm.s32 $0xFFFFFFFF;
	p2 =	slt.u32 s8, $0xFFFFF086  }
0x1c: {  	p1 =	slt.u32 s9, $0xF7A;
	s5 =	simm.s32 @!p2 $0x0  }
0x1d: {  	s5 =	simm.s32 @p1 $0x1;
	p0 =	seq.s32 s7, s2  }
0x1e: {  	s7 =	smul.u32 @!p0 $0xF7A, s2;
	p2 =	seq.s32 @!p0 s5, $0x0  }
0x1f: {  	s9 =	smul.u32 $0xF7A, s1;
	s8 =	simm.s32 @!p0 $0x1BF5;
	p2 =	por !p2, p0  }
0x20: {  	[sflag:s8] =	ssyncset.s32 @!p0 $0xFFFFF086;
	s6 =	sadd.s32 @!p0 s3, s7;
	s7 =	simm.s32 @!p0 $0x108  }
0x21: {  	s3 =	sadd.s32 s3, s9;
	s6 =	sadd.s32 @!p0 $0x88, s6;
	s7 =	simm.s32 @p2 $0x1082  }
0x22: {  	[simem:s7], [sflag:s8] =	dma.local @!p0 [hbm:s6], $0xF7A  }
0x23: {  	s9 =	sor.u32 $0xD0000000, s2;
	s6 =	simm.s32 $0x108;
	_ =	swait.ge @!p0 [sflag:s8], $0x0  }
0x24: {  	s3 =	sadd.s32 $0x88, s3;
	s6 =	simm.s32 @!p1 $0x1082;
	[sflag:s4] =	ssyncset.s32 $0xFFFFF086  }
0x25: {  	[simem:s6], [sflag:s4] =	dma.local [hbm:s3], $0xF7A  }
0x26: {  	[smem:$0x3F9F] =	sst s1;
	(tag) =	ssettag s2;
	_ =	strace s9  }
0x27: {  	s1 =	sld [smem:$0x3FAF]  }
0x28: {  	s2 =	sld [smem:$0x3FB0]  }
0x29: {  	s4 =	sld [smem:$0x3FB2]  }
0x2a: {  	p0 =	seq.s32 s5, $0x0;
	s5 =	sld [smem:$0x3FB3]  }
0x2b: {  	s6 =	sld [smem:$0x3FB4]  }
0x2c: {  	s7 =	sld [smem:$0x3FB5]  }
0x2d: {  	s3 =	simm.s32 $0x108;
	s8 =	sld [smem:$0x3FB6]  }
0x2e: {  	s3 =	simm.s32 @!p0 $0x1082;
	s9 =	sld [smem:$0x3FB7]  }
0x2f: {  	lr =	sadd.s32 s0, s3;
	s0 =	sld [smem:$0x3FAE]  }
0x30: {  	s3 =	sld [smem:$0x3FB1]  }
0x31: {  	[smem:$0x3FBA] =	sst s10  }
0x32: {  	s10 =	sld [smem:$0x3FB8];
	_ =	sdelay $0x3  }
0x33: {  	p0 =	seq.s32 s10, $0x1;
	s10 =	sld [smem:$0x3FBA];
	_ =	sdelay $0x3  }
0x34: {  	[smem:$0x3FBA] =	sst s10  }
0x35: {  	s10 =	sld [smem:$0x3FB9];
	_ =	sdelay $0x3  }
0x36: {  	p1 =	seq.s32 s10, $0x1;
	s10 =	sld [smem:$0x3FBA];
	_ =	sdelay $0x3  }
0x37: {  	[smem:$0x3FBA] =	sst s10  }
0x38: {  	s10 =	sld [smem:$0x3FBB]  }
0x39: {  	_ = 	snop;
	(pc) =	sbr.ind lr, $3  }
0x3a: {  	_ = 	snop  }
0x3b: {  	_ = 	snop  }
0x3c: {  	p2 =	seq.s32 s10, $0x1;
	s10 =	sld [smem:$0x3FBA]  }
0x3d: {  	_ =	shalt  }
0x3e: {  	_ =	shalt  }
0x3f: {  	_ =	shalt  }
0x40: {  	_ =	shalt  }
0x41: {  	_ =	shalt  }
0x42: {  	_ =	shalt  }
0x43: {  	_ =	shalt  }
0x44: {  	_ =	shalt  }
0x45: {  	_ =	shalt  }
0x46: {  	_ =	shalt  }
0x47: {  	_ =	shalt  }
0x48: {  	_ =	shalt  }
0x49: {  	_ =	shalt  }
0x4a: {  	_ =	shalt  }
0x4b: {  	_ =	shalt  }
0x4c: {  	_ =	shalt  }
0x4d: {  	_ =	shalt  }
0x4e: {  	_ =	shalt  }
0x4f: {  	_ =	shalt  }
0x50: {  	_ =	shalt  }
0x51: {  	_ =	shalt  }
0x52: {  	_ =	shalt  }
0x53: {  	_ =	shalt  }
0x54: {  	_ =	shalt  }
0x55: {  	_ =	shalt  }
0x56: {  	_ =	shalt  }
0x57: {  	_ =	shalt  }
0x58: {  	_ =	shalt  }
0x59: {  	_ =	shalt  }
0x5a: {  	_ =	shalt  }
0x5b: {  	_ =	shalt  }
0x5c: {  	_ =	shalt  }
0x5d: {  	_ =	shalt  }
0x5e: {  	_ =	shalt  }
0x5f: {  	_ =	shalt  }
0x60: {  	_ =	shalt  }
0x61: {  	_ =	shalt  }
0x62: {  	_ =	shalt  }
0x63: {  	_ =	shalt  }
0x64: {  	_ =	shalt  }
0x65: {  	_ =	shalt  }
0x66: {  	_ =	shalt  }
0x67: {  	_ =	shalt  }
0x68: {  	_ =	shalt  }
0x69: {  	_ =	shalt  }
0x6a: {  	_ =	shalt  }
0x6b: {  	_ =	shalt  }
0x6c: {  	_ =	shalt  }
0x6d: {  	_ =	shalt  }
0x6e: {  	_ =	shalt  }
0x6f: {  	_ =	shalt  }
0x70: {  	_ =	shalt  }
0x71: {  	_ =	shalt  }
0x72: {  	_ =	shalt  }
0x73: {  	_ =	shalt  }
0x74: {  	_ =	shalt  }
0x75: {  	_ =	shalt  }
0x76: {  	_ =	shalt  }
0x77: {  	_ =	shalt  }
0x78: {  	_ =	shalt  }
0x79: {  	_ =	shalt  }
0x7a: {  	_ =	shalt  }
0x7b: {  	_ =	shalt  }
0x7c: {  	_ =	shalt  }
0x7d: {  	_ =	shalt  }
0x7e: {  	_ =	shalt  }
0x7f: {  	_ =	shalt  }
0x80: {  	_ =	shalt  }
0x81: {  	_ =	shalt  }
0x82: {  	_ =	shalt  }
0x83: {  	_ =	shalt  }
0x84: {  	_ =	shalt  }
0x85: {  	_ =	shalt  }
0x86: {  	_ =	shalt  }
0x87: {  	_ =	shalt  }
.Lfunc_end0:
.L_simem_size_0:
called_computation_lowered:
.L_overlay_start_0:
0x88: {  	s2 =	sld [smem:$0x3FD9]  }
0x89: {  	s3 =	sld [smem:$0x3FFE];
	_ =	sdelay $0x1  }
0x8a: {  	s1 =	srdreg.scid  }
0x8b: {  	s0 =	sand.u32 $0x1, s1  }
0x8c: {  	s14 =	sshll.u32 s0, $0xA;
	s2 =	sadd.s32 s3, s2  }
0x8d: {  	s2 =	sadd.s32 s2, s14  }
0x8e: {  	[smem:$0x3FC6] =	sst s2  }
0x8f: {  	_ = 	snop  }
0x90: {  	s2 =	sld [smem:$0x3FD0];
	_ =	sdelay $0x2  }
0x91: {  	s4 =	simm.s32 $0xA;
	s5 =	simm.s32 $0x10;
	s15 =	sld [smem:$0x3FC9]  }
0x92: {  	[smem:s5], [sflag:s4] =	dma.local [hbm:s2], $0x1  }
0x93: {  	_ =	swait.eq [sflag:s4], $0x1  }
0x94: {  	[sflag:s4] =	ssyncset.done $0x0  }
0x95: {  	s16 =	sld [smem:$0x10];
	[sflag:s4] =	ssyncadd.s32 $0xFFFFFFFF  }
0x96: {  	s17 =	sld [smem:$0x11];
	(tm) =	ssettm $0x1  }
0x97: {  	s18 =	sld [smem:$0x3FFB];
	_ =	sdelay $0x3  }
0x98: {  	_ =	strace s18  }
0x99: {  	s5 =	sld [smem:$0x3FFC];
	_ =	sdelay $0x3  }
0x9a: {  	_ =	strace s5  }
0x9b: {  	s5 =	sld [smem:$0x3FFD];
	_ =	sdelay $0x3  }
0x9c: {  	_ =	strace s5  }
0x9d: {  	_ =	strace $0x8FFFFFFF  }
0x9e: {  	s19 =	sld [smem:$0x3FDB];
	_ =	sdelay $0x1  }
0x9f: {  	s6 =	simm.s32 $_scs_section_size  }
0xa0: {  	s7 =	simm.s32 $_size__tile_overlayer_lowered;
	s8 =	simm.s32 $_tile_overlayer_lowered  }
0xa1: {  	s22 =	simm.s32 $0x1BFF;
	s21 =	sshll.u32 s8, $0x1;
	s5 =	sadd.s32 s6, s19  }
0xa2: {  	s9 =	simm.s32 $0x0;
	s20 =	sshll.u32 s7, $0x1;
	s7 =	sadd.s32 s21, s5  }
0xa3: {  	[timem:s9], [sflag:s22] =	dma.local [hbm:s7], s20  }
0xa4: {  	_ =	swait.ge [sflag:s22], s20  }
0xa5: {  	s6 =	ssub.s32 $0x0, s20;
	[sflag:s22] =	ssyncset.done $0x0  }
0xa6: {  	[sflag:s22] =	ssyncadd.s32 s6;
	_ =	sdelay $0x1  }
0xa7: {  	s23 =	simm.s32 $0x1B8B  }
0xa8: {  	_ =	swait.ge [sflag:s23], $0x1  }
0xa9: {  	[sflag:s23] =	ssyncset.done $0x0  }
0xaa: {  	s25 =	simm.s32 $0x1B8E;
	s24 =	sld [smem:$0x3FFE];
	[sflag:s23] =	ssyncadd.s32 $0xFFFFFFFF  }
0xab: {  	s26 =	simm.s32 $execute0_lowered;
	[smem:$0x3FD2] =	sst s25  }
0xac: {  	s7 =	sshll.u32 s26, $0x1;
	_ =	strace $0x80000046;
	[dreg:$0x1] =	wrdreg $0xFFFFFFFF  }
0xad: {  	s28 =	simm.s32 $_size_execute0_lowered;
	s5 =	sadd.s32 s5, s7;
	[dreg:$0x0] =	wrdreg $0x0  }
0xae: {  	s7 =	sshll.u32 s28, $0x1;
	[dreg:$0x2] =	wrdreg s5  }
0xaf: {  	[dreg:$0x3] =	wrdreg s7  }
0xb0: {  	[dreg:$0x4] =	wrdreg $0xC0  }
0xb1: {  	_ =	task [dreg:s9], $0x5FFFF  }
0xb2: {  	[dreg:$0x1] =	wrdreg $0xFFFFFFFF  }
0xb3: {  	[dreg:$0x0] =	wrdreg $0x60  }
0xb4: {  	[dreg:$0x2] =	wrdreg s24  }
0xb5: {  	[dreg:$0x3] =	wrdreg s15  }
0xb6: {  	[dreg:$0x4] =	wrdreg s16  }
0xb7: {  	[dreg:$0x5] =	wrdreg s17  }
0xb8: {  	[dreg:$0x6] =	wrdreg $0x9F000  }
0xb9: {  	[dreg:$0x7] =	wrdreg $0x9  }
0xba: {  	_ =	task.clear_ibuf [dreg:s9], $0x8FFFF;
	_ =	strace $0x90000046  }
0xbb: {  	s29 =	simm.s32 $0x9;
	_ =	strace $0x80000048  }
0xbc: {  	_ =	swait.ge [sflag:s29], $0x1  }
0xbd: {  	[sflag:s29] =	ssyncadd.s32 $0xFFFFFFFF  }
0xbe: {  	_ =	strace $0x90000048  }
0xbf: {  	_ =	sfence  }
0xc0: {  	s30 =	sld [smem:$0x0];
	_ =	sdelay $0x2  }
0xc1: {  	s31 =	sshll.u32 s1, $0xD;
	s1 =	sshrl.u32 s1, $0x2  }
0xc2: {  	s3 =	sand.u32 $0x4000, s31;
	s1 =	sadd.s32 s1, s30  }
0xc3: {  	s0 =	sor.u32 s3, s0;
	s1 =	sshll.u32 s1, $0x11  }
0xc4: {  	s0 =	sor.u32 s1, s0  }
0xc5: {  	s0 =	sadd.s32 $0x8F2B, s0  }
0xc6: {  	[sflag:s0] =	ssyncadd.remote.s32 $0x1  }
0xc7: {  	_ =	sfence.sel $0xFFFF  }
0xc8: {  	[dreg:$0x0] =	wrdreg $0xFFFFFFFF;
	(pc) =	sbr.abs _section_cstart, $3  }
0xc9: {  	[dreg:$0x1] =	wrdreg $0xFFFFFFFF  }
0xca: {  	_ =	task.clear_ibuf [dreg:s9], $0x2FFFF;
	_ =	strace $0x9FFFFFFF  }
0xcb: {  	(tm) =	ssettm $0x7FFFFFFF  }
tec
execute0_lowered:
.L_overlay_start_1:
0x0: {  	(tag) =	ssettag $0x1  }
0x1: {  	s3 =	rddreg [dreg:$0x0]  }
0x2: {  	s0 =	rddreg [dreg:$0x1]  }
0x3: {  	s4 =	rddreg [dreg:$0x2]  }
0x4: {  	s5 =	rddreg [dreg:$0x3];
	s2 =	srdreg.scid  }
0x5: {  	s1 =	rddreg [dreg:$0x4];
	s6 =	stileid.u32;
	s7 =	sand.u32 $0x1, s2  }
0x6: {  	s8 =	sshll.u32 s6, $0x1;
	s9 =	sshrl.u32 s6, $0x2;
	s20 =	smul.u32 $0x4E200, s6  }
0x7: {  	s2 =	simm.s32 $0x0;
	s8 =	sor.u32 s7, s8;
	s9 =	smul.u32 $0x13C00, s9  }
0x8: {  	[smem:$0x7FF] =	sst s2;
	s26 =	ssub.s32 $0x2, s7;
	s7 =	smul.u32 $0x27100, s7  }
0x9: {  	s10 =	sshll.u32 s8, $0x7;
	_ =	strace $0x80000047;
	s11 =	smul.u32 $0x138800, s8  }
0xa: {  	s12 =	sshrl.u32 s26, $0x1;
	s24 =	sadd.s32 s20, s5;
	s10 =	sand.u32 $0x380, s10  }
0xb: {  	s8 =	smul.u32 $0x27100, s8;
	s25 =	sadd.s32 s7, s24;
	s9 =	sor.u32 s9, s10  }
0xc: {  	s10 =	sshrl.u32 s11, $0x3;
	[dreg:$0x6] =	wrdreg s25;
	s9 =	sshrl.u32 s9, $0x3  }
0xd: {  	s3 =	sadd.s32 s9, s3;
	s9 =	ssub.s32 s26, s12;
	s12 =	sadd.s32 s5, s8  }
0xe: {  	s13 =	sadd.s32 $0x100, s10;
	s8 =	sadd.s32 s4, s8;
	[dreg:$0x8] =	wrdreg s12  }
0xf: {  	s15 =	sadd.s32 $0x200, s10;
	s14 =	sadd.s32 s5, s13;
	[dreg:$0x9] =	wrdreg s8  }
0x10: {  	s17 =	sadd.s32 $0x300, s10;
	s16 =	sadd.s32 s5, s15;
	[dreg:$0xa] =	wrdreg s14  }
0x11: {  	s19 =	sadd.s32 $0x400, s10;
	s18 =	sadd.s32 s5, s17;
	[dreg:$0xc] =	wrdreg s16  }
0x12: {  	s21 =	sadd.s32 s5, s19;
	[dreg:$0xe] =	wrdreg s18  }
0x13: {  	s22 =	sadd.s32 s4, s19;
	[dreg:$0x10] =	wrdreg s21  }
0x14: {  	s23 =	sadd.s32 $0x26C00, s10;
	s8 =	sadd.s32 s4, s13;
	[dreg:$0x11] =	wrdreg s22  }
0x15: {  	s26 =	sadd.s32 $0x26D00, s10;
	s13 =	sadd.s32 s5, s23;
	[dreg:$0xb] =	wrdreg s8  }
0x16: {  	s14 =	sadd.s32 s5, s26;
	[dreg:$0x12] =	wrdreg s13  }
0x17: {  	s28 =	simm.s32 $0x5;
	s11 =	sadd.s32 s4, s26;
	[dreg:$0x14] =	wrdreg s14  }
0x18: {  	s29 =	simm.s32 $0xA;
	s24 =	sadd.s32 $0x400, s3;
	[dreg:$0x15] =	wrdreg s11  }
0x19: {  	s30 =	simm.s32 $0xD;
	s3 =	sadd.s32 $0xA200, s3;
	[dreg:$0x1e] =	wrdreg s24  }
0x1a: {  	s31 =	simm.s32 $0x12;
	s25 =	smax.u32 s9, $0x1;
	[dreg:$0x1f] =	wrdreg s3  }
0x1b: {  	p0 =	sne.s32 s6, $0x0;
	s8 =	sadd.s32 s4, s15;
	[smem:$0x7FB] =	sst s25  }
0x1c: {  	s15 =	sadd.s32 $0x26E00, s10;
	[dreg:$0xd] =	wrdreg s8;
	s8 =	sadd.s32 s4, s17  }
0x1d: {  	s13 =	sadd.s32 s20, s4;
	s16 =	sadd.s32 s5, s15;
	[dreg:$0xf] =	wrdreg s8  }
0x1e: {  	s18 =	sadd.s32 $0x27000, s10;
	s7 =	sadd.s32 s7, s13;
	[dreg:$0x16] =	wrdreg s16  }
0x1f: {  	s17 =	sadd.s32 $0x26F00, s10;
	s8 =	sadd.s32 s4, s23;
	[dreg:$0x7] =	wrdreg s7  }
0x20: {  	s21 =	smul.u32 $0x4E000, s6;
	s19 =	sadd.s32 s5, s17;
	[dreg:$0x13] =	wrdreg s8  }
0x21: {  	s22 =	smul.u32 $0x2700, s6;
	s20 =	sadd.s32 s4, s17;
	[dreg:$0x18] =	wrdreg s19  }
0x22: {  	s6 =	sshll.u32 s6, $0x6;
	s5 =	sadd.s32 s5, s18;
	[dreg:$0x19] =	wrdreg s20  }
0x23: {  	s25 =	simm.s32 $0x9;
	s23 =	sor.u32 $0x1C15, s6;
	[dreg:$0x1a] =	wrdreg s5  }
0x24: {  	s24 =	simm.s32 $0x13;
	s8 =	sadd.s32 s4, s15;
	[dreg:$0x1d] =	wrdreg s23  }
0x25: {  	s7 =	simm.s32 $0x10;
	s4 =	sadd.s32 s4, s18;
	[dreg:$0x17] =	wrdreg s8  }
0x26: {  	s6 =	simm.s32 $0xF;
	[dreg:$0x1b] =	wrdreg s4;
	s4 =	sadd.s32 s0, s22  }
0x27: {  	s5 =	sshrl.u32 s21, $0x2;
	s0 =	sadd.s32 $0x27000, s0;
	[dreg:$0x1c] =	wrdreg s4  }
0x28: {  	s5 =	sadd.s32 s5, s1;
	s8 =	simm.s32 $0x14;
	[smem:$0x7FA] =	sst s0  }
0x29: {  	s26 =	sshrl.u32 s5, $0x3;
	s0 =	sadd.s32 $0x138000, s1;
	s4 =	simm.s32 $0xC  }
0x2a: {  	s5 =	simm.s32 $0xE;
	[smem:$0x7FC] =	sst s26;
	s0 =	sshrl.u32 @!p0 s0, $0x3  }
0x2b: {  	s26 =	simm.s32 $0x11;
	[smem:$0x7FD] =	sst s0;
	s0 =	simm.s32 $0x0  }
.LBB2_1:
0x2c: {  	[smem:$0x7F9] =	sst s0  }
0x2d: {  	s11 =	sld [smem:$0x7FC]  }
0x2e: {  	s9 =	rddreg [dreg:$0x1c]  }
0x2f: {  	s10 =	rddreg [dreg:$0x1d]  }
0x30: {  	[spmem:s11], [sflag:s10] =	dma.local [hbm:s9], $0x2700  }
0x31: {  	s9 =	rddreg [dreg:$0x1e]  }
0x32: {  	s19 =	simm.s32 $0x80;
	s12 =	simm.s32 $0x400;
	s11 =	sld [smem:$0x7FD]  }
0x33: {  	[tilespmem:s2], [sflag:$0x16] =	stream.strided.gather [hbm4b:s9+s19], $0x2780, s12, s19, $0x38;
	[tilespmem:$0x1D780] =	vst v63  }
0x34: {  	s9 =	sld [smem:$0x7FA]  }
0x35: {  	s13 =	simm.s32 $0x2780;
	s20 =	rddreg [dreg:$0x1f]  }
0x36: {  	[tilespmem:s13], [sflag:$0x16] =	stream.strided.gather [hbm4b:s20+s19], $0x2780, s12, s19, $0x38;
	[tilespmem:$0x1D780] =	vst v63  }
0x37: {  	[spmem:s11], [sflag:s10] =	dma.local @!p0 [hbm:s9], $0x100  }
0x38: {  	s9 =	simm.s32 @!p0 $0x15  }
0x39: {  	_ =	swait.ge @!p0 [sflag:s9], $0x100  }
0x3a: {  	[sflag:s9] =	ssyncset.done @!p0 $0x0  }
0x3b: {  	s21 =	simm.s32 $0x15;
	[sflag:s9] =	ssyncadd.s32 @!p0 $0xFFFFFF00  }
0x3c: {  	_ =	swait.ge [sflag:s21], $0x2700  }
0x3d: {  	[sflag:s21] =	ssyncset.done $0x0  }
0x3e: {  	s22 =	simm.s32 $0x16;
	[sflag:s21] =	ssyncadd.s32 $0xFFFFD900  }
0x3f: {  	_ =	swait.ge [sflag:s22], $0x2780  }
0x40: {  	[sflag:s22] =	ssyncset.done $0x0  }
0x41: {  	[sflag:s22] =	ssyncadd.s32 $0xFFFFD880  }
0x42: {  	_ =	swait.ge [sflag:s22], $0x2780  }
0x43: {  	[sflag:s22] =	ssyncset.done $0x0  }
0x44: {  	[sflag:s22] =	ssyncadd.s32 $0xFFFFD880  }
0x45: {  	s16 =	simm.s32 $0x4F00;
	[bflag:$0x0] =	sbarrier.arrive $0xFFFF  }
0x46: {  	[tilespmem:s16], [sflag:$0x1] =	stream.indirect.gather [spmem:s1], $0x80, s2, s7, $0xb8;
	[tilespmem:$0x1D780] =	vst v63  }
0x47: {  	s17 =	simm.s32 $0x7700  }
0x48: {  	[tilespmem:s17], [sflag:$0x6] =	stream.indirect.gather [spmem:s1], $0x80, s13, s7, $0xb8;
	[tilespmem:$0x1D780] =	vst v63  }
0x49: {  	s20 =	simm.s32 $0x5700  }
0x4a: {  	[tilespmem:s20], [sflag:$0x2] =	stream.indirect.gather [spmem:s1], $0x80, s7, s7, $0xb8;
	[tilespmem:$0x1D780] =	vst v63  }
0x4b: {  	s23 =	simm.s32 $0x2790;
	s21 =	simm.s32 $0x7F00  }
0x4c: {  	[tilespmem:s21], [sflag:$0x7] =	stream.indirect.gather [spmem:s1], $0x80, s23, s7, $0xb8;
	[tilespmem:$0x1D780] =	vst v63  }
0x4d: {  	s0 =	simm.s32 $0x20;
	s18 =	simm.s32 $0x5F00  }
0x4e: {  	[tilespmem:s18], [sflag:$0x3] =	stream.indirect.gather [spmem:s1], $0x80, s0, s7, $0xb8;
	[tilespmem:$0x1D780] =	vst v63  }
0x4f: {  	s3 =	simm.s32 $0x27A0;
	s19 =	simm.s32 $0x8700  }
0x50: {  	[tilespmem:s19], [sflag:$0x8] =	stream.indirect.gather [spmem:s1], $0x80, s3, s7, $0xb8;
	[tilespmem:$0x1D780] =	vst v63  }
0x51: {  	s10 =	simm.s32 $0x30;
	s11 =	simm.s32 $0x6700  }
0x52: {  	[tilespmem:s11], [sflag:$0x4] =	stream.indirect.gather [spmem:s1], $0x80, s10, s7, $0xb8;
	[tilespmem:$0x1D780] =	vst v63  }
0x53: {  	s12 =	simm.s32 $0x27B0;
	s13 =	simm.s32 $0x8F00  }
0x54: {  	[tilespmem:s13], [sflag:$0x9] =	stream.indirect.gather [spmem:s1], $0x80, s12, s7, $0xb8;
	[tilespmem:$0x1D780] =	vst v63  }
0x55: {  	s14 =	simm.s32 $0x40;
	s15 =	simm.s32 $0x6F00  }
0x56: {  	[tilespmem:s15], [sflag:$0x5] =	stream.indirect.gather [spmem:s1], $0x80, s14, s7, $0xb8;
	[tilespmem:$0x1D780] =	vst v63  }
0x57: {  	s22 =	simm.s32 $0x27C0;
	s0 =	simm.s32 $0x1;
	s3 =	simm.s32 $0x9700  }
0x58: {  	[tilespmem:s3], [sflag:$0xA] =	stream.indirect.gather [spmem:s1], $0x80, s22, s7, $0xb8;
	[tilespmem:$0x1D780] =	vst v63  }
0x59: {  	_ =	swait.ge [sflag:s0], $0x800  }
0x5a: {  	[sflag:s0] =	ssyncset.done $0x0  }
0x5b: {  	s3 =	simm.s32 $0x6;
	[sflag:s0] =	ssyncadd.s32 $0xFFFFF800  }
0x5c: {  	_ =	swait.ge [sflag:s3], $0x800  }
0x5d: {  	[sflag:s3] =	ssyncset.done $0x0  }
0x5e: {  	s23 =	rddreg [dreg:$0x8];
	[sflag:s3] =	ssyncadd.s32 $0xFFFFF800  }
0x5f: {  	[hbm4b:s23+s2] =	stream.linear.scatter [tilespmem:s16], [sflag:$0xB], $0x800, $0x38;
	[tilespmem:$0x1D780] =	vst v63  }
0x60: {  	s22 =	simm.s32 $0x2;
	s12 =	rddreg [dreg:$0x9]  }
0x61: {  	[hbm4b:s12+s2] =	stream.linear.scatter [tilespmem:s17], [sflag:$0x10], $0x800, $0x38;
	[tilespmem:$0x1D780] =	vst v63  }
0x62: {  	_ =	swait.ge [sflag:s22], $0x800  }
0x63: {  	[sflag:s22] =	ssyncset.done $0x0  }
0x64: {  	s23 =	simm.s32 $0x7;
	[sflag:s22] =	ssyncadd.s32 $0xFFFFF800  }
0x65: {  	_ =	swait.ge [sflag:s23], $0x800  }
0x66: {  	[sflag:s23] =	ssyncset.done $0x0  }
0x67: {  	s13 =	rddreg [dreg:$0xa];
	[sflag:s23] =	ssyncadd.s32 $0xFFFFF800  }
0x68: {  	[hbm4b:s13+s2] =	stream.linear.scatter [tilespmem:s20], [sflag:$0xC], $0x800, $0x38;
	[tilespmem:$0x1D780] =	vst v63  }
0x69: {  	s12 =	simm.s32 $0x3;
	s14 =	rddreg [dreg:$0xb]  }
0x6a: {  	[hbm4b:s14+s2] =	stream.linear.scatter [tilespmem:s21], [sflag:$0x11], $0x800, $0x38;
	[tilespmem:$0x1D780] =	vst v63  }
0x6b: {  	_ =	swait.ge [sflag:s12], $0x800  }
0x6c: {  	[sflag:s12] =	ssyncset.done $0x0  }
0x6d: {  	s13 =	simm.s32 $0x8;
	[sflag:s12] =	ssyncadd.s32 $0xFFFFF800  }
0x6e: {  	_ =	swait.ge [sflag:s13], $0x800  }
0x6f: {  	[sflag:s13] =	ssyncset.done $0x0  }
0x70: {  	s15 =	rddreg [dreg:$0xc];
	[sflag:s13] =	ssyncadd.s32 $0xFFFFF800  }
0x71: {  	[hbm4b:s15+s2] =	stream.linear.scatter [tilespmem:s18], [sflag:$0xD], $0x800, $0x38;
	[tilespmem:$0x1D780] =	vst v63  }
0x72: {  	s14 =	rddreg [dreg:$0xd]  }
0x73: {  	[hbm4b:s14+s2] =	stream.linear.scatter [tilespmem:s19], [sflag:$0x12], $0x800, $0x38;
	[tilespmem:$0x1D780] =	vst v63  }
0x74: {  	s14 =	simm.s32 $0xB  }
0x75: {  	_ =	swait.ge [sflag:s14], $0x800  }
0x76: {  	[sflag:s14] =	ssyncset.done $0x0  }
0x77: {  	[sflag:s14] =	ssyncadd.s32 $0xFFFFF800  }
0x78: {  	_ =	swait.ge [sflag:s7], $0x800  }
0x79: {  	[sflag:s7] =	ssyncset.done $0x0  }
0x7a: {  	s15 =	simm.s32 $0x50;
	[sflag:s7] =	ssyncadd.s32 $0xFFFFF800  }
0x7b: {  	[tilespmem:s16], [sflag:$0x1] =	stream.indirect.gather [spmem:s1], $0x80, s15, s7, $0xb8;
	[tilespmem:$0x1D780] =	vst v63  }
0x7c: {  	s15 =	simm.s32 $0x27D0  }
0x7d: {  	[tilespmem:s17], [sflag:$0x6] =	stream.indirect.gather [spmem:s1], $0x80, s15, s7, $0xb8;
	[tilespmem:$0x1D780] =	vst v63  }
0x7e: {  	s15 =	simm.s32 $0x4  }
0x7f: {  	_ =	swait.ge [sflag:s15], $0x800  }
0x80: {  	[sflag:s15] =	ssyncset.done $0x0  }
0x81: {  	[sflag:s15] =	ssyncadd.s32 $0xFFFFF800  }
0x82: {  	_ =	swait.ge [sflag:s25], $0x800  }
0x83: {  	[sflag:s25] =	ssyncset.done $0x0  }
0x84: {  	s10 =	simm.s32 $0x6700;
	s9 =	rddreg [dreg:$0xe];
	[sflag:s25] =	ssyncadd.s32 $0xFFFFF800  }
0x85: {  	[hbm4b:s9+s2] =	stream.linear.scatter [tilespmem:s10], [sflag:$0xE], $0x800, $0x38;
	[tilespmem:$0x1D780] =	vst v63  }
0x86: {  	s11 =	simm.s32 $0x8F00;
	s10 =	rddreg [dreg:$0xf]  }
0x87: {  	[hbm4b:s10+s2] =	stream.linear.scatter [tilespmem:s11], [sflag:$0x13], $0x800, $0x38;
	[tilespmem:$0x1D780] =	vst v63  }
0x88: {  	_ =	swait.ge [sflag:s4], $0x800  }
0x89: {  	[sflag:s4] =	ssyncset.done $0x0  }
0x8a: {  	[sflag:s4] =	ssyncadd.s32 $0xFFFFF800  }
0x8b: {  	_ =	swait.ge [sflag:s26], $0x800  }
0x8c: {  	[sflag:s26] =	ssyncset.done $0x0  }
0x8d: {  	s10 =	simm.s32 $0x60;
	[sflag:s26] =	ssyncadd.s32 $0xFFFFF800  }
0x8e: {  	[tilespmem:s20], [sflag:$0x2] =	stream.indirect.gather [spmem:s1], $0x80, s10, s7, $0xb8;
	[tilespmem:$0x1D780] =	vst v63  }
0x8f: {  	s11 =	simm.s32 $0x27E0  }
0x90: {  	[tilespmem:s21], [sflag:$0x7] =	stream.indirect.gather [spmem:s1], $0x80, s11, s7, $0xb8;
	[tilespmem:$0x1D780] =	vst v63  }
0x91: {  	_ =	swait.ge [sflag:s28], $0x800  }
0x92: {  	[sflag:s28] =	ssyncset.done $0x0  }
0x93: {  	[sflag:s28] =	ssyncadd.s32 $0xFFFFF800  }
0x94: {  	_ =	swait.ge [sflag:s29], $0x800  }
0x95: {  	[sflag:s29] =	ssyncset.done $0x0  }
0x96: {  	s11 =	simm.s32 $0x6F00;
	s10 =	rddreg [dreg:$0x10];
	[sflag:s29] =	ssyncadd.s32 $0xFFFFF800  }
0x97: {  	[hbm4b:s10+s2] =	stream.linear.scatter [tilespmem:s11], [sflag:$0xF], $0x800, $0x38;
	[tilespmem:$0x1D780] =	vst v63  }
0x98: {  	s10 =	rddreg [dreg:$0x11];
	s11 =	simm.s32 $0x9700  }
0x99: {  	[hbm4b:s10+s2] =	stream.linear.scatter [tilespmem:s11], [sflag:$0x14], $0x800, $0x38;
	[tilespmem:$0x1D780] =	vst v63  }
0x9a: {  	_ =	swait.ge [sflag:s30], $0x800  }
0x9b: {  	[sflag:s30] =	ssyncset.done $0x0  }
0x9c: {  	[sflag:s30] =	ssyncadd.s32 $0xFFFFF800  }
0x9d: {  	_ =	swait.ge [sflag:s31], $0x800  }
0x9e: {  	[sflag:s31] =	ssyncset.done $0x0  }
0x9f: {  	s10 =	simm.s32 $0x70;
	[sflag:s31] =	ssyncadd.s32 $0xFFFFF800  }
0xa0: {  	[tilespmem:s18], [sflag:$0x3] =	stream.indirect.gather [spmem:s1], $0x80, s10, s7, $0xb8;
	[tilespmem:$0x1D780] =	vst v63  }
0xa1: {  	s11 =	simm.s32 $0x27F0  }
0xa2: {  	[tilespmem:s19], [sflag:$0x8] =	stream.indirect.gather [spmem:s1], $0x80, s11, s7, $0xb8;
	[tilespmem:$0x1D780] =	vst v63  }
0xa3: {  	_ =	swait.ge [sflag:s0], $0x800  }
0xa4: {  	[sflag:s0] =	ssyncset.done $0x0  }
0xa5: {  	[sflag:s0] =	ssyncadd.s32 $0xFFFFF800  }
0xa6: {  	_ =	swait.ge [sflag:s3], $0x800  }
0xa7: {  	s10 =	rddreg [dreg:$0x6]  }
0xa8: {  	s11 =	rddreg [dreg:$0x7];
	[sflag:s3] =	ssyncset.done $0x0;
	s9 =	sadd.s32 $0x0, s10  }
0xa9: {  	[sflag:s3] =	ssyncadd.s32 $0xFFFFF800;
	s10 =	sadd.s32 $0x0, s11;
	s0 =	sadd.s32 $0x500, s9  }
0xaa: {  	[hbm4b:s0+s2] =	stream.linear.scatter [tilespmem:s16], [sflag:$0xB], $0x800, $0x38;
	[tilespmem:$0x1D780] =	vst v63  }
0xab: {  	s3 =	sadd.s32 $0x500, s10  }
0xac: {  	[hbm4b:s3+s2] =	stream.linear.scatter [tilespmem:s17], [sflag:$0x10], $0x800, $0x38;
	[tilespmem:$0x1D780] =	vst v63  }
0xad: {  	_ =	swait.ge [sflag:s5], $0x800  }
0xae: {  	[sflag:s5] =	ssyncset.done $0x0  }
0xaf: {  	[sflag:s5] =	ssyncadd.s32 $0xFFFFF800  }
0xb0: {  	_ =	swait.ge [sflag:s24], $0x800  }
0xb1: {  	[sflag:s24] =	ssyncset.done $0x0  }
0xb2: {  	s0 =	simm.s32 $0x80;
	s3 =	simm.s32 $0x6700;
	[sflag:s24] =	ssyncadd.s32 $0xFFFFF800  }
0xb3: {  	[tilespmem:s3], [sflag:$0x4] =	stream.indirect.gather [spmem:s1], $0x80, s0, s7, $0xb8;
	[tilespmem:$0x1D780] =	vst v63  }
0xb4: {  	s11 =	simm.s32 $0x2800;
	s0 =	simm.s32 $0x8F00  }
0xb5: {  	[tilespmem:s0], [sflag:$0x9] =	stream.indirect.gather [spmem:s1], $0x80, s11, s7, $0xb8;
	[tilespmem:$0x1D780] =	vst v63  }
0xb6: {  	_ =	swait.ge [sflag:s22], $0x800  }
0xb7: {  	[sflag:s22] =	ssyncset.done $0x0  }
0xb8: {  	[sflag:s22] =	ssyncadd.s32 $0xFFFFF800  }
0xb9: {  	_ =	swait.ge [sflag:s23], $0x800  }
0xba: {  	[sflag:s23] =	ssyncset.done $0x0  }
0xbb: {  	s0 =	sadd.s32 $0x600, s9;
	[sflag:s23] =	ssyncadd.s32 $0xFFFFF800  }
0xbc: {  	[hbm4b:s0+s2] =	stream.linear.scatter [tilespmem:s20], [sflag:$0xC], $0x800, $0x38;
	[tilespmem:$0x1D780] =	vst v63  }
0xbd: {  	s22 =	sadd.s32 $0x600, s10  }
0xbe: {  	[hbm4b:s22+s2] =	stream.linear.scatter [tilespmem:s21], [sflag:$0x11], $0x800, $0x38;
	[tilespmem:$0x1D780] =	vst v63  }
0xbf: {  	_ =	swait.ge [sflag:s6], $0x800  }
0xc0: {  	[sflag:s6] =	ssyncset.done $0x0  }
0xc1: {  	[sflag:s6] =	ssyncadd.s32 $0xFFFFF800  }
0xc2: {  	_ =	swait.ge [sflag:s8], $0x800  }
0xc3: {  	[sflag:s8] =	ssyncset.done $0x0  }
0xc4: {  	s23 =	simm.s32 $0x90;
	s0 =	simm.s32 $0x6F00;
	[sflag:s8] =	ssyncadd.s32 $0xFFFFF800  }
0xc5: {  	[tilespmem:s0], [sflag:$0x5] =	stream.indirect.gather [spmem:s1], $0x80, s23, s7, $0xb8;
	[tilespmem:$0x1D780] =	vst v63  }
0xc6: {  	s22 =	simm.s32 $0x2810;
	s23 =	simm.s32 $0x9700  }
0xc7: {  	[tilespmem:s23], [sflag:$0xA] =	stream.indirect.gather [spmem:s1], $0x80, s22, s7, $0xb8;
	[tilespmem:$0x1D780] =	vst v63  }
0xc8: {  	_ =	swait.ge [sflag:s12], $0x800  }
0xc9: {  	[sflag:s12] =	ssyncset.done $0x0  }
0xca: {  	[sflag:s12] =	ssyncadd.s32 $0xFFFFF800  }
0xcb: {  	_ =	swait.ge [sflag:s13], $0x800  }
0xcc: {  	[sflag:s13] =	ssyncset.done $0x0  }
0xcd: {  	s12 =	sadd.s32 $0x700, s9;
	[sflag:s13] =	ssyncadd.s32 $0xFFFFF800  }
0xce: {  	[hbm4b:s12+s2] =	stream.linear.scatter [tilespmem:s18], [sflag:$0xD], $0x800, $0x38;
	[tilespmem:$0x1D780] =	vst v63  }
0xcf: {  	s13 =	sadd.s32 $0x700, s10  }
0xd0: {  	[hbm4b:s13+s2] =	stream.linear.scatter [tilespmem:s19], [sflag:$0x12], $0x800, $0x38;
	[tilespmem:$0x1D780] =	vst v63  }
0xd1: {  	_ =	swait.ge [sflag:s14], $0x800  }
0xd2: {  	[sflag:s14] =	ssyncset.done $0x0  }
0xd3: {  	[sflag:s14] =	ssyncadd.s32 $0xFFFFF800  }
0xd4: {  	_ =	swait.ge [sflag:s7], $0x800  }
0xd5: {  	[sflag:s7] =	ssyncset.done $0x0  }
0xd6: {  	s14 =	simm.s32 $0xA0;
	[sflag:s7] =	ssyncadd.s32 $0xFFFFF800  }
0xd7: {  	[tilespmem:s16], [sflag:$0x1] =	stream.indirect.gather [spmem:s1], $0x80, s14, s7, $0xb8;
	[tilespmem:$0x1D780] =	vst v63  }
0xd8: {  	s16 =	simm.s32 $0x2820  }
0xd9: {  	[tilespmem:s17], [sflag:$0x6] =	stream.indirect.gather [spmem:s1], $0x80, s16, s7, $0xb8;
	[tilespmem:$0x1D780] =	vst v63  }
0xda: {  	_ =	swait.ge [sflag:s15], $0x800  }
0xdb: {  	[sflag:s15] =	ssyncset.done $0x0  }
0xdc: {  	[sflag:s15] =	ssyncadd.s32 $0xFFFFF800  }
0xdd: {  	_ =	swait.ge [sflag:s25], $0x800  }
0xde: {  	[sflag:s25] =	ssyncset.done $0x0  }
0xdf: {  	s17 =	sadd.s32 $0x800, s9;
	[sflag:s25] =	ssyncadd.s32 $0xFFFFF800  }
0xe0: {  	[hbm4b:s17+s2] =	stream.linear.scatter [tilespmem:s3], [sflag:$0xE], $0x800, $0x38;
	[tilespmem:$0x1D780] =	vst v63  }
0xe1: {  	s18 =	sadd.s32 $0x800, s10;
	s19 =	simm.s32 $0x8F00  }
0xe2: {  	[hbm4b:s18+s2] =	stream.linear.scatter [tilespmem:s19], [sflag:$0x13], $0x800, $0x38;
	[tilespmem:$0x1D780] =	vst v63  }
0xe3: {  	_ =	swait.ge [sflag:s4], $0x800  }
0xe4: {  	[sflag:s4] =	ssyncset.done $0x0  }
0xe5: {  	[sflag:s4] =	ssyncadd.s32 $0xFFFFF800  }
0xe6: {  	_ =	swait.ge [sflag:s26], $0x800  }
0xe7: {  	[sflag:s26] =	ssyncset.done $0x0  }
0xe8: {  	s22 =	simm.s32 $0xB0;
	[sflag:s26] =	ssyncadd.s32 $0xFFFFF800  }
0xe9: {  	[tilespmem:s20], [sflag:$0x2] =	stream.indirect.gather [spmem:s1], $0x80, s22, s7, $0xb8;
	[tilespmem:$0x1D780] =	vst v63  }
0xea: {  	s23 =	simm.s32 $0x2830  }
0xeb: {  	[tilespmem:s21], [sflag:$0x7] =	stream.indirect.gather [spmem:s1], $0x80, s23, s7, $0xb8;
	[tilespmem:$0x1D780] =	vst v63  }
0xec: {  	_ =	swait.ge [sflag:s28], $0x800  }
0xed: {  	[sflag:s28] =	ssyncset.done $0x0  }
0xee: {  	[sflag:s28] =	ssyncadd.s32 $0xFFFFF800  }
0xef: {  	_ =	swait.ge [sflag:s29], $0x800  }
0xf0: {  	[sflag:s29] =	ssyncset.done $0x0  }
0xf1: {  	s9 =	sadd.s32 $0x900, s9;
	[sflag:s29] =	ssyncadd.s32 $0xFFFFF800  }
0xf2: {  	[hbm4b:s9+s2] =	stream.linear.scatter [tilespmem:s0], [sflag:$0xF], $0x800, $0x38;
	[tilespmem:$0x1D780] =	vst v63  }
0xf3: {  	s11 =	sadd.s32 $0x900, s10;
	s10 =	simm.s32 $0x0;
	s9 =	simm.s32 $0x500  }
.LBB2_2:
0xf4: {  	s3 =	simm.s32 $0x9700  }
0xf5: {  	[hbm4b:s11+s2] =	stream.linear.scatter [tilespmem:s3], [sflag:$0x14], $0x800, $0x38;
	[tilespmem:$0x1D780] =	vst v63  }
0xf6: {  	_ =	swait.ge [sflag:s30], $0x800  }
0xf7: {  	[sflag:s30] =	ssyncset.done $0x0  }
0xf8: {  	[sflag:s30] =	ssyncadd.s32 $0xFFFFF800  }
0xf9: {  	s10 =	sadd.s32 $0x140, s10;
	_ =	swait.ge [sflag:s31], $0x800  }
0xfa: {  	s11 =	sshra.s32 s10, $0x2;
	[sflag:s31] =	ssyncset.done $0x0  }
0xfb: {  	s17 =	simm.s32 $0x5F00;
	s12 =	sadd.s32 $0x70, s11;
	[sflag:s31] =	ssyncadd.s32 $0xFFFFF800  }
0xfc: {  	[tilespmem:s17], [sflag:$0x3] =	stream.indirect.gather [spmem:s1], $0x80, s12, s7, $0xb8;
	[tilespmem:$0x1D780] =	vst v63  }
0xfd: {  	s21 =	simm.s32 $0x8700;
	s0 =	simm.s32 $0x1;
	s19 =	sadd.s32 $0x27F0, s11  }
0xfe: {  	[tilespmem:s21], [sflag:$0x8] =	stream.indirect.gather [spmem:s1], $0x80, s19, s7, $0xb8;
	[tilespmem:$0x1D780] =	vst v63  }
0xff: {  	_ =	swait.ge [sflag:s0], $0x800  }
0x100: {  	[sflag:s0] =	ssyncset.done $0x0  }
0x101: {  	s20 =	simm.s32 $0x6;
	[sflag:s0] =	ssyncadd.s32 $0xFFFFF800  }
0x102: {  	_ =	swait.ge [sflag:s20], $0x800  }
0x103: {  	s13 =	smov.u32 s9;
	s16 =	simm.s32 $0x4F00;
	s22 =	rddreg [dreg:$0x6]  }
0x104: {  	s14 =	rddreg [dreg:$0x7];
	[sflag:s20] =	ssyncset.done $0x0;
	s12 =	sadd.s32 s13, s22  }
0x105: {  	[sflag:s20] =	ssyncadd.s32 $0xFFFFF800;
	s13 =	sadd.s32 s13, s14;
	s15 =	sadd.s32 $0x500, s12  }
0x106: {  	[hbm4b:s15+s2] =	stream.linear.scatter [tilespmem:s16], [sflag:$0xB], $0x800, $0x38;
	[tilespmem:$0x1D780] =	vst v63  }
0x107: {  	s18 =	simm.s32 $0x7700;
	s14 =	sadd.s32 $0x500, s13  }
0x108: {  	[hbm4b:s14+s2] =	stream.linear.scatter [tilespmem:s18], [sflag:$0x10], $0x800, $0x38;
	[tilespmem:$0x1D780] =	vst v63  }
0x109: {  	_ =	swait.ge [sflag:s5], $0x800  }
0x10a: {  	[sflag:s5] =	ssyncset.done $0x0  }
0x10b: {  	[sflag:s5] =	ssyncadd.s32 $0xFFFFF800  }
0x10c: {  	_ =	swait.ge [sflag:s24], $0x800  }
0x10d: {  	[sflag:s24] =	ssyncset.done $0x0  }
0x10e: {  	s23 =	sadd.s32 $0x80, s11;
	s22 =	simm.s32 $0x6700;
	[sflag:s24] =	ssyncadd.s32 $0xFFFFF800  }
0x10f: {  	[tilespmem:s22], [sflag:$0x4] =	stream.indirect.gather [spmem:s1], $0x80, s23, s7, $0xb8;
	[tilespmem:$0x1D780] =	vst v63  }
0x110: {  	s0 =	sadd.s32 $0x2800, s11;
	s15 =	simm.s32 $0x2;
	s23 =	simm.s32 $0x8F00  }
0x111: {  	[tilespmem:s23], [sflag:$0x9] =	stream.indirect.gather [spmem:s1], $0x80, s0, s7, $0xb8;
	[tilespmem:$0x1D780] =	vst v63  }
0x112: {  	_ =	swait.ge [sflag:s15], $0x800  }
0x113: {  	[sflag:s15] =	ssyncset.done $0x0  }
0x114: {  	s19 =	simm.s32 $0x7;
	[sflag:s15] =	ssyncadd.s32 $0xFFFFF800  }
0x115: {  	_ =	swait.ge [sflag:s19], $0x800  }
0x116: {  	[sflag:s19] =	ssyncset.done $0x0  }
0x117: {  	s20 =	sadd.s32 $0x600, s12;
	[sflag:s19] =	ssyncadd.s32 $0xFFFFF800;
	s19 =	simm.s32 $0x5700  }
0x118: {  	[hbm4b:s20+s2] =	stream.linear.scatter [tilespmem:s19], [sflag:$0xC], $0x800, $0x38;
	[tilespmem:$0x1D780] =	vst v63  }
0x119: {  	s0 =	sadd.s32 $0x600, s13;
	s20 =	simm.s32 $0x7F00  }
0x11a: {  	[hbm4b:s0+s2] =	stream.linear.scatter [tilespmem:s20], [sflag:$0x11], $0x800, $0x38;
	[tilespmem:$0x1D780] =	vst v63  }
0x11b: {  	_ =	swait.ge [sflag:s6], $0x800  }
0x11c: {  	[sflag:s6] =	ssyncset.done $0x0  }
0x11d: {  	[sflag:s6] =	ssyncadd.s32 $0xFFFFF800  }
0x11e: {  	_ =	swait.ge [sflag:s8], $0x800  }
0x11f: {  	[sflag:s8] =	ssyncset.done $0x0  }
0x120: {  	s14 =	sadd.s32 $0x90, s11;
	s0 =	simm.s32 $0x6F00;
	[sflag:s8] =	ssyncadd.s32 $0xFFFFF800  }
0x121: {  	[tilespmem:s0], [sflag:$0x5] =	stream.indirect.gather [spmem:s1], $0x80, s14, s7, $0xb8;
	[tilespmem:$0x1D780] =	vst v63  }
0x122: {  	s15 =	sadd.s32 $0x2810, s11  }
0x123: {  	[tilespmem:s3], [sflag:$0xA] =	stream.indirect.gather [spmem:s1], $0x80, s15, s7, $0xb8;
	[tilespmem:$0x1D780] =	vst v63  }
0x124: {  	s15 =	simm.s32 $0x3  }
0x125: {  	_ =	swait.ge [sflag:s15], $0x800  }
0x126: {  	[sflag:s15] =	ssyncset.done $0x0  }
0x127: {  	s14 =	simm.s32 $0x8;
	[sflag:s15] =	ssyncadd.s32 $0xFFFFF800  }
0x128: {  	_ =	swait.ge [sflag:s14], $0x800  }
0x129: {  	[sflag:s14] =	ssyncset.done $0x0  }
0x12a: {  	s15 =	sadd.s32 $0x700, s12;
	[sflag:s14] =	ssyncadd.s32 $0xFFFFF800  }
0x12b: {  	[hbm4b:s15+s2] =	stream.linear.scatter [tilespmem:s17], [sflag:$0xD], $0x800, $0x38;
	[tilespmem:$0x1D780] =	vst v63  }
0x12c: {  	s3 =	sadd.s32 $0x700, s13;
	s17 =	simm.s32 $0xB  }
0x12d: {  	[hbm4b:s3+s2] =	stream.linear.scatter [tilespmem:s21], [sflag:$0x12], $0x800, $0x38;
	[tilespmem:$0x1D780] =	vst v63  }
0x12e: {  	_ =	swait.ge [sflag:s17], $0x800  }
0x12f: {  	[sflag:s17] =	ssyncset.done $0x0  }
0x130: {  	[sflag:s17] =	ssyncadd.s32 $0xFFFFF800  }
0x131: {  	_ =	swait.ge [sflag:s7], $0x800  }
0x132: {  	[sflag:s7] =	ssyncset.done $0x0  }
0x133: {  	s21 =	sadd.s32 $0xA0, s11;
	[sflag:s7] =	ssyncadd.s32 $0xFFFFF800  }
0x134: {  	[tilespmem:s16], [sflag:$0x1] =	stream.indirect.gather [spmem:s1], $0x80, s21, s7, $0xb8;
	[tilespmem:$0x1D780] =	vst v63  }
0x135: {  	s15 =	simm.s32 $0x4;
	s3 =	sadd.s32 $0x2820, s11  }
0x136: {  	[tilespmem:s18], [sflag:$0x6] =	stream.indirect.gather [spmem:s1], $0x80, s3, s7, $0xb8;
	[tilespmem:$0x1D780] =	vst v63  }
0x137: {  	_ =	swait.ge [sflag:s15], $0x800  }
0x138: {  	[sflag:s15] =	ssyncset.done $0x0  }
0x139: {  	[sflag:s15] =	ssyncadd.s32 $0xFFFFF800  }
0x13a: {  	_ =	swait.ge [sflag:s25], $0x800  }
0x13b: {  	[sflag:s25] =	ssyncset.done $0x0  }
0x13c: {  	s18 =	sadd.s32 $0x800, s12;
	[sflag:s25] =	ssyncadd.s32 $0xFFFFF800  }
0x13d: {  	[hbm4b:s18+s2] =	stream.linear.scatter [tilespmem:s22], [sflag:$0xE], $0x800, $0x38;
	[tilespmem:$0x1D780] =	vst v63  }
0x13e: {  	s21 =	sadd.s32 $0x800, s13  }
0x13f: {  	[hbm4b:s21+s2] =	stream.linear.scatter [tilespmem:s23], [sflag:$0x13], $0x800, $0x38;
	[tilespmem:$0x1D780] =	vst v63  }
0x140: {  	_ =	swait.ge [sflag:s4], $0x800  }
0x141: {  	[sflag:s4] =	ssyncset.done $0x0  }
0x142: {  	[sflag:s4] =	ssyncadd.s32 $0xFFFFF800  }
0x143: {  	_ =	swait.ge [sflag:s26], $0x800  }
0x144: {  	[sflag:s26] =	ssyncset.done $0x0  }
0x145: {  	s23 =	sadd.s32 $0xB0, s11;
	[sflag:s26] =	ssyncadd.s32 $0xFFFFF800  }
0x146: {  	[tilespmem:s19], [sflag:$0x2] =	stream.indirect.gather [spmem:s1], $0x80, s23, s7, $0xb8;
	[tilespmem:$0x1D780] =	vst v63  }
0x147: {  	s11 =	sadd.s32 $0x2830, s11  }
0x148: {  	[tilespmem:s20], [sflag:$0x7] =	stream.indirect.gather [spmem:s1], $0x80, s11, s7, $0xb8;
	[tilespmem:$0x1D780] =	vst v63  }
0x149: {  	_ =	swait.ge [sflag:s28], $0x800  }
0x14a: {  	p1 =	sne.s32 s9, $0x26200;
	[sflag:s28] =	ssyncset.done $0x0  }
.Ltmp0:
0x14b: {  	s9 =	sadd.s32 $0x500, s9;
	[sflag:s28] =	ssyncadd.s32 $0xFFFFF800;
	(pc) =	sbr.rel @p1 .LBB2_2-.Ltmp0, $4  }
0x14c: {  	s14 =	simm.s32 $0x7F00;
	s17 =	simm.s32 $0x4F00;
	_ =	swait.ge [sflag:s29], $0x800  }
0x14d: {  	s16 =	simm.s32 $0x7700;
	s12 =	sadd.s32 $0x900, s12;
	[sflag:s29] =	ssyncset.done $0x0  }
0x14e: {  	s15 =	simm.s32 $0x5700;
	s11 =	sadd.s32 $0x900, s13;
	[sflag:s29] =	ssyncadd.s32 $0xFFFFF800  }
0x14f: {  	[hbm4b:s12+s2] =	stream.linear.scatter [tilespmem:s0], [sflag:$0xF], $0x800, $0x38;
	[tilespmem:$0x1D780] =	vst v63  }
0x150: {  	s3 =	simm.s32 $0x9700  }
0x151: {  	[hbm4b:s11+s2] =	stream.linear.scatter [tilespmem:s3], [sflag:$0x14], $0x800, $0x38;
	[tilespmem:$0x1D780] =	vst v63  }
0x152: {  	_ =	swait.ge [sflag:s30], $0x800  }
0x153: {  	[sflag:s30] =	ssyncset.done $0x0  }
0x154: {  	[sflag:s30] =	ssyncadd.s32 $0xFFFFF800  }
0x155: {  	_ =	swait.ge [sflag:s31], $0x800  }
0x156: {  	[sflag:s31] =	ssyncset.done $0x0  }
0x157: {  	s10 =	simm.s32 $0x5F00;
	s0 =	simm.s32 $0x26E0;
	[sflag:s31] =	ssyncadd.s32 $0xFFFFF800  }
0x158: {  	[tilespmem:s10], [sflag:$0x3] =	stream.indirect.gather [spmem:s1], $0x80, s0, s7, $0xb8;
	[tilespmem:$0x1D780] =	vst v63  }
0x159: {  	s19 =	simm.s32 $0x4E60;
	s20 =	simm.s32 $0x1;
	s11 =	simm.s32 $0x8700  }
0x15a: {  	[tilespmem:s11], [sflag:$0x8] =	stream.indirect.gather [spmem:s1], $0x80, s19, s7, $0xb8;
	[tilespmem:$0x1D780] =	vst v63  }
0x15b: {  	_ =	swait.ge [sflag:s20], $0x800  }
0x15c: {  	[sflag:s20] =	ssyncset.done $0x0  }
0x15d: {  	s21 =	simm.s32 $0x6;
	[sflag:s20] =	ssyncadd.s32 $0xFFFFF800  }
0x15e: {  	_ =	swait.ge [sflag:s21], $0x800  }
0x15f: {  	[sflag:s21] =	ssyncset.done $0x0  }
0x160: {  	s9 =	rddreg [dreg:$0x12];
	[sflag:s21] =	ssyncadd.s32 $0xFFFFF800  }
0x161: {  	[hbm4b:s9+s2] =	stream.linear.scatter [tilespmem:s17], [sflag:$0xB], $0x800, $0x38;
	[tilespmem:$0x1D780] =	vst v63  }
0x162: {  	s22 =	rddreg [dreg:$0x13]  }
0x163: {  	[hbm4b:s22+s2] =	stream.linear.scatter [tilespmem:s16], [sflag:$0x10], $0x800, $0x38;
	[tilespmem:$0x1D780] =	vst v63  }
0x164: {  	_ =	swait.ge [sflag:s5], $0x800  }
0x165: {  	[sflag:s5] =	ssyncset.done $0x0  }
0x166: {  	[sflag:s5] =	ssyncadd.s32 $0xFFFFF800  }
0x167: {  	_ =	swait.ge [sflag:s24], $0x800  }
0x168: {  	[sflag:s24] =	ssyncset.done $0x0  }
0x169: {  	s12 =	simm.s32 $0x6700;
	s23 =	simm.s32 $0x26F0;
	[sflag:s24] =	ssyncadd.s32 $0xFFFFF800  }
0x16a: {  	[tilespmem:s12], [sflag:$0x4] =	stream.indirect.gather [spmem:s1], $0x80, s23, s7, $0xb8;
	[tilespmem:$0x1D780] =	vst v63  }
0x16b: {  	s13 =	simm.s32 $0x8F00;
	s9 =	simm.s32 $0x4E70;
	s16 =	simm.s32 $0x2  }
0x16c: {  	[tilespmem:s13], [sflag:$0x9] =	stream.indirect.gather [spmem:s1], $0x80, s9, s7, $0xb8;
	[tilespmem:$0x1D780] =	vst v63  }
0x16d: {  	_ =	swait.ge [sflag:s16], $0x800  }
0x16e: {  	[sflag:s16] =	ssyncset.done $0x0  }
0x16f: {  	s17 =	simm.s32 $0x7;
	[sflag:s16] =	ssyncadd.s32 $0xFFFFF800  }
0x170: {  	_ =	swait.ge [sflag:s17], $0x800  }
0x171: {  	[sflag:s17] =	ssyncset.done $0x0  }
0x172: {  	s18 =	rddreg [dreg:$0x14];
	[sflag:s17] =	ssyncadd.s32 $0xFFFFF800  }
0x173: {  	[hbm4b:s18+s2] =	stream.linear.scatter [tilespmem:s15], [sflag:$0xC], $0x800, $0x38;
	[tilespmem:$0x1D780] =	vst v63  }
0x174: {  	s19 =	rddreg [dreg:$0x15]  }
0x175: {  	[hbm4b:s19+s2] =	stream.linear.scatter [tilespmem:s14], [sflag:$0x11], $0x800, $0x38;
	[tilespmem:$0x1D780] =	vst v63  }
0x176: {  	_ =	swait.ge [sflag:s6], $0x800  }
0x177: {  	[sflag:s6] =	ssyncset.done $0x0  }
0x178: {  	[sflag:s6] =	ssyncadd.s32 $0xFFFFF800  }
0x179: {  	_ =	swait.ge [sflag:s8], $0x800  }
0x17a: {  	[sflag:s8] =	ssyncset.done $0x0  }
0x17b: {  	s0 =	simm.s32 $0x6F00;
	s20 =	simm.s32 $0x2700;
	[sflag:s8] =	ssyncadd.s32 $0xFFFFF800  }
0x17c: {  	[tilespmem:s0], [sflag:$0x5] =	stream.indirect.gather [spmem:s1], $0x80, s20, s7, $0xb8;
	[tilespmem:$0x1D780] =	vst v63  }
0x17d: {  	s21 =	simm.s32 $0x4E80;
	s22 =	simm.s32 $0x3  }
0x17e: {  	[tilespmem:s3], [sflag:$0xA] =	stream.indirect.gather [spmem:s1], $0x80, s21, s7, $0xb8;
	[tilespmem:$0x1D780] =	vst v63  }
0x17f: {  	_ =	swait.ge [sflag:s22], $0x800  }
0x180: {  	[sflag:s22] =	ssyncset.done $0x0  }
0x181: {  	s23 =	simm.s32 $0x8;
	[sflag:s22] =	ssyncadd.s32 $0xFFFFF800  }
0x182: {  	_ =	swait.ge [sflag:s23], $0x800  }
0x183: {  	[sflag:s23] =	ssyncset.done $0x0  }
0x184: {  	s14 =	rddreg [dreg:$0x16];
	[sflag:s23] =	ssyncadd.s32 $0xFFFFF800  }
0x185: {  	[hbm4b:s14+s2] =	stream.linear.scatter [tilespmem:s10], [sflag:$0xD], $0x800, $0x38;
	[tilespmem:$0x1D780] =	vst v63  }
0x186: {  	s16 =	simm.s32 $0xB;
	s15 =	rddreg [dreg:$0x17]  }
0x187: {  	[hbm4b:s15+s2] =	stream.linear.scatter [tilespmem:s11], [sflag:$0x12], $0x800, $0x38;
	[tilespmem:$0x1D780] =	vst v63  }
0x188: {  	_ =	swait.ge [sflag:s16], $0x800  }
0x189: {  	[sflag:s16] =	ssyncset.done $0x0  }
0x18a: {  	[sflag:s16] =	ssyncadd.s32 $0xFFFFF800  }
0x18b: {  	_ =	swait.ge [sflag:s7], $0x800  }
0x18c: {  	[sflag:s7] =	ssyncset.done $0x0  }
0x18d: {  	s17 =	simm.s32 $0x4;
	[sflag:s7] =	ssyncadd.s32 $0xFFFFF800  }
0x18e: {  	_ =	swait.ge [sflag:s17], $0x800  }
0x18f: {  	[sflag:s17] =	ssyncset.done $0x0  }
0x190: {  	[sflag:s17] =	ssyncadd.s32 $0xFFFFF800  }
0x191: {  	_ =	swait.ge [sflag:s25], $0x800  }
0x192: {  	[sflag:s25] =	ssyncset.done $0x0  }
0x193: {  	s18 =	rddreg [dreg:$0x18];
	[sflag:s25] =	ssyncadd.s32 $0xFFFFF800  }
0x194: {  	[hbm4b:s18+s2] =	stream.linear.scatter [tilespmem:s12], [sflag:$0xE], $0x800, $0x38;
	[tilespmem:$0x1D780] =	vst v63  }
0x195: {  	s19 =	rddreg [dreg:$0x19]  }
0x196: {  	[hbm4b:s19+s2] =	stream.linear.scatter [tilespmem:s13], [sflag:$0x13], $0x800, $0x38;
	[tilespmem:$0x1D780] =	vst v63  }
0x197: {  	_ =	swait.ge [sflag:s4], $0x800  }
0x198: {  	[sflag:s4] =	ssyncset.done $0x0  }
0x199: {  	[sflag:s4] =	ssyncadd.s32 $0xFFFFF800  }
0x19a: {  	_ =	swait.ge [sflag:s26], $0x800  }
0x19b: {  	[sflag:s26] =	ssyncset.done $0x0  }
0x19c: {  	[sflag:s26] =	ssyncadd.s32 $0xFFFFF800  }
0x19d: {  	_ =	swait.ge [sflag:s28], $0x800  }
0x19e: {  	[sflag:s28] =	ssyncset.done $0x0  }
0x19f: {  	[sflag:s28] =	ssyncadd.s32 $0xFFFFF800  }
0x1a0: {  	_ =	swait.ge [sflag:s29], $0x800  }
0x1a1: {  	[sflag:s29] =	ssyncset.done $0x0  }
0x1a2: {  	s20 =	rddreg [dreg:$0x1a];
	[sflag:s29] =	ssyncadd.s32 $0xFFFFF800  }
0x1a3: {  	[hbm4b:s20+s2] =	stream.linear.scatter [tilespmem:s0], [sflag:$0xF], $0x800, $0x38;
	[tilespmem:$0x1D780] =	vst v63  }
0x1a4: {  	s21 =	rddreg [dreg:$0x1b]  }
0x1a5: {  	[hbm4b:s21+s2] =	stream.linear.scatter [tilespmem:s3], [sflag:$0x14], $0x800, $0x38;
	[tilespmem:$0x1D780] =	vst v63  }
0x1a6: {  	_ =	swait.ge [sflag:s30], $0x800  }
0x1a7: {  	[sflag:s30] =	ssyncset.done $0x0  }
0x1a8: {  	[sflag:s30] =	ssyncadd.s32 $0xFFFFF800  }
0x1a9: {  	_ =	swait.ge [sflag:s31], $0x800  }
0x1aa: {  	[sflag:s31] =	ssyncset.done $0x0  }
0x1ab: {  	[sflag:s31] =	ssyncadd.s32 $0xFFFFF800  }
0x1ac: {  	_ =	swait.ge [sflag:s5], $0x800  }
0x1ad: {  	[sflag:s5] =	ssyncset.done $0x0  }
0x1ae: {  	[sflag:s5] =	ssyncadd.s32 $0xFFFFF800  }
0x1af: {  	_ =	swait.ge [sflag:s24], $0x800  }
0x1b0: {  	[sflag:s24] =	ssyncset.done $0x0  }
0x1b1: {  	[sflag:s24] =	ssyncadd.s32 $0xFFFFF800  }
0x1b2: {  	_ =	swait.ge [sflag:s6], $0x800  }
0x1b3: {  	[sflag:s6] =	ssyncset.done $0x0  }
0x1b4: {  	[sflag:s6] =	ssyncadd.s32 $0xFFFFF800  }
0x1b5: {  	_ =	swait.ge [sflag:s8], $0x800  }
0x1b6: {  	s22 =	sld [smem:$0x7F9]  }
0x1b7: {  	s23 =	sld [smem:$0x7FB];
	_ =	sdelay $0x1  }
0x1b8: {  	s0 =	sadd.s32 $0x1, s22  }
0x1b9: {  	p1 =	sne.s32 s0, s23  }
.Ltmp1:
0x1ba: {  	_ = 	snop;
	(pc) =	sbr.rel @p1 .LBB2_1-.Ltmp1, $3  }
0x1bb: {  	_ =	sdelay $0x1  }
0x1bc: {  	[sflag:s8] =	ssyncset.done $0x0  }
0x1bd: {  	[sflag:s8] =	ssyncadd.s32 $0xFFFFF800  }
0x1be: {  	_ =	sfence.sel $0x180000  }
0x1bf: {  	[bflag:$0x0] =	sbarrier.arrive $0xFFFF  }
0x1c0: {  	_ =	strace $0x90000047  }
0x1c1: {  	[bflag:$0x2] =	sbarrier.arrive $0xFFFF  }
0x1c2: {  	s0 =	rddreg [dreg:$0x5]  }
0x1c3: {  	s0 =	sadd.s32 @!p0 $0x100000, s0  }
0x1c4: {  	[sflag:s0] =	ssyncadd.tile.s32 @!p0 $0x1;
	_ =	shalt  }
.Lfunc_end2:
_tile_overlayer_lowered:
.L_overlay_start_2:
0x1c5: {  	(tag) =	ssettag $0x2  }
0x1c6: {  	s0 =	rddreg [dreg:$0x0];
	s2 =	stileid.u32  }
0x1c7: {  	s1 =	rddreg [dreg:$0x1];
	p0 =	sne.s32 s2, $0x0  }
0x1c8: {  	s3 =	rddreg [dreg:$0x2];
	[bflag:$0x3] =	sbarrier.arrive $0xFFFF;
	s2 =	simm.s32 @!p0 $0x1C17  }
0x1c9: {  	[timem:s3], [sflag:s2] =	dma.local @!p0 [hbm:s0], s1  }
0x1ca: {  	s0 =	simm.s32 @!p0 $0x17  }
0x1cb: {  	_ =	swait.ge @!p0 [sflag:s0], s1  }
0x1cc: {  	s1 =	ssub.s32 @!p0 $0x0, s1;
	[sflag:s0] =	ssyncset.done @!p0 $0x0  }
0x1cd: {  	[sflag:s0] =	ssyncadd.s32 @!p0 s1  }
0x1ce: {  	[bflag:$0x3] =	sbarrier.arrive $0xFFFF  }
0x1cf: {  	_ =	shalt  }

</sc_bundles>
